<compile_context>
chip_gen: v7x
topology: tpu7x:2x2x1
jax: 0.10.2.dev20260603
libtpu: 0.0.44.dev20260713+nightly
codegen_flags: <defaults>
</compile_context>

<pallas_src>
import jax
import jax.numpy as jnp
from jax import lax
from jax.experimental import pallas as pl
from jax.experimental.pallas import tpu as pltpu
from jax.experimental.pallas import tpu_sc as plsc

PW = 0.5
BN, C, HP = 48, 2, 64
B, H = 2, 160
NPB = BN // B
PLANES = B * C * H
NW = 32
PPW = PLANES // NW
L = 16
NPLB = 2
NPAB = 5
RU = 4
SU = 2
KP = HP // L
KH = H // L


def _sc_body(patches_hbm, vol_hbm, off_hbm, out_hbm, plane_v, patch_v, off_t,
             off_s, wl_s, wl_start, load_sem, store_sem, patch_sem):
    wid = lax.axis_index("s") * 2 + lax.axis_index("c")
    pltpu.sync_copy(off_hbm, off_t)
    lane = lax.iota(jnp.int32, L)

    def extract_body(i, carry):
        for k in range(3):
            ii = jnp.full((L,), i * 3 + k, jnp.int32)
            v = plsc.load_gather(off_t, [ii])
            off_s[i * 3 + k] = jnp.max(v)
        return carry

    lax.fori_loop(0, BN, extract_body, 0)

    def decode(t):
        p = t * NW + wid
        return p // (C * H), (p // H) % C, p % H

    def build_wl(t, g):
        b, c, h = decode(t)
        wl_start[t] = g

        def wl_body(j, g):
            i = b * NPB + j
            dh = h - off_s[i * 3]
            cond = (dh >= 0) & (dh < HP)

            @pl.when(cond)
            def _():
                wl_s[g] = i | (dh << 6) | (c << 12)

            return g + cond.astype(jnp.int32)

        return lax.fori_loop(0, NPB, wl_body, g)

    ng = lax.fori_loop(0, PPW, build_wl, 0)
    wl_start[PPW] = ng

    def issue_patch(g):
        w = wl_s[g]
        i = w & 63
        dh = (w >> 6) & 63
        c = w >> 12
        pltpu.async_copy(patches_hbm.at[i, c, dh],
                         patch_v.at[lax.rem(g, NPAB)],
                         patch_sem.at[lax.rem(g, NPAB)])

    for g0 in range(NPAB - 1):
        @pl.when(g0 < ng)
        def _():
            issue_patch(g0)

    def issue_load(t):
        b, c, h = decode(t)
        pltpu.async_copy(vol_hbm.at[b, c, h], plane_v.at[t % NPLB],
                         load_sem.at[t % NPLB])

    for t0 in range(NPLB - 1):
        issue_load(t0)

    def iter_body(t, carry):
        buf = lax.rem(t, NPLB)
        b, c, h = decode(t)
        g_end = wl_start[t + 1]

        pltpu.make_async_copy(vol_hbm.at[b, c, h], plane_v.at[buf],
                              load_sem.at[buf]).wait()

        def patch_body(u, carry):
            pb = lax.rem(u, NPAB)
            w = wl_s[u]
            i = w & 63
            dh = (w >> 6) & 63

            @pl.when(u + NPAB - 1 < ng)
            def _():
                issue_patch(u + NPAB - 1)

            pltpu.make_async_copy(patches_hbm.at[i, c, dh], patch_v.at[pb],
                                  patch_sem.at[pb]).wait()

            s1 = off_s[i * 3 + 1]
            s2 = off_s[i * 3 + 2]
            cols = tuple(lane + (s2 + k * L) for k in range(KP))
            row0 = jnp.full((L,), s1, jnp.int32)

            def row_body(q, row_vec):
                r = q * RU
                xs = [patch_v[pb, r + rr, pl.ds(k * L, L)]
                      for rr in range(RU) for k in range(KP)]
                for rr in range(RU):
                    rv = row_vec + rr if rr else row_vec
                    for k in range(KP):
                        plsc.addupdate_scatter(plane_v.at[buf],
                                               [rv, cols[k]],
                                               xs[rr * KP + k])
                return row_vec + RU

            lax.fori_loop(0, HP // RU, row_body, row0)
            return carry

        lax.fori_loop(wl_start[t], g_end, patch_body, 0)

        @pl.when(t + NPLB - 1 < PPW)
        def _():
            nbuf = lax.rem(t + NPLB - 1, NPLB)

            @pl.when(t >= 1)
            def _():
                bp, cp, hp_ = decode(t - 1)
                pltpu.make_async_copy(plane_v.at[nbuf],
                                      out_hbm.at[bp, cp, hp_],
                                      store_sem.at[nbuf]).wait()

            issue_load(t + NPLB - 1)

        def scale_body(q, cc):
            r = q * SU
            xs = [plane_v[buf, r + rr, pl.ds(k * L, L)] * PW
                  for rr in range(SU) for k in range(KH)]
            for rr in range(SU):
                for k in range(KH):
                    plane_v[buf, r + rr, pl.ds(k * L, L)] = xs[rr * KH + k]
            return cc

        lax.fori_loop(0, H // SU, scale_body, 0)
        pltpu.async_copy(plane_v.at[buf], out_hbm.at[b, c, h],
                         store_sem.at[buf])
        return carry

    lax.fori_loop(0, PPW, iter_body, 0)

    for t in range(PPW - NPLB, PPW):
        b, c, h = decode(t)
        pltpu.make_async_copy(plane_v.at[t % NPLB], out_hbm.at[b, c, h],
                              store_sem.at[t % NPLB]).wait()


@jax.jit
def kernel(patches, vol, offsets):
    mesh = plsc.VectorSubcoreMesh(core_axis_name="c", subcore_axis_name="s")
    run = pl.kernel(
        _sc_body,
        out_type=jax.ShapeDtypeStruct((B, C, H, H, H), jnp.float32),
        mesh=mesh,
        scratch_types=[
            pltpu.VMEM((NPLB, H, H), jnp.float32),
            pltpu.VMEM((NPAB, HP, HP), jnp.float32),
            pltpu.VMEM((BN * 3,), jnp.int32),
            pltpu.SMEM((BN * 3,), jnp.int32),
            pltpu.SMEM((NPB * PPW,), jnp.int32),
            pltpu.SMEM((PPW + 1,), jnp.int32),
            pltpu.SemaphoreType.DMA((NPLB,)),
            pltpu.SemaphoreType.DMA((NPLB,)),
            pltpu.SemaphoreType.DMA((NPAB,)),
        ],
        compiler_params=pltpu.CompilerParams(
            use_tc_tiling_on_sc=True, needs_layout_passes=False),
    )
    return run(patches, vol, offsets.reshape(-1))

# --- scband reference (transcript-rebuilt; emitter-appended) ---
"""Pipeline reference for scband-patch-inferer-31920196944414 (READ-ONLY COPY).

The authoritative reference and input builder live on the scoring server;
editing this copy changes nothing except your own understanding.
"""

import jax, jax.numpy as jnp
import numpy as np

PATCH_WEIGHT = 0.5
BN, C, HP = 48, 2, 64
B, H = 2, 160
NUM_PER_BATCH = BN // B


def setup_inputs(seed: int = 0) -> dict:
    key = jax.random.key(seed)
    k1, k2, k3 = jax.random.split(key, 3)
    patches = jax.random.normal(k1, (BN, C, HP, HP, HP), dtype=jnp.float32)
    vol = jax.random.normal(k2, (B, C, H, H, H), dtype=jnp.float32)
    # crop start offsets (lower bound of each patch slice), in-bounds: [0, H - HP)
    offsets = jax.random.randint(k3, (BN, 3), 0, H - HP, dtype=jnp.int32)
    return {"patches": patches, "vol": vol, "offsets": offsets}


def reference(patches, vol, offsets):
    pw = PATCH_WEIGHT
    # original code builds a gaussian importance map then overwrites it with ones
    w_t = jnp.ones((1, 1, HP, HP, HP), dtype=vol.dtype)
    new_vol = vol * (1.0 - pw)
    for i in range(BN):
        batch_index = i // NUM_PER_BATCH
        s0 = offsets[i, 0].astype(jnp.int32)
        s1 = offsets[i, 1].astype(jnp.int32)
        s2 = offsets[i, 2].astype(jnp.int32)
        start = (jnp.int32(batch_index), jnp.int32(0), s0, s1, s2)
        cur = jax.lax.dynamic_slice(new_vol, start, (1, C, HP, HP, HP))
        upd = cur + w_t * patches[i][None] * pw
        new_vol = jax.lax.dynamic_update_slice(new_vol, upd, start)
    return new_vol

if __name__ == "__main__":
    import jax
    _d = setup_inputs()
    print(jax.jit(kernel)(*tuple(_d.values())))

</pallas_src>

<mosaic_0001>
#map = affine_map<(d0, d1) -> (0, 0, 0, 0, 0)>
#map1 = affine_map<(d0, d1) -> (0)>
module attributes {stable_mosaic.version = 14 : i64} {
  func.func @_sc_body(%arg0: i32, %arg1: i32, %arg2: memref<48x2x64x64x64xf32, #tpu.memory_space<hbm>>, %arg3: memref<2x2x160x160x160xf32, #tpu.memory_space<hbm>>, %arg4: memref<144xi32, #tpu.memory_space<hbm>>, %arg5: memref<2x2x160x160x160xf32, #tpu.memory_space<hbm>>, %arg6: memref<2x160x160xf32, #tpu.memory_space<vmem>>, %arg7: memref<5x64x64xf32, #tpu.memory_space<vmem>>, %arg8: memref<144xi32, #tpu.memory_space<vmem>>, %arg9: memref<144xi32, #tpu.memory_space<smem>>, %arg10: memref<480xi32, #tpu.memory_space<smem>>, %arg11: memref<21xi32, #tpu.memory_space<smem>>, %arg12: memref<2x!tpu.dma_semaphore, #tpu.memory_space<semaphore_mem>>, %arg13: memref<2x!tpu.dma_semaphore, #tpu.memory_space<semaphore_mem>>, %arg14: memref<5x!tpu.dma_semaphore, #tpu.memory_space<semaphore_mem>>) attributes {dimension_semantics = [#tpu.dimension_semantics<core_parallel>, #tpu.dimension_semantics<subcore_parallel>], iteration_bounds = array<i64: 2, 16>, scalar_prefetch = 0 : i64, scratch_operands = 9 : i64, tpu.core_type = #tpu.core_type<sc_vector_subcore>, window_params = [{transform_indices = #map}, {transform_indices = #map}, {transform_indices = #map1}, {transform_indices = #map}]} {
    %mul3A = arith.constant 2 : i32
    %mul3A_0 = arith.muli %arg1, %mul3A : i32
    %add3A = arith.addi %mul3A_0, %arg0 : i32
    "tpu.region"() ({
      %run_scoped3A = tpu.sem_alloc : memref<!tpu.dma_semaphore, #tpu.memory_space<semaphore_mem>>
      tpu.enqueue_dma source(%arg4 : memref<144xi32, #tpu.memory_space<hbm>>) target(%arg8 : memref<144xi32, #tpu.memory_space<vmem>>) target_semaphore(%run_scoped3A : memref<!tpu.dma_semaphore, #tpu.memory_space<semaphore_mem>>)
      tpu.wait_dma2 semaphore(%run_scoped3A : memref<!tpu.dma_semaphore, #tpu.memory_space<semaphore_mem>>) src(%arg4 : memref<144xi32, #tpu.memory_space<hbm>>) dst(%arg8 : memref<144xi32, #tpu.memory_space<vmem>>)
      tpu.yield
    }) : () -> ()
    %iota3A = tpu.iota {dimensions = array<i32: 0>} : vector<16xi32>
    %scan3A = arith.constant 0 : i32
    %scan3A_1 = arith.constant 0 : i32
    %scan3A_2 = arith.constant 48 : i32
    %scan3A_3 = arith.addi %scan3A_1, %scan3A_2 : i32
    %scan3A_4 = arith.constant 1 : i32
    scf.for %scan3A_332 = %scan3A_1 to %scan3A_3 step %scan3A_4  : i32 {
      %mul3A_333 = arith.constant 3 : i32
      %mul3A_334 = arith.muli %scan3A_332, %mul3A_333 : i32
      %add3A_335 = arith.constant 0 : i32
      %add3A_336 = arith.addi %mul3A_334, %add3A_335 : i32
      %broadcast_in_dim3A = vector.broadcast %add3A_336 : i32 to vector<16xi32>
      %gather3A = tpu.vector_load_idx %arg8[%broadcast_in_dim3A] : memref<144xi32, #tpu.memory_space<vmem>>[vector<16xi32>], vector<16xi32>,
      %reduce_max3A = arith.constant true
      %reduce_max3A_337 = vector.broadcast %reduce_max3A : i1 to vector<16xi1>
      %reduce_max3A_338 = arith.constant -2147483648 : i32
      %reduce_max3A_339 = vector.broadcast %reduce_max3A_338 : i32 to vector<16xi32>
      %reduce_max3A_340 = arith.xori %gather3A, %reduce_max3A_339 : vector<16xi32>
      %reduce_max3A_341 = tpu.scan <max>, %reduce_max3A_340 masked %reduce_max3A_337 : vector<16xi32>, vector<16xi1> -> vector<16xi32>
      %reduce_max3A_342 = arith.xori %reduce_max3A_341, %reduce_max3A_339 : vector<16xi32>
      %reduce_max3A_343 = vector.extract %reduce_max3A_342[15] : i32 from vector<16xi32>
      %mul3A_344 = arith.constant 3 : i32
      %mul3A_345 = arith.muli %scan3A_332, %mul3A_344 : i32
      %add3A_346 = arith.constant 0 : i32
      %add3A_347 = arith.addi %mul3A_345, %add3A_346 : i32
      %swap3A_348 = arith.index_cast %add3A_347 : i32 to index
      %swap3A_349 = memref.load %arg9[%swap3A_348] : memref<144xi32, #tpu.memory_space<smem>>
      memref.store %reduce_max3A_343, %arg9[%swap3A_348] : memref<144xi32, #tpu.memory_space<smem>>
      %mul3A_350 = arith.constant 3 : i32
      %mul3A_351 = arith.muli %scan3A_332, %mul3A_350 : i32
      %add3A_352 = arith.constant 1 : i32
      %add3A_353 = arith.addi %mul3A_351, %add3A_352 : i32
      %broadcast_in_dim3A_354 = vector.broadcast %add3A_353 : i32 to vector<16xi32>
      %gather3A_355 = tpu.vector_load_idx %arg8[%broadcast_in_dim3A_354] : memref<144xi32, #tpu.memory_space<vmem>>[vector<16xi32>], vector<16xi32>,
      %reduce_max3A_356 = arith.constant true
      %reduce_max3A_357 = vector.broadcast %reduce_max3A_356 : i1 to vector<16xi1>
      %reduce_max3A_358 = arith.constant -2147483648 : i32
      %reduce_max3A_359 = vector.broadcast %reduce_max3A_358 : i32 to vector<16xi32>
      %reduce_max3A_360 = arith.xori %gather3A_355, %reduce_max3A_359 : vector<16xi32>
      %reduce_max3A_361 = tpu.scan <max>, %reduce_max3A_360 masked %reduce_max3A_357 : vector<16xi32>, vector<16xi1> -> vector<16xi32>
      %reduce_max3A_362 = arith.xori %reduce_max3A_361, %reduce_max3A_359 : vector<16xi32>
      %reduce_max3A_363 = vector.extract %reduce_max3A_362[15] : i32 from vector<16xi32>
      %mul3A_364 = arith.constant 3 : i32
      %mul3A_365 = arith.muli %scan3A_332, %mul3A_364 : i32
      %add3A_366 = arith.constant 1 : i32
      %add3A_367 = arith.addi %mul3A_365, %add3A_366 : i32
      %swap3A_368 = arith.index_cast %add3A_367 : i32 to index
      %swap3A_369 = memref.load %arg9[%swap3A_368] : memref<144xi32, #tpu.memory_space<smem>>
      memref.store %reduce_max3A_363, %arg9[%swap3A_368] : memref<144xi32, #tpu.memory_space<smem>>
      %mul3A_370 = arith.constant 3 : i32
      %mul3A_371 = arith.muli %scan3A_332, %mul3A_370 : i32
      %add3A_372 = arith.constant 2 : i32
      %add3A_373 = arith.addi %mul3A_371, %add3A_372 : i32
      %broadcast_in_dim3A_374 = vector.broadcast %add3A_373 : i32 to vector<16xi32>
      %gather3A_375 = tpu.vector_load_idx %arg8[%broadcast_in_dim3A_374] : memref<144xi32, #tpu.memory_space<vmem>>[vector<16xi32>], vector<16xi32>,
      %reduce_max3A_376 = arith.constant true
      %reduce_max3A_377 = vector.broadcast %reduce_max3A_376 : i1 to vector<16xi1>
      %reduce_max3A_378 = arith.constant -2147483648 : i32
      %reduce_max3A_379 = vector.broadcast %reduce_max3A_378 : i32 to vector<16xi32>
      %reduce_max3A_380 = arith.xori %gather3A_375, %reduce_max3A_379 : vector<16xi32>
      %reduce_max3A_381 = tpu.scan <max>, %reduce_max3A_380 masked %reduce_max3A_377 : vector<16xi32>, vector<16xi1> -> vector<16xi32>
      %reduce_max3A_382 = arith.xori %reduce_max3A_381, %reduce_max3A_379 : vector<16xi32>
      %reduce_max3A_383 = vector.extract %reduce_max3A_382[15] : i32 from vector<16xi32>
      %mul3A_384 = arith.constant 3 : i32
      %mul3A_385 = arith.muli %scan3A_332, %mul3A_384 : i32
      %add3A_386 = arith.constant 2 : i32
      %add3A_387 = arith.addi %mul3A_385, %add3A_386 : i32
      %swap3A_388 = arith.index_cast %add3A_387 : i32 to index
      %swap3A_389 = memref.load %arg9[%swap3A_388] : memref<144xi32, #tpu.memory_space<smem>>
      memref.store %reduce_max3A_383, %arg9[%swap3A_388] : memref<144xi32, #tpu.memory_space<smem>>
    }
    %scan3A_5 = arith.constant 48 : i32
    %scan3A_6 = arith.constant 0 : i32
    %scan3A_7 = arith.constant 0 : i32
    %scan3A_8 = arith.constant 20 : i32
    %scan3A_9 = arith.addi %scan3A_7, %scan3A_8 : i32
    %scan3A_10 = arith.constant 1 : i32
    %scan3A_11 = scf.for %scan3A_332 = %scan3A_7 to %scan3A_9 step %scan3A_10 iter_args(%scan3A_333 = %scan3A_6) -> (i32)  : i32 {
      %mul3A_334 = arith.constant 32 : i32
      %mul3A_335 = arith.muli %scan3A_332, %mul3A_334 : i32
      %add3A_336 = arith.addi %mul3A_335, %add3A : i32
      %jit3A_337 = arith.constant 320 : i32
      %div3A_338 = arith.divsi %add3A_336, %jit3A_337 : i32
      %sign3A_339 = arith.constant 0 : i32
      %sign3A_340 = arith.cmpi sgt, %add3A_336, %sign3A_339 : i32
      %sign3A_341 = arith.extui %sign3A_340 : i1 to i32
      %sign3A_342 = arith.constant 0 : i32
      %sign3A_343 = arith.cmpi slt, %add3A_336, %sign3A_342 : i32
      %sign3A_344 = arith.extui %sign3A_343 : i1 to i32
      %sign3A_345 = arith.subi %sign3A_341, %sign3A_344 : i32
      %sign3A_346 = arith.constant 0 : i32
      %sign3A_347 = arith.cmpi sgt, %jit3A_337, %sign3A_346 : i32
      %sign3A_348 = arith.extui %sign3A_347 : i1 to i32
      %sign3A_349 = arith.constant 0 : i32
      %sign3A_350 = arith.cmpi slt, %jit3A_337, %sign3A_349 : i32
      %sign3A_351 = arith.extui %sign3A_350 : i1 to i32
      %sign3A_352 = arith.subi %sign3A_348, %sign3A_351 : i32
      %ne3A_353 = arith.cmpi ne, %sign3A_345, %sign3A_352 : i32
      %rem3A_354 = arith.remsi %add3A_336, %jit3A_337 : i32
      %ne3A_355 = arith.constant 0 : i32
      %ne3A_356 = arith.cmpi ne, %rem3A_354, %ne3A_355 : i32
      %and3A_357 = arith.andi %ne3A_353, %ne3A_356 : i1
      %sub3A_358 = arith.constant 1 : i32
      %sub3A_359 = arith.subi %div3A_338, %sub3A_358 : i32
      %select_n3A_360 = arith.select %and3A_357, %sub3A_359, %div3A_338 : i32
      %jit3A_361 = arith.constant 160 : i32
      %div3A_362 = arith.divsi %add3A_336, %jit3A_361 : i32
      %sign3A_363 = arith.constant 0 : i32
      %sign3A_364 = arith.cmpi sgt, %add3A_336, %sign3A_363 : i32
      %sign3A_365 = arith.extui %sign3A_364 : i1 to i32
      %sign3A_366 = arith.constant 0 : i32
      %sign3A_367 = arith.cmpi slt, %add3A_336, %sign3A_366 : i32
      %sign3A_368 = arith.extui %sign3A_367 : i1 to i32
      %sign3A_369 = arith.subi %sign3A_365, %sign3A_368 : i32
      %sign3A_370 = arith.constant 0 : i32
      %sign3A_371 = arith.cmpi sgt, %jit3A_361, %sign3A_370 : i32
      %sign3A_372 = arith.extui %sign3A_371 : i1 to i32
      %sign3A_373 = arith.constant 0 : i32
      %sign3A_374 = arith.cmpi slt, %jit3A_361, %sign3A_373 : i32
      %sign3A_375 = arith.extui %sign3A_374 : i1 to i32
      %sign3A_376 = arith.subi %sign3A_372, %sign3A_375 : i32
      %ne3A_377 = arith.cmpi ne, %sign3A_369, %sign3A_376 : i32
      %rem3A_378 = arith.remsi %add3A_336, %jit3A_361 : i32
      %ne3A_379 = arith.constant 0 : i32
      %ne3A_380 = arith.cmpi ne, %rem3A_378, %ne3A_379 : i32
      %and3A_381 = arith.andi %ne3A_377, %ne3A_380 : i1
      %sub3A_382 = arith.constant 1 : i32
      %sub3A_383 = arith.subi %div3A_362, %sub3A_382 : i32
      %select_n3A_384 = arith.select %and3A_381, %sub3A_383, %div3A_362 : i32
      %jit3A_385 = arith.constant 2 : i32
      %eq3A_386 = arith.constant 0 : i32
      %eq3A_387 = arith.cmpi eq, %jit3A_385, %eq3A_386 : i32
      %jit3A_388 = arith.constant 1 : i32
      %select_n3A_389 = arith.select %eq3A_387, %jit3A_388, %jit3A_385 : i32
      %rem3A_390 = arith.remsi %select_n3A_384, %select_n3A_389 : i32
      %ne3A_391 = arith.constant 0 : i32
      %ne3A_392 = arith.cmpi ne, %rem3A_390, %ne3A_391 : i32
      %lt3A_393 = arith.constant 0 : i32
      %lt3A_394 = arith.cmpi slt, %rem3A_390, %lt3A_393 : i32
      %lt3A_395 = arith.constant 0 : i32
      %lt3A_396 = arith.cmpi slt, %select_n3A_389, %lt3A_395 : i32
      %ne3A_397 = arith.xori %lt3A_394, %lt3A_396 : i1
      %and3A_398 = arith.andi %ne3A_397, %ne3A_392 : i1
      %add3A_399 = arith.addi %rem3A_390, %select_n3A_389 : i32
      %select_n3A_400 = arith.select %and3A_398, %add3A_399, %rem3A_390 : i32
      %jit3A_401 = arith.constant 160 : i32
      %eq3A_402 = arith.constant 0 : i32
      %eq3A_403 = arith.cmpi eq, %jit3A_401, %eq3A_402 : i32
      %jit3A_404 = arith.constant 1 : i32
      %select_n3A_405 = arith.select %eq3A_403, %jit3A_404, %jit3A_401 : i32
      %rem3A_406 = arith.remsi %add3A_336, %select_n3A_405 : i32
      %ne3A_407 = arith.constant 0 : i32
      %ne3A_408 = arith.cmpi ne, %rem3A_406, %ne3A_407 : i32
      %lt3A_409 = arith.constant 0 : i32
      %lt3A_410 = arith.cmpi slt, %rem3A_406, %lt3A_409 : i32
      %lt3A_411 = arith.constant 0 : i32
      %lt3A_412 = arith.cmpi slt, %select_n3A_405, %lt3A_411 : i32
      %ne3A_413 = arith.xori %lt3A_410, %lt3A_412 : i1
      %and3A_414 = arith.andi %ne3A_413, %ne3A_408 : i1
      %add3A_415 = arith.addi %rem3A_406, %select_n3A_405 : i32
      %select_n3A_416 = arith.select %and3A_414, %add3A_415, %rem3A_406 : i32
      %swap3A_417 = arith.index_cast %scan3A_332 : i32 to index
      %swap3A_418 = memref.load %arg11[%swap3A_417] : memref<21xi32, #tpu.memory_space<smem>>
      memref.store %scan3A_333, %arg11[%swap3A_417] : memref<21xi32, #tpu.memory_space<smem>>
      %scan3A_419 = arith.constant 0 : i32
      %scan3A_420 = arith.constant 24 : i32
      %scan3A_421 = arith.addi %scan3A_419, %scan3A_420 : i32
      %scan3A_422 = arith.constant 1 : i32
      %scan3A_423 = scf.for %scan3A_425 = %scan3A_419 to %scan3A_421 step %scan3A_422 iter_args(%scan3A_426 = %scan3A_333) -> (i32)  : i32 {
        %mul3A_427 = arith.constant 24 : i32
        %mul3A_428 = arith.muli %select_n3A_360, %mul3A_427 : i32
        %add3A_429 = arith.addi %mul3A_428, %scan3A_425 : i32
        %mul3A_430 = arith.constant 3 : i32
        %mul3A_431 = arith.muli %add3A_429, %mul3A_430 : i32
        %get3A = arith.index_cast %mul3A_431 : i32 to index
        %get3A_432 = memref.load %arg9[%get3A] : memref<144xi32, #tpu.memory_space<smem>>
        %sub3A_433 = arith.subi %select_n3A_416, %get3A_432 : i32
        %ge3A = arith.constant 0 : i32
        %ge3A_434 = arith.cmpi sge, %sub3A_433, %ge3A : i32
        %lt3A_435 = arith.constant 64 : i32
        %lt3A_436 = arith.cmpi slt, %sub3A_433, %lt3A_435 : i32
        %and3A_437 = arith.andi %ge3A_434, %lt3A_436 : i1
        %convert_element_type3A_438 = arith.extui %and3A_437 : i1 to i32
        %cond3A_439 = arith.constant 0 : i32
        %cond3A_440 = arith.cmpi ne, %convert_element_type3A_438, %cond3A_439 : i32
        scf.if %cond3A_440 {
          %shift_left3A = arith.constant 6 : i32
          %shift_left3A_443 = arith.shli %sub3A_433, %shift_left3A : i32
          %or3A = arith.ori %add3A_429, %shift_left3A_443 : i32
          %shift_left3A_444 = arith.constant 12 : i32
          %shift_left3A_445 = arith.shli %select_n3A_400, %shift_left3A_444 : i32
          %or3A_446 = arith.ori %or3A, %shift_left3A_445 : i32
          %swap3A_447 = arith.index_cast %scan3A_426 : i32 to index
          %swap3A_448 = memref.load %arg10[%swap3A_447] : memref<480xi32, #tpu.memory_space<smem>>
          memref.store %or3A_446, %arg10[%swap3A_447] : memref<480xi32, #tpu.memory_space<smem>>
        } else {
        }
        %convert_element_type3A_441 = arith.extui %and3A_437 : i1 to i32
        %add3A_442 = arith.addi %scan3A_426, %convert_element_type3A_441 : i32
        scf.yield %add3A_442 : i32
      }
      %scan3A_424 = arith.constant 24 : i32
      scf.yield %scan3A_423 : i32
    }
    %scan3A_12 = arith.constant 20 : i32
    %swap3A = arith.constant 20 : i32
    %swap3A_13 = arith.index_cast %swap3A : i32 to index
    %swap3A_14 = memref.load %arg11[%swap3A_13] : memref<21xi32, #tpu.memory_space<smem>>
    memref.store %scan3A_11, %arg11[%swap3A_13] : memref<21xi32, #tpu.memory_space<smem>>
    %gt3A = arith.constant 0 : i32
    %gt3A_15 = arith.cmpi sgt, %scan3A_11, %gt3A : i32
    %convert_element_type3A = arith.extui %gt3A_15 : i1 to i32
    %cond3A = arith.constant 0 : i32
    %cond3A_16 = arith.cmpi ne, %convert_element_type3A, %cond3A : i32
    scf.if %cond3A_16 {
      %get3A = arith.constant 0 : i32
      %get3A_332 = arith.index_cast %get3A : i32 to index
      %get3A_333 = memref.load %arg10[%get3A_332] : memref<480xi32, #tpu.memory_space<smem>>
      %and3A_334 = arith.constant 63 : i32
      %and3A_335 = arith.andi %get3A_333, %and3A_334 : i32
      %shift_right_arithmetic3A = arith.constant 6 : i32
      %shift_right_arithmetic3A_336 = arith.shrsi %get3A_333, %shift_right_arithmetic3A : i32
      %and3A_337 = arith.constant 63 : i32
      %and3A_338 = arith.andi %shift_right_arithmetic3A_336, %and3A_337 : i32
      %shift_right_arithmetic3A_339 = arith.constant 12 : i32
      %shift_right_arithmetic3A_340 = arith.shrsi %get3A_333, %shift_right_arithmetic3A_339 : i32
      %rem3A_341 = arith.constant 0 : i32
      %rem3A_342 = arith.constant 5 : i32
      %rem3A_343 = arith.remsi %rem3A_341, %rem3A_342 : i32
      %rem3A_344 = arith.constant 0 : i32
      %rem3A_345 = arith.constant 5 : i32
      %rem3A_346 = arith.remsi %rem3A_344, %rem3A_345 : i32
      %dma_start3A_347 = arith.constant 0 : i32
      %dma_start3A_348 = arith.constant 0 : i32
      %dma_start3A_349 = tpu.memref_slice %arg7[%rem3A_343, %dma_start3A_347, %dma_start3A_348] : memref<5x64x64xf32, #tpu.memory_space<vmem>> -> memref<1x64x64xf32, #tpu.memory_space<vmem>>
      %dma_start3A_350 = tpu.memref_squeeze %dma_start3A_349 : memref<1x64x64xf32, #tpu.memory_space<vmem>> -> memref<64x64xf32, #tpu.memory_space<vmem>>
      %dma_start3A_351 = arith.constant 0 : i32
      %dma_start3A_352 = arith.constant 0 : i32
      %dma_start3A_353 = tpu.memref_slice %arg2[%and3A_335, %shift_right_arithmetic3A_340, %and3A_338, %dma_start3A_351, %dma_start3A_352] : memref<48x2x64x64x64xf32, #tpu.memory_space<hbm>> -> memref<1x1x1x64x64xf32, #tpu.memory_space<hbm>>
      %dma_start3A_354 = tpu.memref_squeeze %dma_start3A_353 : memref<1x1x1x64x64xf32, #tpu.memory_space<hbm>> -> memref<64x64xf32, #tpu.memory_space<hbm>>
      %dma_start3A_355 = tpu.memref_slice %arg14[%rem3A_346] : memref<5x!tpu.dma_semaphore, #tpu.memory_space<semaphore_mem>> -> memref<1x!tpu.dma_semaphore, #tpu.memory_space<semaphore_mem>>
      %dma_start3A_356 = tpu.memref_squeeze %dma_start3A_355 : memref<1x!tpu.dma_semaphore, #tpu.memory_space<semaphore_mem>> -> memref<!tpu.dma_semaphore, #tpu.memory_space<semaphore_mem>>
      %dma_start3A_357 = arith.constant 0 : i32
      %dma_start3A_358 = arith.constant 0 : i32
      %dma_start3A_359 = tpu.memref_slice %arg7[%rem3A_343, %dma_start3A_357, %dma_start3A_358] : memref<5x64x64xf32, #tpu.memory_space<vmem>> -> memref<1x64x64xf32, #tpu.memory_space<vmem>>
      %dma_start3A_360 = tpu.memref_squeeze %dma_start3A_359 : memref<1x64x64xf32, #tpu.memory_space<vmem>> -> memref<64x64xf32, #tpu.memory_space<vmem>>
      %dma_start3A_361 = arith.constant 0 : i32
      %dma_start3A_362 = arith.constant 0 : i32
      %dma_start3A_363 = tpu.memref_slice %arg2[%and3A_335, %shift_right_arithmetic3A_340, %and3A_338, %dma_start3A_361, %dma_start3A_362] : memref<48x2x64x64x64xf32, #tpu.memory_space<hbm>> -> memref<1x1x1x64x64xf32, #tpu.memory_space<hbm>>
      %dma_start3A_364 = tpu.memref_squeeze %dma_start3A_363 : memref<1x1x1x64x64xf32, #tpu.memory_space<hbm>> -> memref<64x64xf32, #tpu.memory_space<hbm>>
      tpu.enqueue_dma source(%dma_start3A_364 : memref<64x64xf32, #tpu.memory_space<hbm>>) target(%dma_start3A_360 : memref<64x64xf32, #tpu.memory_space<vmem>>) target_semaphore(%dma_start3A_356 : memref<!tpu.dma_semaphore, #tpu.memory_space<semaphore_mem>>)
    } else {
    }
    %gt3A_17 = arith.constant 1 : i32
    %gt3A_18 = arith.cmpi sgt, %scan3A_11, %gt3A_17 : i32
    %convert_element_type3A_19 = arith.extui %gt3A_18 : i1 to i32
    %cond3A_20 = arith.constant 0 : i32
    %cond3A_21 = arith.cmpi ne, %convert_element_type3A_19, %cond3A_20 : i32
    scf.if %cond3A_21 {
      %get3A = arith.constant 1 : i32
      %get3A_332 = arith.index_cast %get3A : i32 to index
      %get3A_333 = memref.load %arg10[%get3A_332] : memref<480xi32, #tpu.memory_space<smem>>
      %and3A_334 = arith.constant 63 : i32
      %and3A_335 = arith.andi %get3A_333, %and3A_334 : i32
      %shift_right_arithmetic3A = arith.constant 6 : i32
      %shift_right_arithmetic3A_336 = arith.shrsi %get3A_333, %shift_right_arithmetic3A : i32
      %and3A_337 = arith.constant 63 : i32
      %and3A_338 = arith.andi %shift_right_arithmetic3A_336, %and3A_337 : i32
      %shift_right_arithmetic3A_339 = arith.constant 12 : i32
      %shift_right_arithmetic3A_340 = arith.shrsi %get3A_333, %shift_right_arithmetic3A_339 : i32
      %rem3A_341 = arith.constant 1 : i32
      %rem3A_342 = arith.constant 5 : i32
      %rem3A_343 = arith.remsi %rem3A_341, %rem3A_342 : i32
      %rem3A_344 = arith.constant 1 : i32
      %rem3A_345 = arith.constant 5 : i32
      %rem3A_346 = arith.remsi %rem3A_344, %rem3A_345 : i32
      %dma_start3A_347 = arith.constant 0 : i32
      %dma_start3A_348 = arith.constant 0 : i32
      %dma_start3A_349 = tpu.memref_slice %arg7[%rem3A_343, %dma_start3A_347, %dma_start3A_348] : memref<5x64x64xf32, #tpu.memory_space<vmem>> -> memref<1x64x64xf32, #tpu.memory_space<vmem>>
      %dma_start3A_350 = tpu.memref_squeeze %dma_start3A_349 : memref<1x64x64xf32, #tpu.memory_space<vmem>> -> memref<64x64xf32, #tpu.memory_space<vmem>>
      %dma_start3A_351 = arith.constant 0 : i32
      %dma_start3A_352 = arith.constant 0 : i32
      %dma_start3A_353 = tpu.memref_slice %arg2[%and3A_335, %shift_right_arithmetic3A_340, %and3A_338, %dma_start3A_351, %dma_start3A_352] : memref<48x2x64x64x64xf32, #tpu.memory_space<hbm>> -> memref<1x1x1x64x64xf32, #tpu.memory_space<hbm>>
      %dma_start3A_354 = tpu.memref_squeeze %dma_start3A_353 : memref<1x1x1x64x64xf32, #tpu.memory_space<hbm>> -> memref<64x64xf32, #tpu.memory_space<hbm>>
      %dma_start3A_355 = tpu.memref_slice %arg14[%rem3A_346] : memref<5x!tpu.dma_semaphore, #tpu.memory_space<semaphore_mem>> -> memref<1x!tpu.dma_semaphore, #tpu.memory_space<semaphore_mem>>
      %dma_start3A_356 = tpu.memref_squeeze %dma_start3A_355 : memref<1x!tpu.dma_semaphore, #tpu.memory_space<semaphore_mem>> -> memref<!tpu.dma_semaphore, #tpu.memory_space<semaphore_mem>>
      %dma_start3A_357 = arith.constant 0 : i32
      %dma_start3A_358 = arith.constant 0 : i32
      %dma_start3A_359 = tpu.memref_slice %arg7[%rem3A_343, %dma_start3A_357, %dma_start3A_358] : memref<5x64x64xf32, #tpu.memory_space<vmem>> -> memref<1x64x64xf32, #tpu.memory_space<vmem>>
      %dma_start3A_360 = tpu.memref_squeeze %dma_start3A_359 : memref<1x64x64xf32, #tpu.memory_space<vmem>> -> memref<64x64xf32, #tpu.memory_space<vmem>>
      %dma_start3A_361 = arith.constant 0 : i32
      %dma_start3A_362 = arith.constant 0 : i32
      %dma_start3A_363 = tpu.memref_slice %arg2[%and3A_335, %shift_right_arithmetic3A_340, %and3A_338, %dma_start3A_361, %dma_start3A_362] : memref<48x2x64x64x64xf32, #tpu.memory_space<hbm>> -> memref<1x1x1x64x64xf32, #tpu.memory_space<hbm>>
      %dma_start3A_364 = tpu.memref_squeeze %dma_start3A_363 : memref<1x1x1x64x64xf32, #tpu.memory_space<hbm>> -> memref<64x64xf32, #tpu.memory_space<hbm>>
      tpu.enqueue_dma source(%dma_start3A_364 : memref<64x64xf32, #tpu.memory_space<hbm>>) target(%dma_start3A_360 : memref<64x64xf32, #tpu.memory_space<vmem>>) target_semaphore(%dma_start3A_356 : memref<!tpu.dma_semaphore, #tpu.memory_space<semaphore_mem>>)
    } else {
    }
    %gt3A_22 = arith.constant 2 : i32
    %gt3A_23 = arith.cmpi sgt, %scan3A_11, %gt3A_22 : i32
    %convert_element_type3A_24 = arith.extui %gt3A_23 : i1 to i32
    %cond3A_25 = arith.constant 0 : i32
    %cond3A_26 = arith.cmpi ne, %convert_element_type3A_24, %cond3A_25 : i32
    scf.if %cond3A_26 {
      %get3A = arith.constant 2 : i32
      %get3A_332 = arith.index_cast %get3A : i32 to index
      %get3A_333 = memref.load %arg10[%get3A_332] : memref<480xi32, #tpu.memory_space<smem>>
      %and3A_334 = arith.constant 63 : i32
      %and3A_335 = arith.andi %get3A_333, %and3A_334 : i32
      %shift_right_arithmetic3A = arith.constant 6 : i32
      %shift_right_arithmetic3A_336 = arith.shrsi %get3A_333, %shift_right_arithmetic3A : i32
      %and3A_337 = arith.constant 63 : i32
      %and3A_338 = arith.andi %shift_right_arithmetic3A_336, %and3A_337 : i32
      %shift_right_arithmetic3A_339 = arith.constant 12 : i32
      %shift_right_arithmetic3A_340 = arith.shrsi %get3A_333, %shift_right_arithmetic3A_339 : i32
      %rem3A_341 = arith.constant 2 : i32
      %rem3A_342 = arith.constant 5 : i32
      %rem3A_343 = arith.remsi %rem3A_341, %rem3A_342 : i32
      %rem3A_344 = arith.constant 2 : i32
      %rem3A_345 = arith.constant 5 : i32
      %rem3A_346 = arith.remsi %rem3A_344, %rem3A_345 : i32
      %dma_start3A_347 = arith.constant 0 : i32
      %dma_start3A_348 = arith.constant 0 : i32
      %dma_start3A_349 = tpu.memref_slice %arg7[%rem3A_343, %dma_start3A_347, %dma_start3A_348] : memref<5x64x64xf32, #tpu.memory_space<vmem>> -> memref<1x64x64xf32, #tpu.memory_space<vmem>>
      %dma_start3A_350 = tpu.memref_squeeze %dma_start3A_349 : memref<1x64x64xf32, #tpu.memory_space<vmem>> -> memref<64x64xf32, #tpu.memory_space<vmem>>
      %dma_start3A_351 = arith.constant 0 : i32
      %dma_start3A_352 = arith.constant 0 : i32
      %dma_start3A_353 = tpu.memref_slice %arg2[%and3A_335, %shift_right_arithmetic3A_340, %and3A_338, %dma_start3A_351, %dma_start3A_352] : memref<48x2x64x64x64xf32, #tpu.memory_space<hbm>> -> memref<1x1x1x64x64xf32, #tpu.memory_space<hbm>>
      %dma_start3A_354 = tpu.memref_squeeze %dma_start3A_353 : memref<1x1x1x64x64xf32, #tpu.memory_space<hbm>> -> memref<64x64xf32, #tpu.memory_space<hbm>>
      %dma_start3A_355 = tpu.memref_slice %arg14[%rem3A_346] : memref<5x!tpu.dma_semaphore, #tpu.memory_space<semaphore_mem>> -> memref<1x!tpu.dma_semaphore, #tpu.memory_space<semaphore_mem>>
      %dma_start3A_356 = tpu.memref_squeeze %dma_start3A_355 : memref<1x!tpu.dma_semaphore, #tpu.memory_space<semaphore_mem>> -> memref<!tpu.dma_semaphore, #tpu.memory_space<semaphore_mem>>
      %dma_start3A_357 = arith.constant 0 : i32
      %dma_start3A_358 = arith.constant 0 : i32
      %dma_start3A_359 = tpu.memref_slice %arg7[%rem3A_343, %dma_start3A_357, %dma_start3A_358] : memref<5x64x64xf32, #tpu.memory_space<vmem>> -> memref<1x64x64xf32, #tpu.memory_space<vmem>>
      %dma_start3A_360 = tpu.memref_squeeze %dma_start3A_359 : memref<1x64x64xf32, #tpu.memory_space<vmem>> -> memref<64x64xf32, #tpu.memory_space<vmem>>
      %dma_start3A_361 = arith.constant 0 : i32
      %dma_start3A_362 = arith.constant 0 : i32
      %dma_start3A_363 = tpu.memref_slice %arg2[%and3A_335, %shift_right_arithmetic3A_340, %and3A_338, %dma_start3A_361, %dma_start3A_362] : memref<48x2x64x64x64xf32, #tpu.memory_space<hbm>> -> memref<1x1x1x64x64xf32, #tpu.memory_space<hbm>>
      %dma_start3A_364 = tpu.memref_squeeze %dma_start3A_363 : memref<1x1x1x64x64xf32, #tpu.memory_space<hbm>> -> memref<64x64xf32, #tpu.memory_space<hbm>>
      tpu.enqueue_dma source(%dma_start3A_364 : memref<64x64xf32, #tpu.memory_space<hbm>>) target(%dma_start3A_360 : memref<64x64xf32, #tpu.memory_space<vmem>>) target_semaphore(%dma_start3A_356 : memref<!tpu.dma_semaphore, #tpu.memory_space<semaphore_mem>>)
    } else {
    }
    %gt3A_27 = arith.constant 3 : i32
    %gt3A_28 = arith.cmpi sgt, %scan3A_11, %gt3A_27 : i32
    %convert_element_type3A_29 = arith.extui %gt3A_28 : i1 to i32
    %cond3A_30 = arith.constant 0 : i32
    %cond3A_31 = arith.cmpi ne, %convert_element_type3A_29, %cond3A_30 : i32
    scf.if %cond3A_31 {
      %get3A = arith.constant 3 : i32
      %get3A_332 = arith.index_cast %get3A : i32 to index
      %get3A_333 = memref.load %arg10[%get3A_332] : memref<480xi32, #tpu.memory_space<smem>>
      %and3A_334 = arith.constant 63 : i32
      %and3A_335 = arith.andi %get3A_333, %and3A_334 : i32
      %shift_right_arithmetic3A = arith.constant 6 : i32
      %shift_right_arithmetic3A_336 = arith.shrsi %get3A_333, %shift_right_arithmetic3A : i32
      %and3A_337 = arith.constant 63 : i32
      %and3A_338 = arith.andi %shift_right_arithmetic3A_336, %and3A_337 : i32
      %shift_right_arithmetic3A_339 = arith.constant 12 : i32
      %shift_right_arithmetic3A_340 = arith.shrsi %get3A_333, %shift_right_arithmetic3A_339 : i32
      %rem3A_341 = arith.constant 3 : i32
      %rem3A_342 = arith.constant 5 : i32
      %rem3A_343 = arith.remsi %rem3A_341, %rem3A_342 : i32
      %rem3A_344 = arith.constant 3 : i32
      %rem3A_345 = arith.constant 5 : i32
      %rem3A_346 = arith.remsi %rem3A_344, %rem3A_345 : i32
      %dma_start3A_347 = arith.constant 0 : i32
      %dma_start3A_348 = arith.constant 0 : i32
      %dma_start3A_349 = tpu.memref_slice %arg7[%rem3A_343, %dma_start3A_347, %dma_start3A_348] : memref<5x64x64xf32, #tpu.memory_space<vmem>> -> memref<1x64x64xf32, #tpu.memory_space<vmem>>
      %dma_start3A_350 = tpu.memref_squeeze %dma_start3A_349 : memref<1x64x64xf32, #tpu.memory_space<vmem>> -> memref<64x64xf32, #tpu.memory_space<vmem>>
      %dma_start3A_351 = arith.constant 0 : i32
      %dma_start3A_352 = arith.constant 0 : i32
      %dma_start3A_353 = tpu.memref_slice %arg2[%and3A_335, %shift_right_arithmetic3A_340, %and3A_338, %dma_start3A_351, %dma_start3A_352] : memref<48x2x64x64x64xf32, #tpu.memory_space<hbm>> -> memref<1x1x1x64x64xf32, #tpu.memory_space<hbm>>
      %dma_start3A_354 = tpu.memref_squeeze %dma_start3A_353 : memref<1x1x1x64x64xf32, #tpu.memory_space<hbm>> -> memref<64x64xf32, #tpu.memory_space<hbm>>
      %dma_start3A_355 = tpu.memref_slice %arg14[%rem3A_346] : memref<5x!tpu.dma_semaphore, #tpu.memory_space<semaphore_mem>> -> memref<1x!tpu.dma_semaphore, #tpu.memory_space<semaphore_mem>>
      %dma_start3A_356 = tpu.memref_squeeze %dma_start3A_355 : memref<1x!tpu.dma_semaphore, #tpu.memory_space<semaphore_mem>> -> memref<!tpu.dma_semaphore, #tpu.memory_space<semaphore_mem>>
      %dma_start3A_357 = arith.constant 0 : i32
      %dma_start3A_358 = arith.constant 0 : i32
      %dma_start3A_359 = tpu.memref_slice %arg7[%rem3A_343, %dma_start3A_357, %dma_start3A_358] : memref<5x64x64xf32, #tpu.memory_space<vmem>> -> memref<1x64x64xf32, #tpu.memory_space<vmem>>
      %dma_start3A_360 = tpu.memref_squeeze %dma_start3A_359 : memref<1x64x64xf32, #tpu.memory_space<vmem>> -> memref<64x64xf32, #tpu.memory_space<vmem>>
      %dma_start3A_361 = arith.constant 0 : i32
      %dma_start3A_362 = arith.constant 0 : i32
      %dma_start3A_363 = tpu.memref_slice %arg2[%and3A_335, %shift_right_arithmetic3A_340, %and3A_338, %dma_start3A_361, %dma_start3A_362] : memref<48x2x64x64x64xf32, #tpu.memory_space<hbm>> -> memref<1x1x1x64x64xf32, #tpu.memory_space<hbm>>
      %dma_start3A_364 = tpu.memref_squeeze %dma_start3A_363 : memref<1x1x1x64x64xf32, #tpu.memory_space<hbm>> -> memref<64x64xf32, #tpu.memory_space<hbm>>
      tpu.enqueue_dma source(%dma_start3A_364 : memref<64x64xf32, #tpu.memory_space<hbm>>) target(%dma_start3A_360 : memref<64x64xf32, #tpu.memory_space<vmem>>) target_semaphore(%dma_start3A_356 : memref<!tpu.dma_semaphore, #tpu.memory_space<semaphore_mem>>)
    } else {
    }
    %add3A_32 = arith.constant 0 : i32
    %add3A_33 = arith.addi %add3A_32, %add3A : i32
    %jit3A = arith.constant 320 : i32
    %div3A = arith.divsi %add3A_33, %jit3A : i32
    %sign3A = arith.constant 0 : i32
    %sign3A_34 = arith.cmpi sgt, %add3A_33, %sign3A : i32
    %sign3A_35 = arith.extui %sign3A_34 : i1 to i32
    %sign3A_36 = arith.constant 0 : i32
    %sign3A_37 = arith.cmpi slt, %add3A_33, %sign3A_36 : i32
    %sign3A_38 = arith.extui %sign3A_37 : i1 to i32
    %sign3A_39 = arith.subi %sign3A_35, %sign3A_38 : i32
    %sign3A_40 = arith.constant 0 : i32
    %sign3A_41 = arith.cmpi sgt, %jit3A, %sign3A_40 : i32
    %sign3A_42 = arith.extui %sign3A_41 : i1 to i32
    %sign3A_43 = arith.constant 0 : i32
    %sign3A_44 = arith.cmpi slt, %jit3A, %sign3A_43 : i32
    %sign3A_45 = arith.extui %sign3A_44 : i1 to i32
    %sign3A_46 = arith.subi %sign3A_42, %sign3A_45 : i32
    %ne3A = arith.cmpi ne, %sign3A_39, %sign3A_46 : i32
    %rem3A = arith.remsi %add3A_33, %jit3A : i32
    %ne3A_47 = arith.constant 0 : i32
    %ne3A_48 = arith.cmpi ne, %rem3A, %ne3A_47 : i32
    %and3A = arith.andi %ne3A, %ne3A_48 : i1
    %sub3A = arith.constant 1 : i32
    %sub3A_49 = arith.subi %div3A, %sub3A : i32
    %select_n3A = arith.select %and3A, %sub3A_49, %div3A : i32
    %jit3A_50 = arith.constant 160 : i32
    %div3A_51 = arith.divsi %add3A_33, %jit3A_50 : i32
    %sign3A_52 = arith.constant 0 : i32
    %sign3A_53 = arith.cmpi sgt, %add3A_33, %sign3A_52 : i32
    %sign3A_54 = arith.extui %sign3A_53 : i1 to i32
    %sign3A_55 = arith.constant 0 : i32
    %sign3A_56 = arith.cmpi slt, %add3A_33, %sign3A_55 : i32
    %sign3A_57 = arith.extui %sign3A_56 : i1 to i32
    %sign3A_58 = arith.subi %sign3A_54, %sign3A_57 : i32
    %sign3A_59 = arith.constant 0 : i32
    %sign3A_60 = arith.cmpi sgt, %jit3A_50, %sign3A_59 : i32
    %sign3A_61 = arith.extui %sign3A_60 : i1 to i32
    %sign3A_62 = arith.constant 0 : i32
    %sign3A_63 = arith.cmpi slt, %jit3A_50, %sign3A_62 : i32
    %sign3A_64 = arith.extui %sign3A_63 : i1 to i32
    %sign3A_65 = arith.subi %sign3A_61, %sign3A_64 : i32
    %ne3A_66 = arith.cmpi ne, %sign3A_58, %sign3A_65 : i32
    %rem3A_67 = arith.remsi %add3A_33, %jit3A_50 : i32
    %ne3A_68 = arith.constant 0 : i32
    %ne3A_69 = arith.cmpi ne, %rem3A_67, %ne3A_68 : i32
    %and3A_70 = arith.andi %ne3A_66, %ne3A_69 : i1
    %sub3A_71 = arith.constant 1 : i32
    %sub3A_72 = arith.subi %div3A_51, %sub3A_71 : i32
    %select_n3A_73 = arith.select %and3A_70, %sub3A_72, %div3A_51 : i32
    %jit3A_74 = arith.constant 2 : i32
    %eq3A = arith.constant 0 : i32
    %eq3A_75 = arith.cmpi eq, %jit3A_74, %eq3A : i32
    %jit3A_76 = arith.constant 1 : i32
    %select_n3A_77 = arith.select %eq3A_75, %jit3A_76, %jit3A_74 : i32
    %rem3A_78 = arith.remsi %select_n3A_73, %select_n3A_77 : i32
    %ne3A_79 = arith.constant 0 : i32
    %ne3A_80 = arith.cmpi ne, %rem3A_78, %ne3A_79 : i32
    %lt3A = arith.constant 0 : i32
    %lt3A_81 = arith.cmpi slt, %rem3A_78, %lt3A : i32
    %lt3A_82 = arith.constant 0 : i32
    %lt3A_83 = arith.cmpi slt, %select_n3A_77, %lt3A_82 : i32
    %ne3A_84 = arith.xori %lt3A_81, %lt3A_83 : i1
    %and3A_85 = arith.andi %ne3A_84, %ne3A_80 : i1
    %add3A_86 = arith.addi %rem3A_78, %select_n3A_77 : i32
    %select_n3A_87 = arith.select %and3A_85, %add3A_86, %rem3A_78 : i32
    %jit3A_88 = arith.constant 160 : i32
    %eq3A_89 = arith.constant 0 : i32
    %eq3A_90 = arith.cmpi eq, %jit3A_88, %eq3A_89 : i32
    %jit3A_91 = arith.constant 1 : i32
    %select_n3A_92 = arith.select %eq3A_90, %jit3A_91, %jit3A_88 : i32
    %rem3A_93 = arith.remsi %add3A_33, %select_n3A_92 : i32
    %ne3A_94 = arith.constant 0 : i32
    %ne3A_95 = arith.cmpi ne, %rem3A_93, %ne3A_94 : i32
    %lt3A_96 = arith.constant 0 : i32
    %lt3A_97 = arith.cmpi slt, %rem3A_93, %lt3A_96 : i32
    %lt3A_98 = arith.constant 0 : i32
    %lt3A_99 = arith.cmpi slt, %select_n3A_92, %lt3A_98 : i32
    %ne3A_100 = arith.xori %lt3A_97, %lt3A_99 : i1
    %and3A_101 = arith.andi %ne3A_100, %ne3A_95 : i1
    %add3A_102 = arith.addi %rem3A_93, %select_n3A_92 : i32
    %select_n3A_103 = arith.select %and3A_101, %add3A_102, %rem3A_93 : i32
    %dma_start3A = arith.constant 0 : i32
    %dma_start3A_104 = arith.constant 0 : i32
    %dma_start3A_105 = arith.constant 0 : i32
    %dma_start3A_106 = arith.constant 0 : i32
    %dma_start3A_107 = tpu.memref_slice %arg6[%dma_start3A, %dma_start3A_105, %dma_start3A_106] : memref<2x160x160xf32, #tpu.memory_space<vmem>> -> memref<1x160x160xf32, #tpu.memory_space<vmem>>
    %dma_start3A_108 = tpu.memref_squeeze %dma_start3A_107 : memref<1x160x160xf32, #tpu.memory_space<vmem>> -> memref<160x160xf32, #tpu.memory_space<vmem>>
    %dma_start3A_109 = arith.constant 0 : i32
    %dma_start3A_110 = arith.constant 0 : i32
    %dma_start3A_111 = tpu.memref_slice %arg3[%select_n3A, %select_n3A_87, %select_n3A_103, %dma_start3A_109, %dma_start3A_110] : memref<2x2x160x160x160xf32, #tpu.memory_space<hbm>> -> memref<1x1x1x160x160xf32, #tpu.memory_space<hbm>>
    %dma_start3A_112 = tpu.memref_squeeze %dma_start3A_111 : memref<1x1x1x160x160xf32, #tpu.memory_space<hbm>> -> memref<160x160xf32, #tpu.memory_space<hbm>>
    %dma_start3A_113 = tpu.memref_slice %arg12[%dma_start3A_104] : memref<2x!tpu.dma_semaphore, #tpu.memory_space<semaphore_mem>> -> memref<1x!tpu.dma_semaphore, #tpu.memory_space<semaphore_mem>>
    %dma_start3A_114 = tpu.memref_squeeze %dma_start3A_113 : memref<1x!tpu.dma_semaphore, #tpu.memory_space<semaphore_mem>> -> memref<!tpu.dma_semaphore, #tpu.memory_space<semaphore_mem>>
    %dma_start3A_115 = arith.constant 0 : i32
    %dma_start3A_116 = arith.constant 0 : i32
    %dma_start3A_117 = tpu.memref_slice %arg6[%dma_start3A, %dma_start3A_115, %dma_start3A_116] : memref<2x160x160xf32, #tpu.memory_space<vmem>> -> memref<1x160x160xf32, #tpu.memory_space<vmem>>
    %dma_start3A_118 = tpu.memref_squeeze %dma_start3A_117 : memref<1x160x160xf32, #tpu.memory_space<vmem>> -> memref<160x160xf32, #tpu.memory_space<vmem>>
    %dma_start3A_119 = arith.constant 0 : i32
    %dma_start3A_120 = arith.constant 0 : i32
    %dma_start3A_121 = tpu.memref_slice %arg3[%select_n3A, %select_n3A_87, %select_n3A_103, %dma_start3A_119, %dma_start3A_120] : memref<2x2x160x160x160xf32, #tpu.memory_space<hbm>> -> memref<1x1x1x160x160xf32, #tpu.memory_space<hbm>>
    %dma_start3A_122 = tpu.memref_squeeze %dma_start3A_121 : memref<1x1x1x160x160xf32, #tpu.memory_space<hbm>> -> memref<160x160xf32, #tpu.memory_space<hbm>>
    tpu.enqueue_dma source(%dma_start3A_122 : memref<160x160xf32, #tpu.memory_space<hbm>>) target(%dma_start3A_118 : memref<160x160xf32, #tpu.memory_space<vmem>>) target_semaphore(%dma_start3A_114 : memref<!tpu.dma_semaphore, #tpu.memory_space<semaphore_mem>>)
    %scan3A_123 = arith.constant 0 : i32
    %scan3A_124 = arith.constant 0 : i32
    %scan3A_125 = arith.constant 20 : i32
    %scan3A_126 = arith.addi %scan3A_124, %scan3A_125 : i32
    %scan3A_127 = arith.constant 1 : i32
    scf.for %scan3A_332 = %scan3A_124 to %scan3A_126 step %scan3A_127  : i32 {
      %rem3A_333 = arith.constant 2 : i32
      %rem3A_334 = arith.remsi %scan3A_332, %rem3A_333 : i32
      %mul3A_335 = arith.constant 32 : i32
      %mul3A_336 = arith.muli %scan3A_332, %mul3A_335 : i32
      %add3A_337 = arith.addi %mul3A_336, %add3A : i32
      %jit3A_338 = arith.constant 320 : i32
      %div3A_339 = arith.divsi %add3A_337, %jit3A_338 : i32
      %sign3A_340 = arith.constant 0 : i32
      %sign3A_341 = arith.cmpi sgt, %add3A_337, %sign3A_340 : i32
      %sign3A_342 = arith.extui %sign3A_341 : i1 to i32
      %sign3A_343 = arith.constant 0 : i32
      %sign3A_344 = arith.cmpi slt, %add3A_337, %sign3A_343 : i32
      %sign3A_345 = arith.extui %sign3A_344 : i1 to i32
      %sign3A_346 = arith.subi %sign3A_342, %sign3A_345 : i32
      %sign3A_347 = arith.constant 0 : i32
      %sign3A_348 = arith.cmpi sgt, %jit3A_338, %sign3A_347 : i32
      %sign3A_349 = arith.extui %sign3A_348 : i1 to i32
      %sign3A_350 = arith.constant 0 : i32
      %sign3A_351 = arith.cmpi slt, %jit3A_338, %sign3A_350 : i32
      %sign3A_352 = arith.extui %sign3A_351 : i1 to i32
      %sign3A_353 = arith.subi %sign3A_349, %sign3A_352 : i32
      %ne3A_354 = arith.cmpi ne, %sign3A_346, %sign3A_353 : i32
      %rem3A_355 = arith.remsi %add3A_337, %jit3A_338 : i32
      %ne3A_356 = arith.constant 0 : i32
      %ne3A_357 = arith.cmpi ne, %rem3A_355, %ne3A_356 : i32
      %and3A_358 = arith.andi %ne3A_354, %ne3A_357 : i1
      %sub3A_359 = arith.constant 1 : i32
      %sub3A_360 = arith.subi %div3A_339, %sub3A_359 : i32
      %select_n3A_361 = arith.select %and3A_358, %sub3A_360, %div3A_339 : i32
      %jit3A_362 = arith.constant 160 : i32
      %div3A_363 = arith.divsi %add3A_337, %jit3A_362 : i32
      %sign3A_364 = arith.constant 0 : i32
      %sign3A_365 = arith.cmpi sgt, %add3A_337, %sign3A_364 : i32
      %sign3A_366 = arith.extui %sign3A_365 : i1 to i32
      %sign3A_367 = arith.constant 0 : i32
      %sign3A_368 = arith.cmpi slt, %add3A_337, %sign3A_367 : i32
      %sign3A_369 = arith.extui %sign3A_368 : i1 to i32
      %sign3A_370 = arith.subi %sign3A_366, %sign3A_369 : i32
      %sign3A_371 = arith.constant 0 : i32
      %sign3A_372 = arith.cmpi sgt, %jit3A_362, %sign3A_371 : i32
      %sign3A_373 = arith.extui %sign3A_372 : i1 to i32
      %sign3A_374 = arith.constant 0 : i32
      %sign3A_375 = arith.cmpi slt, %jit3A_362, %sign3A_374 : i32
      %sign3A_376 = arith.extui %sign3A_375 : i1 to i32
      %sign3A_377 = arith.subi %sign3A_373, %sign3A_376 : i32
      %ne3A_378 = arith.cmpi ne, %sign3A_370, %sign3A_377 : i32
      %rem3A_379 = arith.remsi %add3A_337, %jit3A_362 : i32
      %ne3A_380 = arith.constant 0 : i32
      %ne3A_381 = arith.cmpi ne, %rem3A_379, %ne3A_380 : i32
      %and3A_382 = arith.andi %ne3A_378, %ne3A_381 : i1
      %sub3A_383 = arith.constant 1 : i32
      %sub3A_384 = arith.subi %div3A_363, %sub3A_383 : i32
      %select_n3A_385 = arith.select %and3A_382, %sub3A_384, %div3A_363 : i32
      %jit3A_386 = arith.constant 2 : i32
      %eq3A_387 = arith.constant 0 : i32
      %eq3A_388 = arith.cmpi eq, %jit3A_386, %eq3A_387 : i32
      %jit3A_389 = arith.constant 1 : i32
      %select_n3A_390 = arith.select %eq3A_388, %jit3A_389, %jit3A_386 : i32
      %rem3A_391 = arith.remsi %select_n3A_385, %select_n3A_390 : i32
      %ne3A_392 = arith.constant 0 : i32
      %ne3A_393 = arith.cmpi ne, %rem3A_391, %ne3A_392 : i32
      %lt3A_394 = arith.constant 0 : i32
      %lt3A_395 = arith.cmpi slt, %rem3A_391, %lt3A_394 : i32
      %lt3A_396 = arith.constant 0 : i32
      %lt3A_397 = arith.cmpi slt, %select_n3A_390, %lt3A_396 : i32
      %ne3A_398 = arith.xori %lt3A_395, %lt3A_397 : i1
      %and3A_399 = arith.andi %ne3A_398, %ne3A_393 : i1
      %add3A_400 = arith.addi %rem3A_391, %select_n3A_390 : i32
      %select_n3A_401 = arith.select %and3A_399, %add3A_400, %rem3A_391 : i32
      %jit3A_402 = arith.constant 160 : i32
      %eq3A_403 = arith.constant 0 : i32
      %eq3A_404 = arith.cmpi eq, %jit3A_402, %eq3A_403 : i32
      %jit3A_405 = arith.constant 1 : i32
      %select_n3A_406 = arith.select %eq3A_404, %jit3A_405, %jit3A_402 : i32
      %rem3A_407 = arith.remsi %add3A_337, %select_n3A_406 : i32
      %ne3A_408 = arith.constant 0 : i32
      %ne3A_409 = arith.cmpi ne, %rem3A_407, %ne3A_408 : i32
      %lt3A_410 = arith.constant 0 : i32
      %lt3A_411 = arith.cmpi slt, %rem3A_407, %lt3A_410 : i32
      %lt3A_412 = arith.constant 0 : i32
      %lt3A_413 = arith.cmpi slt, %select_n3A_406, %lt3A_412 : i32
      %ne3A_414 = arith.xori %lt3A_411, %lt3A_413 : i1
      %and3A_415 = arith.andi %ne3A_414, %ne3A_409 : i1
      %add3A_416 = arith.addi %rem3A_407, %select_n3A_406 : i32
      %select_n3A_417 = arith.select %and3A_415, %add3A_416, %rem3A_407 : i32
      %add3A_418 = arith.constant 1 : i32
      %add3A_419 = arith.addi %scan3A_332, %add3A_418 : i32
      %get3A = arith.index_cast %add3A_419 : i32 to index
      %get3A_420 = memref.load %arg11[%get3A] : memref<21xi32, #tpu.memory_space<smem>>
      %dma_wait3A_421 = arith.constant 0 : i32
      %dma_wait3A_422 = arith.constant 0 : i32
      %dma_wait3A_423 = tpu.memref_slice %arg6[%rem3A_334, %dma_wait3A_421, %dma_wait3A_422] : memref<2x160x160xf32, #tpu.memory_space<vmem>> -> memref<1x160x160xf32, #tpu.memory_space<vmem>>
      %dma_wait3A_424 = tpu.memref_squeeze %dma_wait3A_423 : memref<1x160x160xf32, #tpu.memory_space<vmem>> -> memref<160x160xf32, #tpu.memory_space<vmem>>
      %dma_wait3A_425 = arith.constant 0 : i32
      %dma_wait3A_426 = arith.constant 0 : i32
      %dma_wait3A_427 = tpu.memref_slice %arg3[%select_n3A_361, %select_n3A_401, %select_n3A_417, %dma_wait3A_425, %dma_wait3A_426] : memref<2x2x160x160x160xf32, #tpu.memory_space<hbm>> -> memref<1x1x1x160x160xf32, #tpu.memory_space<hbm>>
      %dma_wait3A_428 = tpu.memref_squeeze %dma_wait3A_427 : memref<1x1x1x160x160xf32, #tpu.memory_space<hbm>> -> memref<160x160xf32, #tpu.memory_space<hbm>>
      %dma_wait3A_429 = tpu.memref_slice %arg12[%rem3A_334] : memref<2x!tpu.dma_semaphore, #tpu.memory_space<semaphore_mem>> -> memref<1x!tpu.dma_semaphore, #tpu.memory_space<semaphore_mem>>
      %dma_wait3A_430 = tpu.memref_squeeze %dma_wait3A_429 : memref<1x!tpu.dma_semaphore, #tpu.memory_space<semaphore_mem>> -> memref<!tpu.dma_semaphore, #tpu.memory_space<semaphore_mem>>
      %dma_wait3A_431 = arith.constant 0 : i32
      %dma_wait3A_432 = arith.constant 0 : i32
      %dma_wait3A_433 = tpu.memref_slice %arg6[%rem3A_334, %dma_wait3A_431, %dma_wait3A_432] : memref<2x160x160xf32, #tpu.memory_space<vmem>> -> memref<1x160x160xf32, #tpu.memory_space<vmem>>
      %dma_wait3A_434 = tpu.memref_squeeze %dma_wait3A_433 : memref<1x160x160xf32, #tpu.memory_space<vmem>> -> memref<160x160xf32, #tpu.memory_space<vmem>>
      %dma_wait3A_435 = arith.constant 0 : i32
      %dma_wait3A_436 = arith.constant 0 : i32
      %dma_wait3A_437 = tpu.memref_slice %arg3[%select_n3A_361, %select_n3A_401, %select_n3A_417, %dma_wait3A_435, %dma_wait3A_436] : memref<2x2x160x160x160xf32, #tpu.memory_space<hbm>> -> memref<1x1x1x160x160xf32, #tpu.memory_space<hbm>>
      %dma_wait3A_438 = tpu.memref_squeeze %dma_wait3A_437 : memref<1x1x1x160x160xf32, #tpu.memory_space<hbm>> -> memref<160x160xf32, #tpu.memory_space<hbm>>
      tpu.wait_dma2 semaphore(%dma_wait3A_430 : memref<!tpu.dma_semaphore, #tpu.memory_space<semaphore_mem>>) src(%dma_wait3A_438 : memref<160x160xf32, #tpu.memory_space<hbm>>) dst(%dma_wait3A_434 : memref<160x160xf32, #tpu.memory_space<vmem>>)
      %get3A_439 = arith.index_cast %scan3A_332 : i32 to index
      %get3A_440 = memref.load %arg11[%get3A_439] : memref<21xi32, #tpu.memory_space<smem>>
      %while3A = arith.constant 0 : i32
      %while3A_441 = arith.subi %get3A_420, %get3A_440 : i32
      %while3A_442 = arith.addi %get3A_440, %while3A_441 : i32
      %while3A_443 = arith.constant 1 : i32
      %while3A_444 = arith.divsi %while3A_441, %while3A_443 : i32
      %while3A_445 = arith.muli %while3A_444, %while3A_443 : i32
      %while3A_446 = arith.addi %get3A_440, %while3A_445 : i32
      %while3A_447 = arith.constant 1 : i32
      scf.for %while3A_482 = %get3A_440 to %while3A_446 step %while3A_447  : i32 {
        %rem3A_483 = arith.constant 5 : i32
        %rem3A_484 = arith.remsi %while3A_482, %rem3A_483 : i32
        %get3A_485 = arith.index_cast %while3A_482 : i32 to index
        %get3A_486 = memref.load %arg10[%get3A_485] : memref<480xi32, #tpu.memory_space<smem>>
        %and3A_487 = arith.constant 63 : i32
        %and3A_488 = arith.andi %get3A_486, %and3A_487 : i32
        %shift_right_arithmetic3A = arith.constant 6 : i32
        %shift_right_arithmetic3A_489 = arith.shrsi %get3A_486, %shift_right_arithmetic3A : i32
        %and3A_490 = arith.constant 63 : i32
        %and3A_491 = arith.andi %shift_right_arithmetic3A_489, %and3A_490 : i32
        %add3A_492 = arith.constant 5 : i32
        %add3A_493 = arith.addi %while3A_482, %add3A_492 : i32
        %sub3A_494 = arith.constant 1 : i32
        %sub3A_495 = arith.subi %add3A_493, %sub3A_494 : i32
        %lt3A_496 = arith.cmpi slt, %sub3A_495, %scan3A_11 : i32
        %convert_element_type3A_497 = arith.extui %lt3A_496 : i1 to i32
        %cond3A_498 = arith.constant 0 : i32
        %cond3A_499 = arith.cmpi ne, %convert_element_type3A_497, %cond3A_498 : i32
        scf.if %cond3A_499 {
          %add3A_552 = arith.constant 5 : i32
          %add3A_553 = arith.addi %while3A_482, %add3A_552 : i32
          %sub3A_554 = arith.constant 1 : i32
          %sub3A_555 = arith.subi %add3A_553, %sub3A_554 : i32
          %get3A_556 = arith.index_cast %sub3A_555 : i32 to index
          %get3A_557 = memref.load %arg10[%get3A_556] : memref<480xi32, #tpu.memory_space<smem>>
          %and3A_558 = arith.constant 63 : i32
          %and3A_559 = arith.andi %get3A_557, %and3A_558 : i32
          %shift_right_arithmetic3A_560 = arith.constant 6 : i32
          %shift_right_arithmetic3A_561 = arith.shrsi %get3A_557, %shift_right_arithmetic3A_560 : i32
          %and3A_562 = arith.constant 63 : i32
          %and3A_563 = arith.andi %shift_right_arithmetic3A_561, %and3A_562 : i32
          %shift_right_arithmetic3A_564 = arith.constant 12 : i32
          %shift_right_arithmetic3A_565 = arith.shrsi %get3A_557, %shift_right_arithmetic3A_564 : i32
          %rem3A_566 = arith.constant 5 : i32
          %rem3A_567 = arith.remsi %sub3A_555, %rem3A_566 : i32
          %rem3A_568 = arith.constant 5 : i32
          %rem3A_569 = arith.remsi %sub3A_555, %rem3A_568 : i32
          %dma_start3A_570 = arith.constant 0 : i32
          %dma_start3A_571 = arith.constant 0 : i32
          %dma_start3A_572 = tpu.memref_slice %arg7[%rem3A_567, %dma_start3A_570, %dma_start3A_571] : memref<5x64x64xf32, #tpu.memory_space<vmem>> -> memref<1x64x64xf32, #tpu.memory_space<vmem>>
          %dma_start3A_573 = tpu.memref_squeeze %dma_start3A_572 : memref<1x64x64xf32, #tpu.memory_space<vmem>> -> memref<64x64xf32, #tpu.memory_space<vmem>>
          %dma_start3A_574 = arith.constant 0 : i32
          %dma_start3A_575 = arith.constant 0 : i32
          %dma_start3A_576 = tpu.memref_slice %arg2[%and3A_559, %shift_right_arithmetic3A_565, %and3A_563, %dma_start3A_574, %dma_start3A_575] : memref<48x2x64x64x64xf32, #tpu.memory_space<hbm>> -> memref<1x1x1x64x64xf32, #tpu.memory_space<hbm>>
          %dma_start3A_577 = tpu.memref_squeeze %dma_start3A_576 : memref<1x1x1x64x64xf32, #tpu.memory_space<hbm>> -> memref<64x64xf32, #tpu.memory_space<hbm>>
          %dma_start3A_578 = tpu.memref_slice %arg14[%rem3A_569] : memref<5x!tpu.dma_semaphore, #tpu.memory_space<semaphore_mem>> -> memref<1x!tpu.dma_semaphore, #tpu.memory_space<semaphore_mem>>
          %dma_start3A_579 = tpu.memref_squeeze %dma_start3A_578 : memref<1x!tpu.dma_semaphore, #tpu.memory_space<semaphore_mem>> -> memref<!tpu.dma_semaphore, #tpu.memory_space<semaphore_mem>>
          %dma_start3A_580 = arith.constant 0 : i32
          %dma_start3A_581 = arith.constant 0 : i32
          %dma_start3A_582 = tpu.memref_slice %arg7[%rem3A_567, %dma_start3A_580, %dma_start3A_581] : memref<5x64x64xf32, #tpu.memory_space<vmem>> -> memref<1x64x64xf32, #tpu.memory_space<vmem>>
          %dma_start3A_583 = tpu.memref_squeeze %dma_start3A_582 : memref<1x64x64xf32, #tpu.memory_space<vmem>> -> memref<64x64xf32, #tpu.memory_space<vmem>>
          %dma_start3A_584 = arith.constant 0 : i32
          %dma_start3A_585 = arith.constant 0 : i32
          %dma_start3A_586 = tpu.memref_slice %arg2[%and3A_559, %shift_right_arithmetic3A_565, %and3A_563, %dma_start3A_584, %dma_start3A_585] : memref<48x2x64x64x64xf32, #tpu.memory_space<hbm>> -> memref<1x1x1x64x64xf32, #tpu.memory_space<hbm>>
          %dma_start3A_587 = tpu.memref_squeeze %dma_start3A_586 : memref<1x1x1x64x64xf32, #tpu.memory_space<hbm>> -> memref<64x64xf32, #tpu.memory_space<hbm>>
          tpu.enqueue_dma source(%dma_start3A_587 : memref<64x64xf32, #tpu.memory_space<hbm>>) target(%dma_start3A_583 : memref<64x64xf32, #tpu.memory_space<vmem>>) target_semaphore(%dma_start3A_579 : memref<!tpu.dma_semaphore, #tpu.memory_space<semaphore_mem>>)
        } else {
        }
        %dma_wait3A_500 = arith.constant 0 : i32
        %dma_wait3A_501 = arith.constant 0 : i32
        %dma_wait3A_502 = tpu.memref_slice %arg7[%rem3A_484, %dma_wait3A_500, %dma_wait3A_501] : memref<5x64x64xf32, #tpu.memory_space<vmem>> -> memref<1x64x64xf32, #tpu.memory_space<vmem>>
        %dma_wait3A_503 = tpu.memref_squeeze %dma_wait3A_502 : memref<1x64x64xf32, #tpu.memory_space<vmem>> -> memref<64x64xf32, #tpu.memory_space<vmem>>
        %dma_wait3A_504 = arith.constant 0 : i32
        %dma_wait3A_505 = arith.constant 0 : i32
        %dma_wait3A_506 = tpu.memref_slice %arg2[%and3A_488, %select_n3A_401, %and3A_491, %dma_wait3A_504, %dma_wait3A_505] : memref<48x2x64x64x64xf32, #tpu.memory_space<hbm>> -> memref<1x1x1x64x64xf32, #tpu.memory_space<hbm>>
        %dma_wait3A_507 = tpu.memref_squeeze %dma_wait3A_506 : memref<1x1x1x64x64xf32, #tpu.memory_space<hbm>> -> memref<64x64xf32, #tpu.memory_space<hbm>>
        %dma_wait3A_508 = tpu.memref_slice %arg14[%rem3A_484] : memref<5x!tpu.dma_semaphore, #tpu.memory_space<semaphore_mem>> -> memref<1x!tpu.dma_semaphore, #tpu.memory_space<semaphore_mem>>
        %dma_wait3A_509 = tpu.memref_squeeze %dma_wait3A_508 : memref<1x!tpu.dma_semaphore, #tpu.memory_space<semaphore_mem>> -> memref<!tpu.dma_semaphore, #tpu.memory_space<semaphore_mem>>
        %dma_wait3A_510 = arith.constant 0 : i32
        %dma_wait3A_511 = arith.constant 0 : i32
        %dma_wait3A_512 = tpu.memref_slice %arg7[%rem3A_484, %dma_wait3A_510, %dma_wait3A_511] : memref<5x64x64xf32, #tpu.memory_space<vmem>> -> memref<1x64x64xf32, #tpu.memory_space<vmem>>
        %dma_wait3A_513 = tpu.memref_squeeze %dma_wait3A_512 : memref<1x64x64xf32, #tpu.memory_space<vmem>> -> memref<64x64xf32, #tpu.memory_space<vmem>>
        %dma_wait3A_514 = arith.constant 0 : i32
        %dma_wait3A_515 = arith.constant 0 : i32
        %dma_wait3A_516 = tpu.memref_slice %arg2[%and3A_488, %select_n3A_401, %and3A_491, %dma_wait3A_514, %dma_wait3A_515] : memref<48x2x64x64x64xf32, #tpu.memory_space<hbm>> -> memref<1x1x1x64x64xf32, #tpu.memory_space<hbm>>
        %dma_wait3A_517 = tpu.memref_squeeze %dma_wait3A_516 : memref<1x1x1x64x64xf32, #tpu.memory_space<hbm>> -> memref<64x64xf32, #tpu.memory_space<hbm>>
        tpu.wait_dma2 semaphore(%dma_wait3A_509 : memref<!tpu.dma_semaphore, #tpu.memory_space<semaphore_mem>>) src(%dma_wait3A_517 : memref<64x64xf32, #tpu.memory_space<hbm>>) dst(%dma_wait3A_513 : memref<64x64xf32, #tpu.memory_space<vmem>>)
        %mul3A_518 = arith.constant 3 : i32
        %mul3A_519 = arith.muli %and3A_488, %mul3A_518 : i32
        %add3A_520 = arith.constant 1 : i32
        %add3A_521 = arith.addi %mul3A_519, %add3A_520 : i32
        %get3A_522 = arith.index_cast %add3A_521 : i32 to index
        %get3A_523 = memref.load %arg9[%get3A_522] : memref<144xi32, #tpu.memory_space<smem>>
        %mul3A_524 = arith.constant 3 : i32
        %mul3A_525 = arith.muli %and3A_488, %mul3A_524 : i32
        %add3A_526 = arith.constant 2 : i32
        %add3A_527 = arith.addi %mul3A_525, %add3A_526 : i32
        %get3A_528 = arith.index_cast %add3A_527 : i32 to index
        %get3A_529 = memref.load %arg9[%get3A_528] : memref<144xi32, #tpu.memory_space<smem>>
        %add3A_530 = arith.constant 0 : i32
        %add3A_531 = arith.addi %get3A_529, %add3A_530 : i32
        %add3A_532 = vector.broadcast %add3A_531 : i32 to vector<16xi32>
        %add3A_533 = arith.addi %iota3A, %add3A_532 : vector<16xi32>
        %add3A_534 = arith.constant 16 : i32
        %add3A_535 = arith.addi %get3A_529, %add3A_534 : i32
        %add3A_536 = vector.broadcast %add3A_535 : i32 to vector<16xi32>
        %add3A_537 = arith.addi %iota3A, %add3A_536 : vector<16xi32>
        %add3A_538 = arith.constant 32 : i32
        %add3A_539 = arith.addi %get3A_529, %add3A_538 : i32
        %add3A_540 = vector.broadcast %add3A_539 : i32 to vector<16xi32>
        %add3A_541 = arith.addi %iota3A, %add3A_540 : vector<16xi32>
        %add3A_542 = arith.constant 48 : i32
        %add3A_543 = arith.addi %get3A_529, %add3A_542 : i32
        %add3A_544 = vector.broadcast %add3A_543 : i32 to vector<16xi32>
        %add3A_545 = arith.addi %iota3A, %add3A_544 : vector<16xi32>
        %broadcast_in_dim3A = vector.broadcast %get3A_523 : i32 to vector<16xi32>
        %scan3A_546 = arith.constant 0 : i32
        %scan3A_547 = arith.constant 16 : i32
        %scan3A_548 = arith.addi %scan3A_546, %scan3A_547 : i32
        %scan3A_549 = arith.constant 1 : i32
        %scan3A_550 = scf.for %scan3A_552 = %scan3A_546 to %scan3A_548 step %scan3A_549 iter_args(%scan3A_553 = %broadcast_in_dim3A) -> (vector<16xi32>)  : i32 {
          %mul3A_554 = arith.constant 4 : i32
          %mul3A_555 = arith.muli %scan3A_552, %mul3A_554 : i32
          %add3A_556 = arith.constant 0 : i32
          %add3A_557 = arith.addi %mul3A_555, %add3A_556 : i32
          %get3A_558 = arith.index_cast %rem3A_484 : i32 to index
          %get3A_559 = arith.index_cast %add3A_557 : i32 to index
          %get3A_560 = arith.constant 0 : index
          %get3A_561 = tpu.vector_load %arg7[%get3A_558, %get3A_559, %get3A_560] {strides = array<i32>} : memref<5x64x64xf32, #tpu.memory_space<vmem>>, vector<16xf32>,
          %add3A_562 = arith.constant 0 : i32
          %add3A_563 = arith.addi %mul3A_555, %add3A_562 : i32
          %get3A_564 = arith.index_cast %rem3A_484 : i32 to index
          %get3A_565 = arith.index_cast %add3A_563 : i32 to index
          %get3A_566 = arith.constant 16 : index
          %get3A_567 = tpu.vector_load %arg7[%get3A_564, %get3A_565, %get3A_566] {strides = array<i32>} : memref<5x64x64xf32, #tpu.memory_space<vmem>>, vector<16xf32>,
          %add3A_568 = arith.constant 0 : i32
          %add3A_569 = arith.addi %mul3A_555, %add3A_568 : i32
          %get3A_570 = arith.index_cast %rem3A_484 : i32 to index
          %get3A_571 = arith.index_cast %add3A_569 : i32 to index
          %get3A_572 = arith.constant 32 : index
          %get3A_573 = tpu.vector_load %arg7[%get3A_570, %get3A_571, %get3A_572] {strides = array<i32>} : memref<5x64x64xf32, #tpu.memory_space<vmem>>, vector<16xf32>,
          %add3A_574 = arith.constant 0 : i32
          %add3A_575 = arith.addi %mul3A_555, %add3A_574 : i32
          %get3A_576 = arith.index_cast %rem3A_484 : i32 to index
          %get3A_577 = arith.index_cast %add3A_575 : i32 to index
          %get3A_578 = arith.constant 48 : index
          %get3A_579 = tpu.vector_load %arg7[%get3A_576, %get3A_577, %get3A_578] {strides = array<i32>} : memref<5x64x64xf32, #tpu.memory_space<vmem>>, vector<16xf32>,
          %add3A_580 = arith.constant 1 : i32
          %add3A_581 = arith.addi %mul3A_555, %add3A_580 : i32
          %get3A_582 = arith.index_cast %rem3A_484 : i32 to index
          %get3A_583 = arith.index_cast %add3A_581 : i32 to index
          %get3A_584 = arith.constant 0 : index
          %get3A_585 = tpu.vector_load %arg7[%get3A_582, %get3A_583, %get3A_584] {strides = array<i32>} : memref<5x64x64xf32, #tpu.memory_space<vmem>>, vector<16xf32>,
          %add3A_586 = arith.constant 1 : i32
          %add3A_587 = arith.addi %mul3A_555, %add3A_586 : i32
          %get3A_588 = arith.index_cast %rem3A_484 : i32 to index
          %get3A_589 = arith.index_cast %add3A_587 : i32 to index
          %get3A_590 = arith.constant 16 : index
          %get3A_591 = tpu.vector_load %arg7[%get3A_588, %get3A_589, %get3A_590] {strides = array<i32>} : memref<5x64x64xf32, #tpu.memory_space<vmem>>, vector<16xf32>,
          %add3A_592 = arith.constant 1 : i32
          %add3A_593 = arith.addi %mul3A_555, %add3A_592 : i32
          %get3A_594 = arith.index_cast %rem3A_484 : i32 to index
          %get3A_595 = arith.index_cast %add3A_593 : i32 to index
          %get3A_596 = arith.constant 32 : index
          %get3A_597 = tpu.vector_load %arg7[%get3A_594, %get3A_595, %get3A_596] {strides = array<i32>} : memref<5x64x64xf32, #tpu.memory_space<vmem>>, vector<16xf32>,
          %add3A_598 = arith.constant 1 : i32
          %add3A_599 = arith.addi %mul3A_555, %add3A_598 : i32
          %get3A_600 = arith.index_cast %rem3A_484 : i32 to index
          %get3A_601 = arith.index_cast %add3A_599 : i32 to index
          %get3A_602 = arith.constant 48 : index
          %get3A_603 = tpu.vector_load %arg7[%get3A_600, %get3A_601, %get3A_602] {strides = array<i32>} : memref<5x64x64xf32, #tpu.memory_space<vmem>>, vector<16xf32>,
          %add3A_604 = arith.constant 2 : i32
          %add3A_605 = arith.addi %mul3A_555, %add3A_604 : i32
          %get3A_606 = arith.index_cast %rem3A_484 : i32 to index
          %get3A_607 = arith.index_cast %add3A_605 : i32 to index
          %get3A_608 = arith.constant 0 : index
          %get3A_609 = tpu.vector_load %arg7[%get3A_606, %get3A_607, %get3A_608] {strides = array<i32>} : memref<5x64x64xf32, #tpu.memory_space<vmem>>, vector<16xf32>,
          %add3A_610 = arith.constant 2 : i32
          %add3A_611 = arith.addi %mul3A_555, %add3A_610 : i32
          %get3A_612 = arith.index_cast %rem3A_484 : i32 to index
          %get3A_613 = arith.index_cast %add3A_611 : i32 to index
          %get3A_614 = arith.constant 16 : index
          %get3A_615 = tpu.vector_load %arg7[%get3A_612, %get3A_613, %get3A_614] {strides = array<i32>} : memref<5x64x64xf32, #tpu.memory_space<vmem>>, vector<16xf32>,
          %add3A_616 = arith.constant 2 : i32
          %add3A_617 = arith.addi %mul3A_555, %add3A_616 : i32
          %get3A_618 = arith.index_cast %rem3A_484 : i32 to index
          %get3A_619 = arith.index_cast %add3A_617 : i32 to index
          %get3A_620 = arith.constant 32 : index
          %get3A_621 = tpu.vector_load %arg7[%get3A_618, %get3A_619, %get3A_620] {strides = array<i32>} : memref<5x64x64xf32, #tpu.memory_space<vmem>>, vector<16xf32>,
          %add3A_622 = arith.constant 2 : i32
          %add3A_623 = arith.addi %mul3A_555, %add3A_622 : i32
          %get3A_624 = arith.index_cast %rem3A_484 : i32 to index
          %get3A_625 = arith.index_cast %add3A_623 : i32 to index
          %get3A_626 = arith.constant 48 : index
          %get3A_627 = tpu.vector_load %arg7[%get3A_624, %get3A_625, %get3A_626] {strides = array<i32>} : memref<5x64x64xf32, #tpu.memory_space<vmem>>, vector<16xf32>,
          %add3A_628 = arith.constant 3 : i32
          %add3A_629 = arith.addi %mul3A_555, %add3A_628 : i32
          %get3A_630 = arith.index_cast %rem3A_484 : i32 to index
          %get3A_631 = arith.index_cast %add3A_629 : i32 to index
          %get3A_632 = arith.constant 0 : index
          %get3A_633 = tpu.vector_load %arg7[%get3A_630, %get3A_631, %get3A_632] {strides = array<i32>} : memref<5x64x64xf32, #tpu.memory_space<vmem>>, vector<16xf32>,
          %add3A_634 = arith.constant 3 : i32
          %add3A_635 = arith.addi %mul3A_555, %add3A_634 : i32
          %get3A_636 = arith.index_cast %rem3A_484 : i32 to index
          %get3A_637 = arith.index_cast %add3A_635 : i32 to index
          %get3A_638 = arith.constant 16 : index
          %get3A_639 = tpu.vector_load %arg7[%get3A_636, %get3A_637, %get3A_638] {strides = array<i32>} : memref<5x64x64xf32, #tpu.memory_space<vmem>>, vector<16xf32>,
          %add3A_640 = arith.constant 3 : i32
          %add3A_641 = arith.addi %mul3A_555, %add3A_640 : i32
          %get3A_642 = arith.index_cast %rem3A_484 : i32 to index
          %get3A_643 = arith.index_cast %add3A_641 : i32 to index
          %get3A_644 = arith.constant 32 : index
          %get3A_645 = tpu.vector_load %arg7[%get3A_642, %get3A_643, %get3A_644] {strides = array<i32>} : memref<5x64x64xf32, #tpu.memory_space<vmem>>, vector<16xf32>,
          %add3A_646 = arith.constant 3 : i32
          %add3A_647 = arith.addi %mul3A_555, %add3A_646 : i32
          %get3A_648 = arith.index_cast %rem3A_484 : i32 to index
          %get3A_649 = arith.index_cast %add3A_647 : i32 to index
          %get3A_650 = arith.constant 48 : index
          %get3A_651 = tpu.vector_load %arg7[%get3A_648, %get3A_649, %get3A_650] {strides = array<i32>} : memref<5x64x64xf32, #tpu.memory_space<vmem>>, vector<16xf32>,
          %scatter3A = arith.constant 0 : i32
          %scatter3A_652 = arith.constant 0 : i32
          %scatter3A_653 = tpu.memref_slice %arg6[%rem3A_334, %scatter3A, %scatter3A_652] : memref<2x160x160xf32, #tpu.memory_space<vmem>> -> memref<1x160x160xf32, #tpu.memory_space<vmem>>
          %scatter3A_654 = tpu.memref_squeeze %scatter3A_653 : memref<1x160x160xf32, #tpu.memory_space<vmem>> -> memref<160x160xf32, #tpu.memory_space<vmem>>
          tpu.vector_store_idx %scatter3A_654[%scan3A_553, %add3A_533], %get3A_561 {add = true} : memref<160x160xf32, #tpu.memory_space<vmem>>[vector<16xi32>, vector<16xi32>], vector<16xf32>,
          %scatter3A_655 = arith.constant 0 : i32
          %scatter3A_656 = arith.constant 0 : i32
          %scatter3A_657 = tpu.memref_slice %arg6[%rem3A_334, %scatter3A_655, %scatter3A_656] : memref<2x160x160xf32, #tpu.memory_space<vmem>> -> memref<1x160x160xf32, #tpu.memory_space<vmem>>
          %scatter3A_658 = tpu.memref_squeeze %scatter3A_657 : memref<1x160x160xf32, #tpu.memory_space<vmem>> -> memref<160x160xf32, #tpu.memory_space<vmem>>
          tpu.vector_store_idx %scatter3A_658[%scan3A_553, %add3A_537], %get3A_567 {add = true} : memref<160x160xf32, #tpu.memory_space<vmem>>[vector<16xi32>, vector<16xi32>], vector<16xf32>,
          %scatter3A_659 = arith.constant 0 : i32
          %scatter3A_660 = arith.constant 0 : i32
          %scatter3A_661 = tpu.memref_slice %arg6[%rem3A_334, %scatter3A_659, %scatter3A_660] : memref<2x160x160xf32, #tpu.memory_space<vmem>> -> memref<1x160x160xf32, #tpu.memory_space<vmem>>
          %scatter3A_662 = tpu.memref_squeeze %scatter3A_661 : memref<1x160x160xf32, #tpu.memory_space<vmem>> -> memref<160x160xf32, #tpu.memory_space<vmem>>
          tpu.vector_store_idx %scatter3A_662[%scan3A_553, %add3A_541], %get3A_573 {add = true} : memref<160x160xf32, #tpu.memory_space<vmem>>[vector<16xi32>, vector<16xi32>], vector<16xf32>,
          %scatter3A_663 = arith.constant 0 : i32
          %scatter3A_664 = arith.constant 0 : i32
          %scatter3A_665 = tpu.memref_slice %arg6[%rem3A_334, %scatter3A_663, %scatter3A_664] : memref<2x160x160xf32, #tpu.memory_space<vmem>> -> memref<1x160x160xf32, #tpu.memory_space<vmem>>
          %scatter3A_666 = tpu.memref_squeeze %scatter3A_665 : memref<1x160x160xf32, #tpu.memory_space<vmem>> -> memref<160x160xf32, #tpu.memory_space<vmem>>
          tpu.vector_store_idx %scatter3A_666[%scan3A_553, %add3A_545], %get3A_579 {add = true} : memref<160x160xf32, #tpu.memory_space<vmem>>[vector<16xi32>, vector<16xi32>], vector<16xf32>,
          %add3A_667 = arith.constant 1 : i32
          %add3A_668 = vector.broadcast %add3A_667 : i32 to vector<16xi32>
          %add3A_669 = arith.addi %scan3A_553, %add3A_668 : vector<16xi32>
          %scatter3A_670 = arith.constant 0 : i32
          %scatter3A_671 = arith.constant 0 : i32
          %scatter3A_672 = tpu.memref_slice %arg6[%rem3A_334, %scatter3A_670, %scatter3A_671] : memref<2x160x160xf32, #tpu.memory_space<vmem>> -> memref<1x160x160xf32, #tpu.memory_space<vmem>>
          %scatter3A_673 = tpu.memref_squeeze %scatter3A_672 : memref<1x160x160xf32, #tpu.memory_space<vmem>> -> memref<160x160xf32, #tpu.memory_space<vmem>>
          tpu.vector_store_idx %scatter3A_673[%add3A_669, %add3A_533], %get3A_585 {add = true} : memref<160x160xf32, #tpu.memory_space<vmem>>[vector<16xi32>, vector<16xi32>], vector<16xf32>,
          %scatter3A_674 = arith.constant 0 : i32
          %scatter3A_675 = arith.constant 0 : i32
          %scatter3A_676 = tpu.memref_slice %arg6[%rem3A_334, %scatter3A_674, %scatter3A_675] : memref<2x160x160xf32, #tpu.memory_space<vmem>> -> memref<1x160x160xf32, #tpu.memory_space<vmem>>
          %scatter3A_677 = tpu.memref_squeeze %scatter3A_676 : memref<1x160x160xf32, #tpu.memory_space<vmem>> -> memref<160x160xf32, #tpu.memory_space<vmem>>
          tpu.vector_store_idx %scatter3A_677[%add3A_669, %add3A_537], %get3A_591 {add = true} : memref<160x160xf32, #tpu.memory_space<vmem>>[vector<16xi32>, vector<16xi32>], vector<16xf32>,
          %scatter3A_678 = arith.constant 0 : i32
          %scatter3A_679 = arith.constant 0 : i32
          %scatter3A_680 = tpu.memref_slice %arg6[%rem3A_334, %scatter3A_678, %scatter3A_679] : memref<2x160x160xf32, #tpu.memory_space<vmem>> -> memref<1x160x160xf32, #tpu.memory_space<vmem>>
          %scatter3A_681 = tpu.memref_squeeze %scatter3A_680 : memref<1x160x160xf32, #tpu.memory_space<vmem>> -> memref<160x160xf32, #tpu.memory_space<vmem>>
          tpu.vector_store_idx %scatter3A_681[%add3A_669, %add3A_541], %get3A_597 {add = true} : memref<160x160xf32, #tpu.memory_space<vmem>>[vector<16xi32>, vector<16xi32>], vector<16xf32>,
          %scatter3A_682 = arith.constant 0 : i32
          %scatter3A_683 = arith.constant 0 : i32
          %scatter3A_684 = tpu.memref_slice %arg6[%rem3A_334, %scatter3A_682, %scatter3A_683] : memref<2x160x160xf32, #tpu.memory_space<vmem>> -> memref<1x160x160xf32, #tpu.memory_space<vmem>>
          %scatter3A_685 = tpu.memref_squeeze %scatter3A_684 : memref<1x160x160xf32, #tpu.memory_space<vmem>> -> memref<160x160xf32, #tpu.memory_space<vmem>>
          tpu.vector_store_idx %scatter3A_685[%add3A_669, %add3A_545], %get3A_603 {add = true} : memref<160x160xf32, #tpu.memory_space<vmem>>[vector<16xi32>, vector<16xi32>], vector<16xf32>,
          %add3A_686 = arith.constant 2 : i32
          %add3A_687 = vector.broadcast %add3A_686 : i32 to vector<16xi32>
          %add3A_688 = arith.addi %scan3A_553, %add3A_687 : vector<16xi32>
          %scatter3A_689 = arith.constant 0 : i32
          %scatter3A_690 = arith.constant 0 : i32
          %scatter3A_691 = tpu.memref_slice %arg6[%rem3A_334, %scatter3A_689, %scatter3A_690] : memref<2x160x160xf32, #tpu.memory_space<vmem>> -> memref<1x160x160xf32, #tpu.memory_space<vmem>>
          %scatter3A_692 = tpu.memref_squeeze %scatter3A_691 : memref<1x160x160xf32, #tpu.memory_space<vmem>> -> memref<160x160xf32, #tpu.memory_space<vmem>>
          tpu.vector_store_idx %scatter3A_692[%add3A_688, %add3A_533], %get3A_609 {add = true} : memref<160x160xf32, #tpu.memory_space<vmem>>[vector<16xi32>, vector<16xi32>], vector<16xf32>,
          %scatter3A_693 = arith.constant 0 : i32
          %scatter3A_694 = arith.constant 0 : i32
          %scatter3A_695 = tpu.memref_slice %arg6[%rem3A_334, %scatter3A_693, %scatter3A_694] : memref<2x160x160xf32, #tpu.memory_space<vmem>> -> memref<1x160x160xf32, #tpu.memory_space<vmem>>
          %scatter3A_696 = tpu.memref_squeeze %scatter3A_695 : memref<1x160x160xf32, #tpu.memory_space<vmem>> -> memref<160x160xf32, #tpu.memory_space<vmem>>
          tpu.vector_store_idx %scatter3A_696[%add3A_688, %add3A_537], %get3A_615 {add = true} : memref<160x160xf32, #tpu.memory_space<vmem>>[vector<16xi32>, vector<16xi32>], vector<16xf32>,
          %scatter3A_697 = arith.constant 0 : i32
          %scatter3A_698 = arith.constant 0 : i32
          %scatter3A_699 = tpu.memref_slice %arg6[%rem3A_334, %scatter3A_697, %scatter3A_698] : memref<2x160x160xf32, #tpu.memory_space<vmem>> -> memref<1x160x160xf32, #tpu.memory_space<vmem>>
          %scatter3A_700 = tpu.memref_squeeze %scatter3A_699 : memref<1x160x160xf32, #tpu.memory_space<vmem>> -> memref<160x160xf32, #tpu.memory_space<vmem>>
          tpu.vector_store_idx %scatter3A_700[%add3A_688, %add3A_541], %get3A_621 {add = true} : memref<160x160xf32, #tpu.memory_space<vmem>>[vector<16xi32>, vector<16xi32>], vector<16xf32>,
          %scatter3A_701 = arith.constant 0 : i32
          %scatter3A_702 = arith.constant 0 : i32
          %scatter3A_703 = tpu.memref_slice %arg6[%rem3A_334, %scatter3A_701, %scatter3A_702] : memref<2x160x160xf32, #tpu.memory_space<vmem>> -> memref<1x160x160xf32, #tpu.memory_space<vmem>>
          %scatter3A_704 = tpu.memref_squeeze %scatter3A_703 : memref<1x160x160xf32, #tpu.memory_space<vmem>> -> memref<160x160xf32, #tpu.memory_space<vmem>>
          tpu.vector_store_idx %scatter3A_704[%add3A_688, %add3A_545], %get3A_627 {add = true} : memref<160x160xf32, #tpu.memory_space<vmem>>[vector<16xi32>, vector<16xi32>], vector<16xf32>,
          %add3A_705 = arith.constant 3 : i32
          %add3A_706 = vector.broadcast %add3A_705 : i32 to vector<16xi32>
          %add3A_707 = arith.addi %scan3A_553, %add3A_706 : vector<16xi32>
          %scatter3A_708 = arith.constant 0 : i32
          %scatter3A_709 = arith.constant 0 : i32
          %scatter3A_710 = tpu.memref_slice %arg6[%rem3A_334, %scatter3A_708, %scatter3A_709] : memref<2x160x160xf32, #tpu.memory_space<vmem>> -> memref<1x160x160xf32, #tpu.memory_space<vmem>>
          %scatter3A_711 = tpu.memref_squeeze %scatter3A_710 : memref<1x160x160xf32, #tpu.memory_space<vmem>> -> memref<160x160xf32, #tpu.memory_space<vmem>>
          tpu.vector_store_idx %scatter3A_711[%add3A_707, %add3A_533], %get3A_633 {add = true} : memref<160x160xf32, #tpu.memory_space<vmem>>[vector<16xi32>, vector<16xi32>], vector<16xf32>,
          %scatter3A_712 = arith.constant 0 : i32
          %scatter3A_713 = arith.constant 0 : i32
          %scatter3A_714 = tpu.memref_slice %arg6[%rem3A_334, %scatter3A_712, %scatter3A_713] : memref<2x160x160xf32, #tpu.memory_space<vmem>> -> memref<1x160x160xf32, #tpu.memory_space<vmem>>
          %scatter3A_715 = tpu.memref_squeeze %scatter3A_714 : memref<1x160x160xf32, #tpu.memory_space<vmem>> -> memref<160x160xf32, #tpu.memory_space<vmem>>
          tpu.vector_store_idx %scatter3A_715[%add3A_707, %add3A_537], %get3A_639 {add = true} : memref<160x160xf32, #tpu.memory_space<vmem>>[vector<16xi32>, vector<16xi32>], vector<16xf32>,
          %scatter3A_716 = arith.constant 0 : i32
          %scatter3A_717 = arith.constant 0 : i32
          %scatter3A_718 = tpu.memref_slice %arg6[%rem3A_334, %scatter3A_716, %scatter3A_717] : memref<2x160x160xf32, #tpu.memory_space<vmem>> -> memref<1x160x160xf32, #tpu.memory_space<vmem>>
          %scatter3A_719 = tpu.memref_squeeze %scatter3A_718 : memref<1x160x160xf32, #tpu.memory_space<vmem>> -> memref<160x160xf32, #tpu.memory_space<vmem>>
          tpu.vector_store_idx %scatter3A_719[%add3A_707, %add3A_541], %get3A_645 {add = true} : memref<160x160xf32, #tpu.memory_space<vmem>>[vector<16xi32>, vector<16xi32>], vector<16xf32>,
          %scatter3A_720 = arith.constant 0 : i32
          %scatter3A_721 = arith.constant 0 : i32
          %scatter3A_722 = tpu.memref_slice %arg6[%rem3A_334, %scatter3A_720, %scatter3A_721] : memref<2x160x160xf32, #tpu.memory_space<vmem>> -> memref<1x160x160xf32, #tpu.memory_space<vmem>>
          %scatter3A_723 = tpu.memref_squeeze %scatter3A_722 : memref<1x160x160xf32, #tpu.memory_space<vmem>> -> memref<160x160xf32, #tpu.memory_space<vmem>>
          tpu.vector_store_idx %scatter3A_723[%add3A_707, %add3A_545], %get3A_651 {add = true} : memref<160x160xf32, #tpu.memory_space<vmem>>[vector<16xi32>, vector<16xi32>], vector<16xf32>,
          %add3A_724 = arith.constant 4 : i32
          %add3A_725 = vector.broadcast %add3A_724 : i32 to vector<16xi32>
          %add3A_726 = arith.addi %scan3A_553, %add3A_725 : vector<16xi32>
          scf.yield %add3A_726 : vector<16xi32>
        }
        %scan3A_551 = arith.constant 16 : i32
      }
      %while3A_448 = arith.constant 1 : i32
      scf.for %while3A_482 = %while3A_446 to %while3A_442 step %while3A_448  : i32 {
        %rem3A_483 = arith.constant 5 : i32
        %rem3A_484 = arith.remsi %while3A_482, %rem3A_483 : i32
        %get3A_485 = arith.index_cast %while3A_482 : i32 to index
        %get3A_486 = memref.load %arg10[%get3A_485] : memref<480xi32, #tpu.memory_space<smem>>
        %and3A_487 = arith.constant 63 : i32
        %and3A_488 = arith.andi %get3A_486, %and3A_487 : i32
        %shift_right_arithmetic3A = arith.constant 6 : i32
        %shift_right_arithmetic3A_489 = arith.shrsi %get3A_486, %shift_right_arithmetic3A : i32
        %and3A_490 = arith.constant 63 : i32
        %and3A_491 = arith.andi %shift_right_arithmetic3A_489, %and3A_490 : i32
        %add3A_492 = arith.constant 5 : i32
        %add3A_493 = arith.addi %while3A_482, %add3A_492 : i32
        %sub3A_494 = arith.constant 1 : i32
        %sub3A_495 = arith.subi %add3A_493, %sub3A_494 : i32
        %lt3A_496 = arith.cmpi slt, %sub3A_495, %scan3A_11 : i32
        %convert_element_type3A_497 = arith.extui %lt3A_496 : i1 to i32
        %cond3A_498 = arith.constant 0 : i32
        %cond3A_499 = arith.cmpi ne, %convert_element_type3A_497, %cond3A_498 : i32
        scf.if %cond3A_499 {
          %add3A_552 = arith.constant 5 : i32
          %add3A_553 = arith.addi %while3A_482, %add3A_552 : i32
          %sub3A_554 = arith.constant 1 : i32
          %sub3A_555 = arith.subi %add3A_553, %sub3A_554 : i32
          %get3A_556 = arith.index_cast %sub3A_555 : i32 to index
          %get3A_557 = memref.load %arg10[%get3A_556] : memref<480xi32, #tpu.memory_space<smem>>
          %and3A_558 = arith.constant 63 : i32
          %and3A_559 = arith.andi %get3A_557, %and3A_558 : i32
          %shift_right_arithmetic3A_560 = arith.constant 6 : i32
          %shift_right_arithmetic3A_561 = arith.shrsi %get3A_557, %shift_right_arithmetic3A_560 : i32
          %and3A_562 = arith.constant 63 : i32
          %and3A_563 = arith.andi %shift_right_arithmetic3A_561, %and3A_562 : i32
          %shift_right_arithmetic3A_564 = arith.constant 12 : i32
          %shift_right_arithmetic3A_565 = arith.shrsi %get3A_557, %shift_right_arithmetic3A_564 : i32
          %rem3A_566 = arith.constant 5 : i32
          %rem3A_567 = arith.remsi %sub3A_555, %rem3A_566 : i32
          %rem3A_568 = arith.constant 5 : i32
          %rem3A_569 = arith.remsi %sub3A_555, %rem3A_568 : i32
          %dma_start3A_570 = arith.constant 0 : i32
          %dma_start3A_571 = arith.constant 0 : i32
          %dma_start3A_572 = tpu.memref_slice %arg7[%rem3A_567, %dma_start3A_570, %dma_start3A_571] : memref<5x64x64xf32, #tpu.memory_space<vmem>> -> memref<1x64x64xf32, #tpu.memory_space<vmem>>
          %dma_start3A_573 = tpu.memref_squeeze %dma_start3A_572 : memref<1x64x64xf32, #tpu.memory_space<vmem>> -> memref<64x64xf32, #tpu.memory_space<vmem>>
          %dma_start3A_574 = arith.constant 0 : i32
          %dma_start3A_575 = arith.constant 0 : i32
          %dma_start3A_576 = tpu.memref_slice %arg2[%and3A_559, %shift_right_arithmetic3A_565, %and3A_563, %dma_start3A_574, %dma_start3A_575] : memref<48x2x64x64x64xf32, #tpu.memory_space<hbm>> -> memref<1x1x1x64x64xf32, #tpu.memory_space<hbm>>
          %dma_start3A_577 = tpu.memref_squeeze %dma_start3A_576 : memref<1x1x1x64x64xf32, #tpu.memory_space<hbm>> -> memref<64x64xf32, #tpu.memory_space<hbm>>
          %dma_start3A_578 = tpu.memref_slice %arg14[%rem3A_569] : memref<5x!tpu.dma_semaphore, #tpu.memory_space<semaphore_mem>> -> memref<1x!tpu.dma_semaphore, #tpu.memory_space<semaphore_mem>>
          %dma_start3A_579 = tpu.memref_squeeze %dma_start3A_578 : memref<1x!tpu.dma_semaphore, #tpu.memory_space<semaphore_mem>> -> memref<!tpu.dma_semaphore, #tpu.memory_space<semaphore_mem>>
          %dma_start3A_580 = arith.constant 0 : i32
          %dma_start3A_581 = arith.constant 0 : i32
          %dma_start3A_582 = tpu.memref_slice %arg7[%rem3A_567, %dma_start3A_580, %dma_start3A_581] : memref<5x64x64xf32, #tpu.memory_space<vmem>> -> memref<1x64x64xf32, #tpu.memory_space<vmem>>
          %dma_start3A_583 = tpu.memref_squeeze %dma_start3A_582 : memref<1x64x64xf32, #tpu.memory_space<vmem>> -> memref<64x64xf32, #tpu.memory_space<vmem>>
          %dma_start3A_584 = arith.constant 0 : i32
          %dma_start3A_585 = arith.constant 0 : i32
          %dma_start3A_586 = tpu.memref_slice %arg2[%and3A_559, %shift_right_arithmetic3A_565, %and3A_563, %dma_start3A_584, %dma_start3A_585] : memref<48x2x64x64x64xf32, #tpu.memory_space<hbm>> -> memref<1x1x1x64x64xf32, #tpu.memory_space<hbm>>
          %dma_start3A_587 = tpu.memref_squeeze %dma_start3A_586 : memref<1x1x1x64x64xf32, #tpu.memory_space<hbm>> -> memref<64x64xf32, #tpu.memory_space<hbm>>
          tpu.enqueue_dma source(%dma_start3A_587 : memref<64x64xf32, #tpu.memory_space<hbm>>) target(%dma_start3A_583 : memref<64x64xf32, #tpu.memory_space<vmem>>) target_semaphore(%dma_start3A_579 : memref<!tpu.dma_semaphore, #tpu.memory_space<semaphore_mem>>)
        } else {
        }
        %dma_wait3A_500 = arith.constant 0 : i32
        %dma_wait3A_501 = arith.constant 0 : i32
        %dma_wait3A_502 = tpu.memref_slice %arg7[%rem3A_484, %dma_wait3A_500, %dma_wait3A_501] : memref<5x64x64xf32, #tpu.memory_space<vmem>> -> memref<1x64x64xf32, #tpu.memory_space<vmem>>
        %dma_wait3A_503 = tpu.memref_squeeze %dma_wait3A_502 : memref<1x64x64xf32, #tpu.memory_space<vmem>> -> memref<64x64xf32, #tpu.memory_space<vmem>>
        %dma_wait3A_504 = arith.constant 0 : i32
        %dma_wait3A_505 = arith.constant 0 : i32
        %dma_wait3A_506 = tpu.memref_slice %arg2[%and3A_488, %select_n3A_401, %and3A_491, %dma_wait3A_504, %dma_wait3A_505] : memref<48x2x64x64x64xf32, #tpu.memory_space<hbm>> -> memref<1x1x1x64x64xf32, #tpu.memory_space<hbm>>
        %dma_wait3A_507 = tpu.memref_squeeze %dma_wait3A_506 : memref<1x1x1x64x64xf32, #tpu.memory_space<hbm>> -> memref<64x64xf32, #tpu.memory_space<hbm>>
        %dma_wait3A_508 = tpu.memref_slice %arg14[%rem3A_484] : memref<5x!tpu.dma_semaphore, #tpu.memory_space<semaphore_mem>> -> memref<1x!tpu.dma_semaphore, #tpu.memory_space<semaphore_mem>>
        %dma_wait3A_509 = tpu.memref_squeeze %dma_wait3A_508 : memref<1x!tpu.dma_semaphore, #tpu.memory_space<semaphore_mem>> -> memref<!tpu.dma_semaphore, #tpu.memory_space<semaphore_mem>>
        %dma_wait3A_510 = arith.constant 0 : i32
        %dma_wait3A_511 = arith.constant 0 : i32
        %dma_wait3A_512 = tpu.memref_slice %arg7[%rem3A_484, %dma_wait3A_510, %dma_wait3A_511] : memref<5x64x64xf32, #tpu.memory_space<vmem>> -> memref<1x64x64xf32, #tpu.memory_space<vmem>>
        %dma_wait3A_513 = tpu.memref_squeeze %dma_wait3A_512 : memref<1x64x64xf32, #tpu.memory_space<vmem>> -> memref<64x64xf32, #tpu.memory_space<vmem>>
        %dma_wait3A_514 = arith.constant 0 : i32
        %dma_wait3A_515 = arith.constant 0 : i32
        %dma_wait3A_516 = tpu.memref_slice %arg2[%and3A_488, %select_n3A_401, %and3A_491, %dma_wait3A_514, %dma_wait3A_515] : memref<48x2x64x64x64xf32, #tpu.memory_space<hbm>> -> memref<1x1x1x64x64xf32, #tpu.memory_space<hbm>>
        %dma_wait3A_517 = tpu.memref_squeeze %dma_wait3A_516 : memref<1x1x1x64x64xf32, #tpu.memory_space<hbm>> -> memref<64x64xf32, #tpu.memory_space<hbm>>
        tpu.wait_dma2 semaphore(%dma_wait3A_509 : memref<!tpu.dma_semaphore, #tpu.memory_space<semaphore_mem>>) src(%dma_wait3A_517 : memref<64x64xf32, #tpu.memory_space<hbm>>) dst(%dma_wait3A_513 : memref<64x64xf32, #tpu.memory_space<vmem>>)
        %mul3A_518 = arith.constant 3 : i32
        %mul3A_519 = arith.muli %and3A_488, %mul3A_518 : i32
        %add3A_520 = arith.constant 1 : i32
        %add3A_521 = arith.addi %mul3A_519, %add3A_520 : i32
        %get3A_522 = arith.index_cast %add3A_521 : i32 to index
        %get3A_523 = memref.load %arg9[%get3A_522] : memref<144xi32, #tpu.memory_space<smem>>
        %mul3A_524 = arith.constant 3 : i32
        %mul3A_525 = arith.muli %and3A_488, %mul3A_524 : i32
        %add3A_526 = arith.constant 2 : i32
        %add3A_527 = arith.addi %mul3A_525, %add3A_526 : i32
        %get3A_528 = arith.index_cast %add3A_527 : i32 to index
        %get3A_529 = memref.load %arg9[%get3A_528] : memref<144xi32, #tpu.memory_space<smem>>
        %add3A_530 = arith.constant 0 : i32
        %add3A_531 = arith.addi %get3A_529, %add3A_530 : i32
        %add3A_532 = vector.broadcast %add3A_531 : i32 to vector<16xi32>
        %add3A_533 = arith.addi %iota3A, %add3A_532 : vector<16xi32>
        %add3A_534 = arith.constant 16 : i32
        %add3A_535 = arith.addi %get3A_529, %add3A_534 : i32
        %add3A_536 = vector.broadcast %add3A_535 : i32 to vector<16xi32>
        %add3A_537 = arith.addi %iota3A, %add3A_536 : vector<16xi32>
        %add3A_538 = arith.constant 32 : i32
        %add3A_539 = arith.addi %get3A_529, %add3A_538 : i32
        %add3A_540 = vector.broadcast %add3A_539 : i32 to vector<16xi32>
        %add3A_541 = arith.addi %iota3A, %add3A_540 : vector<16xi32>
        %add3A_542 = arith.constant 48 : i32
        %add3A_543 = arith.addi %get3A_529, %add3A_542 : i32
        %add3A_544 = vector.broadcast %add3A_543 : i32 to vector<16xi32>
        %add3A_545 = arith.addi %iota3A, %add3A_544 : vector<16xi32>
        %broadcast_in_dim3A = vector.broadcast %get3A_523 : i32 to vector<16xi32>
        %scan3A_546 = arith.constant 0 : i32
        %scan3A_547 = arith.constant 16 : i32
        %scan3A_548 = arith.addi %scan3A_546, %scan3A_547 : i32
        %scan3A_549 = arith.constant 1 : i32
        %scan3A_550 = scf.for %scan3A_552 = %scan3A_546 to %scan3A_548 step %scan3A_549 iter_args(%scan3A_553 = %broadcast_in_dim3A) -> (vector<16xi32>)  : i32 {
          %mul3A_554 = arith.constant 4 : i32
          %mul3A_555 = arith.muli %scan3A_552, %mul3A_554 : i32
          %add3A_556 = arith.constant 0 : i32
          %add3A_557 = arith.addi %mul3A_555, %add3A_556 : i32
          %get3A_558 = arith.index_cast %rem3A_484 : i32 to index
          %get3A_559 = arith.index_cast %add3A_557 : i32 to index
          %get3A_560 = arith.constant 0 : index
          %get3A_561 = tpu.vector_load %arg7[%get3A_558, %get3A_559, %get3A_560] {strides = array<i32>} : memref<5x64x64xf32, #tpu.memory_space<vmem>>, vector<16xf32>,
          %add3A_562 = arith.constant 0 : i32
          %add3A_563 = arith.addi %mul3A_555, %add3A_562 : i32
          %get3A_564 = arith.index_cast %rem3A_484 : i32 to index
          %get3A_565 = arith.index_cast %add3A_563 : i32 to index
          %get3A_566 = arith.constant 16 : index
          %get3A_567 = tpu.vector_load %arg7[%get3A_564, %get3A_565, %get3A_566] {strides = array<i32>} : memref<5x64x64xf32, #tpu.memory_space<vmem>>, vector<16xf32>,
          %add3A_568 = arith.constant 0 : i32
          %add3A_569 = arith.addi %mul3A_555, %add3A_568 : i32
          %get3A_570 = arith.index_cast %rem3A_484 : i32 to index
          %get3A_571 = arith.index_cast %add3A_569 : i32 to index
          %get3A_572 = arith.constant 32 : index
          %get3A_573 = tpu.vector_load %arg7[%get3A_570, %get3A_571, %get3A_572] {strides = array<i32>} : memref<5x64x64xf32, #tpu.memory_space<vmem>>, vector<16xf32>,
          %add3A_574 = arith.constant 0 : i32
          %add3A_575 = arith.addi %mul3A_555, %add3A_574 : i32
          %get3A_576 = arith.index_cast %rem3A_484 : i32 to index
          %get3A_577 = arith.index_cast %add3A_575 : i32 to index
          %get3A_578 = arith.constant 48 : index
          %get3A_579 = tpu.vector_load %arg7[%get3A_576, %get3A_577, %get3A_578] {strides = array<i32>} : memref<5x64x64xf32, #tpu.memory_space<vmem>>, vector<16xf32>,
          %add3A_580 = arith.constant 1 : i32
          %add3A_581 = arith.addi %mul3A_555, %add3A_580 : i32
          %get3A_582 = arith.index_cast %rem3A_484 : i32 to index
          %get3A_583 = arith.index_cast %add3A_581 : i32 to index
          %get3A_584 = arith.constant 0 : index
          %get3A_585 = tpu.vector_load %arg7[%get3A_582, %get3A_583, %get3A_584] {strides = array<i32>} : memref<5x64x64xf32, #tpu.memory_space<vmem>>, vector<16xf32>,
          %add3A_586 = arith.constant 1 : i32
          %add3A_587 = arith.addi %mul3A_555, %add3A_586 : i32
          %get3A_588 = arith.index_cast %rem3A_484 : i32 to index
          %get3A_589 = arith.index_cast %add3A_587 : i32 to index
          %get3A_590 = arith.constant 16 : index
          %get3A_591 = tpu.vector_load %arg7[%get3A_588, %get3A_589, %get3A_590] {strides = array<i32>} : memref<5x64x64xf32, #tpu.memory_space<vmem>>, vector<16xf32>,
          %add3A_592 = arith.constant 1 : i32
          %add3A_593 = arith.addi %mul3A_555, %add3A_592 : i32
          %get3A_594 = arith.index_cast %rem3A_484 : i32 to index
          %get3A_595 = arith.index_cast %add3A_593 : i32 to index
          %get3A_596 = arith.constant 32 : index
          %get3A_597 = tpu.vector_load %arg7[%get3A_594, %get3A_595, %get3A_596] {strides = array<i32>} : memref<5x64x64xf32, #tpu.memory_space<vmem>>, vector<16xf32>,
          %add3A_598 = arith.constant 1 : i32
          %add3A_599 = arith.addi %mul3A_555, %add3A_598 : i32
          %get3A_600 = arith.index_cast %rem3A_484 : i32 to index
          %get3A_601 = arith.index_cast %add3A_599 : i32 to index
          %get3A_602 = arith.constant 48 : index
          %get3A_603 = tpu.vector_load %arg7[%get3A_600, %get3A_601, %get3A_602] {strides = array<i32>} : memref<5x64x64xf32, #tpu.memory_space<vmem>>, vector<16xf32>,
          %add3A_604 = arith.constant 2 : i32
          %add3A_605 = arith.addi %mul3A_555, %add3A_604 : i32
          %get3A_606 = arith.index_cast %rem3A_484 : i32 to index
          %get3A_607 = arith.index_cast %add3A_605 : i32 to index
          %get3A_608 = arith.constant 0 : index
          %get3A_609 = tpu.vector_load %arg7[%get3A_606, %get3A_607, %get3A_608] {strides = array<i32>} : memref<5x64x64xf32, #tpu.memory_space<vmem>>, vector<16xf32>,
          %add3A_610 = arith.constant 2 : i32
          %add3A_611 = arith.addi %mul3A_555, %add3A_610 : i32
          %get3A_612 = arith.index_cast %rem3A_484 : i32 to index
          %get3A_613 = arith.index_cast %add3A_611 : i32 to index
          %get3A_614 = arith.constant 16 : index
          %get3A_615 = tpu.vector_load %arg7[%get3A_612, %get3A_613, %get3A_614] {strides = array<i32>} : memref<5x64x64xf32, #tpu.memory_space<vmem>>, vector<16xf32>,
          %add3A_616 = arith.constant 2 : i32
          %add3A_617 = arith.addi %mul3A_555, %add3A_616 : i32
          %get3A_618 = arith.index_cast %rem3A_484 : i32 to index
          %get3A_619 = arith.index_cast %add3A_617 : i32 to index
          %get3A_620 = arith.constant 32 : index
          %get3A_621 = tpu.vector_load %arg7[%get3A_618, %get3A_619, %get3A_620] {strides = array<i32>} : memref<5x64x64xf32, #tpu.memory_space<vmem>>, vector<16xf32>,
          %add3A_622 = arith.constant 2 : i32
          %add3A_623 = arith.addi %mul3A_555, %add3A_622 : i32
          %get3A_624 = arith.index_cast %rem3A_484 : i32 to index
          %get3A_625 = arith.index_cast %add3A_623 : i32 to index
          %get3A_626 = arith.constant 48 : index
          %get3A_627 = tpu.vector_load %arg7[%get3A_624, %get3A_625, %get3A_626] {strides = array<i32>} : memref<5x64x64xf32, #tpu.memory_space<vmem>>, vector<16xf32>,
          %add3A_628 = arith.constant 3 : i32
          %add3A_629 = arith.addi %mul3A_555, %add3A_628 : i32
          %get3A_630 = arith.index_cast %rem3A_484 : i32 to index
          %get3A_631 = arith.index_cast %add3A_629 : i32 to index
          %get3A_632 = arith.constant 0 : index
          %get3A_633 = tpu.vector_load %arg7[%get3A_630, %get3A_631, %get3A_632] {strides = array<i32>} : memref<5x64x64xf32, #tpu.memory_space<vmem>>, vector<16xf32>,
          %add3A_634 = arith.constant 3 : i32
          %add3A_635 = arith.addi %mul3A_555, %add3A_634 : i32
          %get3A_636 = arith.index_cast %rem3A_484 : i32 to index
          %get3A_637 = arith.index_cast %add3A_635 : i32 to index
          %get3A_638 = arith.constant 16 : index
          %get3A_639 = tpu.vector_load %arg7[%get3A_636, %get3A_637, %get3A_638] {strides = array<i32>} : memref<5x64x64xf32, #tpu.memory_space<vmem>>, vector<16xf32>,
          %add3A_640 = arith.constant 3 : i32
          %add3A_641 = arith.addi %mul3A_555, %add3A_640 : i32
          %get3A_642 = arith.index_cast %rem3A_484 : i32 to index
          %get3A_643 = arith.index_cast %add3A_641 : i32 to index
          %get3A_644 = arith.constant 32 : index
          %get3A_645 = tpu.vector_load %arg7[%get3A_642, %get3A_643, %get3A_644] {strides = array<i32>} : memref<5x64x64xf32, #tpu.memory_space<vmem>>, vector<16xf32>,
          %add3A_646 = arith.constant 3 : i32
          %add3A_647 = arith.addi %mul3A_555, %add3A_646 : i32
          %get3A_648 = arith.index_cast %rem3A_484 : i32 to index
          %get3A_649 = arith.index_cast %add3A_647 : i32 to index
          %get3A_650 = arith.constant 48 : index
          %get3A_651 = tpu.vector_load %arg7[%get3A_648, %get3A_649, %get3A_650] {strides = array<i32>} : memref<5x64x64xf32, #tpu.memory_space<vmem>>, vector<16xf32>,
          %scatter3A = arith.constant 0 : i32
          %scatter3A_652 = arith.constant 0 : i32
          %scatter3A_653 = tpu.memref_slice %arg6[%rem3A_334, %scatter3A, %scatter3A_652] : memref<2x160x160xf32, #tpu.memory_space<vmem>> -> memref<1x160x160xf32, #tpu.memory_space<vmem>>
          %scatter3A_654 = tpu.memref_squeeze %scatter3A_653 : memref<1x160x160xf32, #tpu.memory_space<vmem>> -> memref<160x160xf32, #tpu.memory_space<vmem>>
          tpu.vector_store_idx %scatter3A_654[%scan3A_553, %add3A_533], %get3A_561 {add = true} : memref<160x160xf32, #tpu.memory_space<vmem>>[vector<16xi32>, vector<16xi32>], vector<16xf32>,
          %scatter3A_655 = arith.constant 0 : i32
          %scatter3A_656 = arith.constant 0 : i32
          %scatter3A_657 = tpu.memref_slice %arg6[%rem3A_334, %scatter3A_655, %scatter3A_656] : memref<2x160x160xf32, #tpu.memory_space<vmem>> -> memref<1x160x160xf32, #tpu.memory_space<vmem>>
          %scatter3A_658 = tpu.memref_squeeze %scatter3A_657 : memref<1x160x160xf32, #tpu.memory_space<vmem>> -> memref<160x160xf32, #tpu.memory_space<vmem>>
          tpu.vector_store_idx %scatter3A_658[%scan3A_553, %add3A_537], %get3A_567 {add = true} : memref<160x160xf32, #tpu.memory_space<vmem>>[vector<16xi32>, vector<16xi32>], vector<16xf32>,
          %scatter3A_659 = arith.constant 0 : i32
          %scatter3A_660 = arith.constant 0 : i32
          %scatter3A_661 = tpu.memref_slice %arg6[%rem3A_334, %scatter3A_659, %scatter3A_660] : memref<2x160x160xf32, #tpu.memory_space<vmem>> -> memref<1x160x160xf32, #tpu.memory_space<vmem>>
          %scatter3A_662 = tpu.memref_squeeze %scatter3A_661 : memref<1x160x160xf32, #tpu.memory_space<vmem>> -> memref<160x160xf32, #tpu.memory_space<vmem>>
          tpu.vector_store_idx %scatter3A_662[%scan3A_553, %add3A_541], %get3A_573 {add = true} : memref<160x160xf32, #tpu.memory_space<vmem>>[vector<16xi32>, vector<16xi32>], vector<16xf32>,
          %scatter3A_663 = arith.constant 0 : i32
          %scatter3A_664 = arith.constant 0 : i32
          %scatter3A_665 = tpu.memref_slice %arg6[%rem3A_334, %scatter3A_663, %scatter3A_664] : memref<2x160x160xf32, #tpu.memory_space<vmem>> -> memref<1x160x160xf32, #tpu.memory_space<vmem>>
          %scatter3A_666 = tpu.memref_squeeze %scatter3A_665 : memref<1x160x160xf32, #tpu.memory_space<vmem>> -> memref<160x160xf32, #tpu.memory_space<vmem>>
          tpu.vector_store_idx %scatter3A_666[%scan3A_553, %add3A_545], %get3A_579 {add = true} : memref<160x160xf32, #tpu.memory_space<vmem>>[vector<16xi32>, vector<16xi32>], vector<16xf32>,
          %add3A_667 = arith.constant 1 : i32
          %add3A_668 = vector.broadcast %add3A_667 : i32 to vector<16xi32>
          %add3A_669 = arith.addi %scan3A_553, %add3A_668 : vector<16xi32>
          %scatter3A_670 = arith.constant 0 : i32
          %scatter3A_671 = arith.constant 0 : i32
          %scatter3A_672 = tpu.memref_slice %arg6[%rem3A_334, %scatter3A_670, %scatter3A_671] : memref<2x160x160xf32, #tpu.memory_space<vmem>> -> memref<1x160x160xf32, #tpu.memory_space<vmem>>
          %scatter3A_673 = tpu.memref_squeeze %scatter3A_672 : memref<1x160x160xf32, #tpu.memory_space<vmem>> -> memref<160x160xf32, #tpu.memory_space<vmem>>
          tpu.vector_store_idx %scatter3A_673[%add3A_669, %add3A_533], %get3A_585 {add = true} : memref<160x160xf32, #tpu.memory_space<vmem>>[vector<16xi32>, vector<16xi32>], vector<16xf32>,
          %scatter3A_674 = arith.constant 0 : i32
          %scatter3A_675 = arith.constant 0 : i32
          %scatter3A_676 = tpu.memref_slice %arg6[%rem3A_334, %scatter3A_674, %scatter3A_675] : memref<2x160x160xf32, #tpu.memory_space<vmem>> -> memref<1x160x160xf32, #tpu.memory_space<vmem>>
          %scatter3A_677 = tpu.memref_squeeze %scatter3A_676 : memref<1x160x160xf32, #tpu.memory_space<vmem>> -> memref<160x160xf32, #tpu.memory_space<vmem>>
          tpu.vector_store_idx %scatter3A_677[%add3A_669, %add3A_537], %get3A_591 {add = true} : memref<160x160xf32, #tpu.memory_space<vmem>>[vector<16xi32>, vector<16xi32>], vector<16xf32>,
          %scatter3A_678 = arith.constant 0 : i32
          %scatter3A_679 = arith.constant 0 : i32
          %scatter3A_680 = tpu.memref_slice %arg6[%rem3A_334, %scatter3A_678, %scatter3A_679] : memref<2x160x160xf32, #tpu.memory_space<vmem>> -> memref<1x160x160xf32, #tpu.memory_space<vmem>>
          %scatter3A_681 = tpu.memref_squeeze %scatter3A_680 : memref<1x160x160xf32, #tpu.memory_space<vmem>> -> memref<160x160xf32, #tpu.memory_space<vmem>>
          tpu.vector_store_idx %scatter3A_681[%add3A_669, %add3A_541], %get3A_597 {add = true} : memref<160x160xf32, #tpu.memory_space<vmem>>[vector<16xi32>, vector<16xi32>], vector<16xf32>,
          %scatter3A_682 = arith.constant 0 : i32
          %scatter3A_683 = arith.constant 0 : i32
          %scatter3A_684 = tpu.memref_slice %arg6[%rem3A_334, %scatter3A_682, %scatter3A_683] : memref<2x160x160xf32, #tpu.memory_space<vmem>> -> memref<1x160x160xf32, #tpu.memory_space<vmem>>
          %scatter3A_685 = tpu.memref_squeeze %scatter3A_684 : memref<1x160x160xf32, #tpu.memory_space<vmem>> -> memref<160x160xf32, #tpu.memory_space<vmem>>
          tpu.vector_store_idx %scatter3A_685[%add3A_669, %add3A_545], %get3A_603 {add = true} : memref<160x160xf32, #tpu.memory_space<vmem>>[vector<16xi32>, vector<16xi32>], vector<16xf32>,
          %add3A_686 = arith.constant 2 : i32
          %add3A_687 = vector.broadcast %add3A_686 : i32 to vector<16xi32>
          %add3A_688 = arith.addi %scan3A_553, %add3A_687 : vector<16xi32>
          %scatter3A_689 = arith.constant 0 : i32
          %scatter3A_690 = arith.constant 0 : i32
          %scatter3A_691 = tpu.memref_slice %arg6[%rem3A_334, %scatter3A_689, %scatter3A_690] : memref<2x160x160xf32, #tpu.memory_space<vmem>> -> memref<1x160x160xf32, #tpu.memory_space<vmem>>
          %scatter3A_692 = tpu.memref_squeeze %scatter3A_691 : memref<1x160x160xf32, #tpu.memory_space<vmem>> -> memref<160x160xf32, #tpu.memory_space<vmem>>
          tpu.vector_store_idx %scatter3A_692[%add3A_688, %add3A_533], %get3A_609 {add = true} : memref<160x160xf32, #tpu.memory_space<vmem>>[vector<16xi32>, vector<16xi32>], vector<16xf32>,
          %scatter3A_693 = arith.constant 0 : i32
          %scatter3A_694 = arith.constant 0 : i32
          %scatter3A_695 = tpu.memref_slice %arg6[%rem3A_334, %scatter3A_693, %scatter3A_694] : memref<2x160x160xf32, #tpu.memory_space<vmem>> -> memref<1x160x160xf32, #tpu.memory_space<vmem>>
          %scatter3A_696 = tpu.memref_squeeze %scatter3A_695 : memref<1x160x160xf32, #tpu.memory_space<vmem>> -> memref<160x160xf32, #tpu.memory_space<vmem>>
          tpu.vector_store_idx %scatter3A_696[%add3A_688, %add3A_537], %get3A_615 {add = true} : memref<160x160xf32, #tpu.memory_space<vmem>>[vector<16xi32>, vector<16xi32>], vector<16xf32>,
          %scatter3A_697 = arith.constant 0 : i32
          %scatter3A_698 = arith.constant 0 : i32
          %scatter3A_699 = tpu.memref_slice %arg6[%rem3A_334, %scatter3A_697, %scatter3A_698] : memref<2x160x160xf32, #tpu.memory_space<vmem>> -> memref<1x160x160xf32, #tpu.memory_space<vmem>>
          %scatter3A_700 = tpu.memref_squeeze %scatter3A_699 : memref<1x160x160xf32, #tpu.memory_space<vmem>> -> memref<160x160xf32, #tpu.memory_space<vmem>>
          tpu.vector_store_idx %scatter3A_700[%add3A_688, %add3A_541], %get3A_621 {add = true} : memref<160x160xf32, #tpu.memory_space<vmem>>[vector<16xi32>, vector<16xi32>], vector<16xf32>,
          %scatter3A_701 = arith.constant 0 : i32
          %scatter3A_702 = arith.constant 0 : i32
          %scatter3A_703 = tpu.memref_slice %arg6[%rem3A_334, %scatter3A_701, %scatter3A_702] : memref<2x160x160xf32, #tpu.memory_space<vmem>> -> memref<1x160x160xf32, #tpu.memory_space<vmem>>
          %scatter3A_704 = tpu.memref_squeeze %scatter3A_703 : memref<1x160x160xf32, #tpu.memory_space<vmem>> -> memref<160x160xf32, #tpu.memory_space<vmem>>
          tpu.vector_store_idx %scatter3A_704[%add3A_688, %add3A_545], %get3A_627 {add = true} : memref<160x160xf32, #tpu.memory_space<vmem>>[vector<16xi32>, vector<16xi32>], vector<16xf32>,
          %add3A_705 = arith.constant 3 : i32
          %add3A_706 = vector.broadcast %add3A_705 : i32 to vector<16xi32>
          %add3A_707 = arith.addi %scan3A_553, %add3A_706 : vector<16xi32>
          %scatter3A_708 = arith.constant 0 : i32
          %scatter3A_709 = arith.constant 0 : i32
          %scatter3A_710 = tpu.memref_slice %arg6[%rem3A_334, %scatter3A_708, %scatter3A_709] : memref<2x160x160xf32, #tpu.memory_space<vmem>> -> memref<1x160x160xf32, #tpu.memory_space<vmem>>
          %scatter3A_711 = tpu.memref_squeeze %scatter3A_710 : memref<1x160x160xf32, #tpu.memory_space<vmem>> -> memref<160x160xf32, #tpu.memory_space<vmem>>
          tpu.vector_store_idx %scatter3A_711[%add3A_707, %add3A_533], %get3A_633 {add = true} : memref<160x160xf32, #tpu.memory_space<vmem>>[vector<16xi32>, vector<16xi32>], vector<16xf32>,
          %scatter3A_712 = arith.constant 0 : i32
          %scatter3A_713 = arith.constant 0 : i32
          %scatter3A_714 = tpu.memref_slice %arg6[%rem3A_334, %scatter3A_712, %scatter3A_713] : memref<2x160x160xf32, #tpu.memory_space<vmem>> -> memref<1x160x160xf32, #tpu.memory_space<vmem>>
          %scatter3A_715 = tpu.memref_squeeze %scatter3A_714 : memref<1x160x160xf32, #tpu.memory_space<vmem>> -> memref<160x160xf32, #tpu.memory_space<vmem>>
          tpu.vector_store_idx %scatter3A_715[%add3A_707, %add3A_537], %get3A_639 {add = true} : memref<160x160xf32, #tpu.memory_space<vmem>>[vector<16xi32>, vector<16xi32>], vector<16xf32>,
          %scatter3A_716 = arith.constant 0 : i32
          %scatter3A_717 = arith.constant 0 : i32
          %scatter3A_718 = tpu.memref_slice %arg6[%rem3A_334, %scatter3A_716, %scatter3A_717] : memref<2x160x160xf32, #tpu.memory_space<vmem>> -> memref<1x160x160xf32, #tpu.memory_space<vmem>>
          %scatter3A_719 = tpu.memref_squeeze %scatter3A_718 : memref<1x160x160xf32, #tpu.memory_space<vmem>> -> memref<160x160xf32, #tpu.memory_space<vmem>>
          tpu.vector_store_idx %scatter3A_719[%add3A_707, %add3A_541], %get3A_645 {add = true} : memref<160x160xf32, #tpu.memory_space<vmem>>[vector<16xi32>, vector<16xi32>], vector<16xf32>,
          %scatter3A_720 = arith.constant 0 : i32
          %scatter3A_721 = arith.constant 0 : i32
          %scatter3A_722 = tpu.memref_slice %arg6[%rem3A_334, %scatter3A_720, %scatter3A_721] : memref<2x160x160xf32, #tpu.memory_space<vmem>> -> memref<1x160x160xf32, #tpu.memory_space<vmem>>
          %scatter3A_723 = tpu.memref_squeeze %scatter3A_722 : memref<1x160x160xf32, #tpu.memory_space<vmem>> -> memref<160x160xf32, #tpu.memory_space<vmem>>
          tpu.vector_store_idx %scatter3A_723[%add3A_707, %add3A_545], %get3A_651 {add = true} : memref<160x160xf32, #tpu.memory_space<vmem>>[vector<16xi32>, vector<16xi32>], vector<16xf32>,
          %add3A_724 = arith.constant 4 : i32
          %add3A_725 = vector.broadcast %add3A_724 : i32 to vector<16xi32>
          %add3A_726 = arith.addi %scan3A_553, %add3A_725 : vector<16xi32>
          scf.yield %add3A_726 : vector<16xi32>
        }
        %scan3A_551 = arith.constant 16 : i32
      }
      %add3A_449 = arith.constant 2 : i32
      %add3A_450 = arith.addi %scan3A_332, %add3A_449 : i32
      %sub3A_451 = arith.constant 1 : i32
      %sub3A_452 = arith.subi %add3A_450, %sub3A_451 : i32
      %lt3A_453 = arith.constant 20 : i32
      %lt3A_454 = arith.cmpi slt, %sub3A_452, %lt3A_453 : i32
      %convert_element_type3A_455 = arith.extui %lt3A_454 : i1 to i32
      %cond3A_456 = arith.constant 0 : i32
      %cond3A_457 = arith.cmpi ne, %convert_element_type3A_455, %cond3A_456 : i32
      scf.if %cond3A_457 {
        %add3A_482 = arith.constant 2 : i32
        %add3A_483 = arith.addi %scan3A_332, %add3A_482 : i32
        %sub3A_484 = arith.constant 1 : i32
        %sub3A_485 = arith.subi %add3A_483, %sub3A_484 : i32
        %rem3A_486 = arith.constant 2 : i32
        %rem3A_487 = arith.remsi %sub3A_485, %rem3A_486 : i32
        %ge3A = arith.constant 1 : i32
        %ge3A_488 = arith.cmpi sge, %scan3A_332, %ge3A : i32
        %convert_element_type3A_489 = arith.extui %ge3A_488 : i1 to i32
        %cond3A_490 = arith.constant 0 : i32
        %cond3A_491 = arith.cmpi ne, %convert_element_type3A_489, %cond3A_490 : i32
        scf.if %cond3A_491 {
          %sub3A_629 = arith.constant 1 : i32
          %sub3A_630 = arith.subi %scan3A_332, %sub3A_629 : i32
          %mul3A_631 = arith.constant 32 : i32
          %mul3A_632 = arith.muli %sub3A_630, %mul3A_631 : i32
          %add3A_633 = arith.addi %mul3A_632, %add3A : i32
          %jit3A_634 = arith.constant 320 : i32
          %div3A_635 = arith.divsi %add3A_633, %jit3A_634 : i32
          %sign3A_636 = arith.constant 0 : i32
          %sign3A_637 = arith.cmpi sgt, %add3A_633, %sign3A_636 : i32
          %sign3A_638 = arith.extui %sign3A_637 : i1 to i32
          %sign3A_639 = arith.constant 0 : i32
          %sign3A_640 = arith.cmpi slt, %add3A_633, %sign3A_639 : i32
          %sign3A_641 = arith.extui %sign3A_640 : i1 to i32
          %sign3A_642 = arith.subi %sign3A_638, %sign3A_641 : i32
          %sign3A_643 = arith.constant 0 : i32
          %sign3A_644 = arith.cmpi sgt, %jit3A_634, %sign3A_643 : i32
          %sign3A_645 = arith.extui %sign3A_644 : i1 to i32
          %sign3A_646 = arith.constant 0 : i32
          %sign3A_647 = arith.cmpi slt, %jit3A_634, %sign3A_646 : i32
          %sign3A_648 = arith.extui %sign3A_647 : i1 to i32
          %sign3A_649 = arith.subi %sign3A_645, %sign3A_648 : i32
          %ne3A_650 = arith.cmpi ne, %sign3A_642, %sign3A_649 : i32
          %rem3A_651 = arith.remsi %add3A_633, %jit3A_634 : i32
          %ne3A_652 = arith.constant 0 : i32
          %ne3A_653 = arith.cmpi ne, %rem3A_651, %ne3A_652 : i32
          %and3A_654 = arith.andi %ne3A_650, %ne3A_653 : i1
          %sub3A_655 = arith.constant 1 : i32
          %sub3A_656 = arith.subi %div3A_635, %sub3A_655 : i32
          %select_n3A_657 = arith.select %and3A_654, %sub3A_656, %div3A_635 : i32
          %jit3A_658 = arith.constant 160 : i32
          %div3A_659 = arith.divsi %add3A_633, %jit3A_658 : i32
          %sign3A_660 = arith.constant 0 : i32
          %sign3A_661 = arith.cmpi sgt, %add3A_633, %sign3A_660 : i32
          %sign3A_662 = arith.extui %sign3A_661 : i1 to i32
          %sign3A_663 = arith.constant 0 : i32
          %sign3A_664 = arith.cmpi slt, %add3A_633, %sign3A_663 : i32
          %sign3A_665 = arith.extui %sign3A_664 : i1 to i32
          %sign3A_666 = arith.subi %sign3A_662, %sign3A_665 : i32
          %sign3A_667 = arith.constant 0 : i32
          %sign3A_668 = arith.cmpi sgt, %jit3A_658, %sign3A_667 : i32
          %sign3A_669 = arith.extui %sign3A_668 : i1 to i32
          %sign3A_670 = arith.constant 0 : i32
          %sign3A_671 = arith.cmpi slt, %jit3A_658, %sign3A_670 : i32
          %sign3A_672 = arith.extui %sign3A_671 : i1 to i32
          %sign3A_673 = arith.subi %sign3A_669, %sign3A_672 : i32
          %ne3A_674 = arith.cmpi ne, %sign3A_666, %sign3A_673 : i32
          %rem3A_675 = arith.remsi %add3A_633, %jit3A_658 : i32
          %ne3A_676 = arith.constant 0 : i32
          %ne3A_677 = arith.cmpi ne, %rem3A_675, %ne3A_676 : i32
          %and3A_678 = arith.andi %ne3A_674, %ne3A_677 : i1
          %sub3A_679 = arith.constant 1 : i32
          %sub3A_680 = arith.subi %div3A_659, %sub3A_679 : i32
          %select_n3A_681 = arith.select %and3A_678, %sub3A_680, %div3A_659 : i32
          %jit3A_682 = arith.constant 2 : i32
          %eq3A_683 = arith.constant 0 : i32
          %eq3A_684 = arith.cmpi eq, %jit3A_682, %eq3A_683 : i32
          %jit3A_685 = arith.constant 1 : i32
          %select_n3A_686 = arith.select %eq3A_684, %jit3A_685, %jit3A_682 : i32
          %rem3A_687 = arith.remsi %select_n3A_681, %select_n3A_686 : i32
          %ne3A_688 = arith.constant 0 : i32
          %ne3A_689 = arith.cmpi ne, %rem3A_687, %ne3A_688 : i32
          %lt3A_690 = arith.constant 0 : i32
          %lt3A_691 = arith.cmpi slt, %rem3A_687, %lt3A_690 : i32
          %lt3A_692 = arith.constant 0 : i32
          %lt3A_693 = arith.cmpi slt, %select_n3A_686, %lt3A_692 : i32
          %ne3A_694 = arith.xori %lt3A_691, %lt3A_693 : i1
          %and3A_695 = arith.andi %ne3A_694, %ne3A_689 : i1
          %add3A_696 = arith.addi %rem3A_687, %select_n3A_686 : i32
          %select_n3A_697 = arith.select %and3A_695, %add3A_696, %rem3A_687 : i32
          %jit3A_698 = arith.constant 160 : i32
          %eq3A_699 = arith.constant 0 : i32
          %eq3A_700 = arith.cmpi eq, %jit3A_698, %eq3A_699 : i32
          %jit3A_701 = arith.constant 1 : i32
          %select_n3A_702 = arith.select %eq3A_700, %jit3A_701, %jit3A_698 : i32
          %rem3A_703 = arith.remsi %add3A_633, %select_n3A_702 : i32
          %ne3A_704 = arith.constant 0 : i32
          %ne3A_705 = arith.cmpi ne, %rem3A_703, %ne3A_704 : i32
          %lt3A_706 = arith.constant 0 : i32
          %lt3A_707 = arith.cmpi slt, %rem3A_703, %lt3A_706 : i32
          %lt3A_708 = arith.constant 0 : i32
          %lt3A_709 = arith.cmpi slt, %select_n3A_702, %lt3A_708 : i32
          %ne3A_710 = arith.xori %lt3A_707, %lt3A_709 : i1
          %and3A_711 = arith.andi %ne3A_710, %ne3A_705 : i1
          %add3A_712 = arith.addi %rem3A_703, %select_n3A_702 : i32
          %select_n3A_713 = arith.select %and3A_711, %add3A_712, %rem3A_703 : i32
          %dma_wait3A_714 = arith.constant 0 : i32
          %dma_wait3A_715 = arith.constant 0 : i32
          %dma_wait3A_716 = tpu.memref_slice %arg6[%rem3A_487, %dma_wait3A_714, %dma_wait3A_715] : memref<2x160x160xf32, #tpu.memory_space<vmem>> -> memref<1x160x160xf32, #tpu.memory_space<vmem>>
          %dma_wait3A_717 = tpu.memref_squeeze %dma_wait3A_716 : memref<1x160x160xf32, #tpu.memory_space<vmem>> -> memref<160x160xf32, #tpu.memory_space<vmem>>
          %dma_wait3A_718 = arith.constant 0 : i32
          %dma_wait3A_719 = arith.constant 0 : i32
          %dma_wait3A_720 = tpu.memref_slice %arg5[%select_n3A_657, %select_n3A_697, %select_n3A_713, %dma_wait3A_718, %dma_wait3A_719] : memref<2x2x160x160x160xf32, #tpu.memory_space<hbm>> -> memref<1x1x1x160x160xf32, #tpu.memory_space<hbm>>
          %dma_wait3A_721 = tpu.memref_squeeze %dma_wait3A_720 : memref<1x1x1x160x160xf32, #tpu.memory_space<hbm>> -> memref<160x160xf32, #tpu.memory_space<hbm>>
          %dma_wait3A_722 = tpu.memref_slice %arg13[%rem3A_487] : memref<2x!tpu.dma_semaphore, #tpu.memory_space<semaphore_mem>> -> memref<1x!tpu.dma_semaphore, #tpu.memory_space<semaphore_mem>>
          %dma_wait3A_723 = tpu.memref_squeeze %dma_wait3A_722 : memref<1x!tpu.dma_semaphore, #tpu.memory_space<semaphore_mem>> -> memref<!tpu.dma_semaphore, #tpu.memory_space<semaphore_mem>>
          %dma_wait3A_724 = arith.constant 0 : i32
          %dma_wait3A_725 = arith.constant 0 : i32
          %dma_wait3A_726 = tpu.memref_slice %arg5[%select_n3A_657, %select_n3A_697, %select_n3A_713, %dma_wait3A_724, %dma_wait3A_725] : memref<2x2x160x160x160xf32, #tpu.memory_space<hbm>> -> memref<1x1x1x160x160xf32, #tpu.memory_space<hbm>>
          %dma_wait3A_727 = tpu.memref_squeeze %dma_wait3A_726 : memref<1x1x1x160x160xf32, #tpu.memory_space<hbm>> -> memref<160x160xf32, #tpu.memory_space<hbm>>
          %dma_wait3A_728 = arith.constant 0 : i32
          %dma_wait3A_729 = arith.constant 0 : i32
          %dma_wait3A_730 = tpu.memref_slice %arg6[%rem3A_487, %dma_wait3A_728, %dma_wait3A_729] : memref<2x160x160xf32, #tpu.memory_space<vmem>> -> memref<1x160x160xf32, #tpu.memory_space<vmem>>
          %dma_wait3A_731 = tpu.memref_squeeze %dma_wait3A_730 : memref<1x160x160xf32, #tpu.memory_space<vmem>> -> memref<160x160xf32, #tpu.memory_space<vmem>>
          tpu.wait_dma2 semaphore(%dma_wait3A_723 : memref<!tpu.dma_semaphore, #tpu.memory_space<semaphore_mem>>) src(%dma_wait3A_731 : memref<160x160xf32, #tpu.memory_space<vmem>>) dst(%dma_wait3A_727 : memref<160x160xf32, #tpu.memory_space<hbm>>)
        } else {
        }
        %add3A_492 = arith.constant 2 : i32
        %add3A_493 = arith.addi %scan3A_332, %add3A_492 : i32
        %sub3A_494 = arith.constant 1 : i32
        %sub3A_495 = arith.subi %add3A_493, %sub3A_494 : i32
        %mul3A_496 = arith.constant 32 : i32
        %mul3A_497 = arith.muli %sub3A_495, %mul3A_496 : i32
        %add3A_498 = arith.addi %mul3A_497, %add3A : i32
        %jit3A_499 = arith.constant 320 : i32
        %div3A_500 = arith.divsi %add3A_498, %jit3A_499 : i32
        %sign3A_501 = arith.constant 0 : i32
        %sign3A_502 = arith.cmpi sgt, %add3A_498, %sign3A_501 : i32
        %sign3A_503 = arith.extui %sign3A_502 : i1 to i32
        %sign3A_504 = arith.constant 0 : i32
        %sign3A_505 = arith.cmpi slt, %add3A_498, %sign3A_504 : i32
        %sign3A_506 = arith.extui %sign3A_505 : i1 to i32
        %sign3A_507 = arith.subi %sign3A_503, %sign3A_506 : i32
        %sign3A_508 = arith.constant 0 : i32
        %sign3A_509 = arith.cmpi sgt, %jit3A_499, %sign3A_508 : i32
        %sign3A_510 = arith.extui %sign3A_509 : i1 to i32
        %sign3A_511 = arith.constant 0 : i32
        %sign3A_512 = arith.cmpi slt, %jit3A_499, %sign3A_511 : i32
        %sign3A_513 = arith.extui %sign3A_512 : i1 to i32
        %sign3A_514 = arith.subi %sign3A_510, %sign3A_513 : i32
        %ne3A_515 = arith.cmpi ne, %sign3A_507, %sign3A_514 : i32
        %rem3A_516 = arith.remsi %add3A_498, %jit3A_499 : i32
        %ne3A_517 = arith.constant 0 : i32
        %ne3A_518 = arith.cmpi ne, %rem3A_516, %ne3A_517 : i32
        %and3A_519 = arith.andi %ne3A_515, %ne3A_518 : i1
        %sub3A_520 = arith.constant 1 : i32
        %sub3A_521 = arith.subi %div3A_500, %sub3A_520 : i32
        %select_n3A_522 = arith.select %and3A_519, %sub3A_521, %div3A_500 : i32
        %jit3A_523 = arith.constant 160 : i32
        %div3A_524 = arith.divsi %add3A_498, %jit3A_523 : i32
        %sign3A_525 = arith.constant 0 : i32
        %sign3A_526 = arith.cmpi sgt, %add3A_498, %sign3A_525 : i32
        %sign3A_527 = arith.extui %sign3A_526 : i1 to i32
        %sign3A_528 = arith.constant 0 : i32
        %sign3A_529 = arith.cmpi slt, %add3A_498, %sign3A_528 : i32
        %sign3A_530 = arith.extui %sign3A_529 : i1 to i32
        %sign3A_531 = arith.subi %sign3A_527, %sign3A_530 : i32
        %sign3A_532 = arith.constant 0 : i32
        %sign3A_533 = arith.cmpi sgt, %jit3A_523, %sign3A_532 : i32
        %sign3A_534 = arith.extui %sign3A_533 : i1 to i32
        %sign3A_535 = arith.constant 0 : i32
        %sign3A_536 = arith.cmpi slt, %jit3A_523, %sign3A_535 : i32
        %sign3A_537 = arith.extui %sign3A_536 : i1 to i32
        %sign3A_538 = arith.subi %sign3A_534, %sign3A_537 : i32
        %ne3A_539 = arith.cmpi ne, %sign3A_531, %sign3A_538 : i32
        %rem3A_540 = arith.remsi %add3A_498, %jit3A_523 : i32
        %ne3A_541 = arith.constant 0 : i32
        %ne3A_542 = arith.cmpi ne, %rem3A_540, %ne3A_541 : i32
        %and3A_543 = arith.andi %ne3A_539, %ne3A_542 : i1
        %sub3A_544 = arith.constant 1 : i32
        %sub3A_545 = arith.subi %div3A_524, %sub3A_544 : i32
        %select_n3A_546 = arith.select %and3A_543, %sub3A_545, %div3A_524 : i32
        %jit3A_547 = arith.constant 2 : i32
        %eq3A_548 = arith.constant 0 : i32
        %eq3A_549 = arith.cmpi eq, %jit3A_547, %eq3A_548 : i32
        %jit3A_550 = arith.constant 1 : i32
        %select_n3A_551 = arith.select %eq3A_549, %jit3A_550, %jit3A_547 : i32
        %rem3A_552 = arith.remsi %select_n3A_546, %select_n3A_551 : i32
        %ne3A_553 = arith.constant 0 : i32
        %ne3A_554 = arith.cmpi ne, %rem3A_552, %ne3A_553 : i32
        %lt3A_555 = arith.constant 0 : i32
        %lt3A_556 = arith.cmpi slt, %rem3A_552, %lt3A_555 : i32
        %lt3A_557 = arith.constant 0 : i32
        %lt3A_558 = arith.cmpi slt, %select_n3A_551, %lt3A_557 : i32
        %ne3A_559 = arith.xori %lt3A_556, %lt3A_558 : i1
        %and3A_560 = arith.andi %ne3A_559, %ne3A_554 : i1
        %add3A_561 = arith.addi %rem3A_552, %select_n3A_551 : i32
        %select_n3A_562 = arith.select %and3A_560, %add3A_561, %rem3A_552 : i32
        %jit3A_563 = arith.constant 160 : i32
        %eq3A_564 = arith.constant 0 : i32
        %eq3A_565 = arith.cmpi eq, %jit3A_563, %eq3A_564 : i32
        %jit3A_566 = arith.constant 1 : i32
        %select_n3A_567 = arith.select %eq3A_565, %jit3A_566, %jit3A_563 : i32
        %rem3A_568 = arith.remsi %add3A_498, %select_n3A_567 : i32
        %ne3A_569 = arith.constant 0 : i32
        %ne3A_570 = arith.cmpi ne, %rem3A_568, %ne3A_569 : i32
        %lt3A_571 = arith.constant 0 : i32
        %lt3A_572 = arith.cmpi slt, %rem3A_568, %lt3A_571 : i32
        %lt3A_573 = arith.constant 0 : i32
        %lt3A_574 = arith.cmpi slt, %select_n3A_567, %lt3A_573 : i32
        %ne3A_575 = arith.xori %lt3A_572, %lt3A_574 : i1
        %and3A_576 = arith.andi %ne3A_575, %ne3A_570 : i1
        %add3A_577 = arith.addi %rem3A_568, %select_n3A_567 : i32
        %select_n3A_578 = arith.select %and3A_576, %add3A_577, %rem3A_568 : i32
        %jit3A_579 = arith.constant 2 : i32
        %eq3A_580 = arith.constant 0 : i32
        %eq3A_581 = arith.cmpi eq, %jit3A_579, %eq3A_580 : i32
        %jit3A_582 = arith.constant 1 : i32
        %select_n3A_583 = arith.select %eq3A_581, %jit3A_582, %jit3A_579 : i32
        %rem3A_584 = arith.remsi %sub3A_495, %select_n3A_583 : i32
        %ne3A_585 = arith.constant 0 : i32
        %ne3A_586 = arith.cmpi ne, %rem3A_584, %ne3A_585 : i32
        %lt3A_587 = arith.constant 0 : i32
        %lt3A_588 = arith.cmpi slt, %rem3A_584, %lt3A_587 : i32
        %lt3A_589 = arith.constant 0 : i32
        %lt3A_590 = arith.cmpi slt, %select_n3A_583, %lt3A_589 : i32
        %ne3A_591 = arith.xori %lt3A_588, %lt3A_590 : i1
        %and3A_592 = arith.andi %ne3A_591, %ne3A_586 : i1
        %add3A_593 = arith.addi %rem3A_584, %select_n3A_583 : i32
        %select_n3A_594 = arith.select %and3A_592, %add3A_593, %rem3A_584 : i32
        %jit3A_595 = arith.constant 2 : i32
        %eq3A_596 = arith.constant 0 : i32
        %eq3A_597 = arith.cmpi eq, %jit3A_595, %eq3A_596 : i32
        %jit3A_598 = arith.constant 1 : i32
        %select_n3A_599 = arith.select %eq3A_597, %jit3A_598, %jit3A_595 : i32
        %rem3A_600 = arith.remsi %sub3A_495, %select_n3A_599 : i32
        %ne3A_601 = arith.constant 0 : i32
        %ne3A_602 = arith.cmpi ne, %rem3A_600, %ne3A_601 : i32
        %lt3A_603 = arith.constant 0 : i32
        %lt3A_604 = arith.cmpi slt, %rem3A_600, %lt3A_603 : i32
        %lt3A_605 = arith.constant 0 : i32
        %lt3A_606 = arith.cmpi slt, %select_n3A_599, %lt3A_605 : i32
        %ne3A_607 = arith.xori %lt3A_604, %lt3A_606 : i1
        %and3A_608 = arith.andi %ne3A_607, %ne3A_602 : i1
        %add3A_609 = arith.addi %rem3A_600, %select_n3A_599 : i32
        %select_n3A_610 = arith.select %and3A_608, %add3A_609, %rem3A_600 : i32
        %dma_start3A_611 = arith.constant 0 : i32
        %dma_start3A_612 = arith.constant 0 : i32
        %dma_start3A_613 = tpu.memref_slice %arg6[%select_n3A_594, %dma_start3A_611, %dma_start3A_612] : memref<2x160x160xf32, #tpu.memory_space<vmem>> -> memref<1x160x160xf32, #tpu.memory_space<vmem>>
        %dma_start3A_614 = tpu.memref_squeeze %dma_start3A_613 : memref<1x160x160xf32, #tpu.memory_space<vmem>> -> memref<160x160xf32, #tpu.memory_space<vmem>>
        %dma_start3A_615 = arith.constant 0 : i32
        %dma_start3A_616 = arith.constant 0 : i32
        %dma_start3A_617 = tpu.memref_slice %arg3[%select_n3A_522, %select_n3A_562, %select_n3A_578, %dma_start3A_615, %dma_start3A_616] : memref<2x2x160x160x160xf32, #tpu.memory_space<hbm>> -> memref<1x1x1x160x160xf32, #tpu.memory_space<hbm>>
        %dma_start3A_618 = tpu.memref_squeeze %dma_start3A_617 : memref<1x1x1x160x160xf32, #tpu.memory_space<hbm>> -> memref<160x160xf32, #tpu.memory_space<hbm>>
        %dma_start3A_619 = tpu.memref_slice %arg12[%select_n3A_610] : memref<2x!tpu.dma_semaphore, #tpu.memory_space<semaphore_mem>> -> memref<1x!tpu.dma_semaphore, #tpu.memory_space<semaphore_mem>>
        %dma_start3A_620 = tpu.memref_squeeze %dma_start3A_619 : memref<1x!tpu.dma_semaphore, #tpu.memory_space<semaphore_mem>> -> memref<!tpu.dma_semaphore, #tpu.memory_space<semaphore_mem>>
        %dma_start3A_621 = arith.constant 0 : i32
        %dma_start3A_622 = arith.constant 0 : i32
        %dma_start3A_623 = tpu.memref_slice %arg6[%select_n3A_594, %dma_start3A_621, %dma_start3A_622] : memref<2x160x160xf32, #tpu.memory_space<vmem>> -> memref<1x160x160xf32, #tpu.memory_space<vmem>>
        %dma_start3A_624 = tpu.memref_squeeze %dma_start3A_623 : memref<1x160x160xf32, #tpu.memory_space<vmem>> -> memref<160x160xf32, #tpu.memory_space<vmem>>
        %dma_start3A_625 = arith.constant 0 : i32
        %dma_start3A_626 = arith.constant 0 : i32
        %dma_start3A_627 = tpu.memref_slice %arg3[%select_n3A_522, %select_n3A_562, %select_n3A_578, %dma_start3A_625, %dma_start3A_626] : memref<2x2x160x160x160xf32, #tpu.memory_space<hbm>> -> memref<1x1x1x160x160xf32, #tpu.memory_space<hbm>>
        %dma_start3A_628 = tpu.memref_squeeze %dma_start3A_627 : memref<1x1x1x160x160xf32, #tpu.memory_space<hbm>> -> memref<160x160xf32, #tpu.memory_space<hbm>>
        tpu.enqueue_dma source(%dma_start3A_628 : memref<160x160xf32, #tpu.memory_space<hbm>>) target(%dma_start3A_624 : memref<160x160xf32, #tpu.memory_space<vmem>>) target_semaphore(%dma_start3A_620 : memref<!tpu.dma_semaphore, #tpu.memory_space<semaphore_mem>>)
      } else {
      }
      %scan3A_458 = arith.constant 0 : i32
      %scan3A_459 = arith.constant 0 : i32
      %scan3A_460 = arith.constant 80 : i32
      %scan3A_461 = arith.addi %scan3A_459, %scan3A_460 : i32
      %scan3A_462 = arith.constant 1 : i32
      scf.for %scan3A_482 = %scan3A_459 to %scan3A_461 step %scan3A_462  : i32 {
        %mul3A_483 = arith.constant 2 : i32
        %mul3A_484 = arith.muli %scan3A_482, %mul3A_483 : i32
        %add3A_485 = arith.constant 0 : i32
        %add3A_486 = arith.addi %mul3A_484, %add3A_485 : i32
        %get3A_487 = arith.index_cast %rem3A_334 : i32 to index
        %get3A_488 = arith.index_cast %add3A_486 : i32 to index
        %get3A_489 = arith.constant 0 : index
        %get3A_490 = tpu.vector_load %arg6[%get3A_487, %get3A_488, %get3A_489] {strides = array<i32>} : memref<2x160x160xf32, #tpu.memory_space<vmem>>, vector<16xf32>,
        %mul3A_491 = arith.constant 5.000000e-01 : f32
        %mul3A_492 = vector.broadcast %mul3A_491 : f32 to vector<16xf32>
        %mul3A_493 = arith.mulf %get3A_490, %mul3A_492 : vector<16xf32>
        %add3A_494 = arith.constant 0 : i32
        %add3A_495 = arith.addi %mul3A_484, %add3A_494 : i32
        %get3A_496 = arith.index_cast %rem3A_334 : i32 to index
        %get3A_497 = arith.index_cast %add3A_495 : i32 to index
        %get3A_498 = arith.constant 16 : index
        %get3A_499 = tpu.vector_load %arg6[%get3A_496, %get3A_497, %get3A_498] {strides = array<i32>} : memref<2x160x160xf32, #tpu.memory_space<vmem>>, vector<16xf32>,
        %mul3A_500 = arith.constant 5.000000e-01 : f32
        %mul3A_501 = vector.broadcast %mul3A_500 : f32 to vector<16xf32>
        %mul3A_502 = arith.mulf %get3A_499, %mul3A_501 : vector<16xf32>
        %add3A_503 = arith.constant 0 : i32
        %add3A_504 = arith.addi %mul3A_484, %add3A_503 : i32
        %get3A_505 = arith.index_cast %rem3A_334 : i32 to index
        %get3A_506 = arith.index_cast %add3A_504 : i32 to index
        %get3A_507 = arith.constant 32 : index
        %get3A_508 = tpu.vector_load %arg6[%get3A_505, %get3A_506, %get3A_507] {strides = array<i32>} : memref<2x160x160xf32, #tpu.memory_space<vmem>>, vector<16xf32>,
        %mul3A_509 = arith.constant 5.000000e-01 : f32
        %mul3A_510 = vector.broadcast %mul3A_509 : f32 to vector<16xf32>
        %mul3A_511 = arith.mulf %get3A_508, %mul3A_510 : vector<16xf32>
        %add3A_512 = arith.constant 0 : i32
        %add3A_513 = arith.addi %mul3A_484, %add3A_512 : i32
        %get3A_514 = arith.index_cast %rem3A_334 : i32 to index
        %get3A_515 = arith.index_cast %add3A_513 : i32 to index
        %get3A_516 = arith.constant 48 : index
        %get3A_517 = tpu.vector_load %arg6[%get3A_514, %get3A_515, %get3A_516] {strides = array<i32>} : memref<2x160x160xf32, #tpu.memory_space<vmem>>, vector<16xf32>,
        %mul3A_518 = arith.constant 5.000000e-01 : f32
        %mul3A_519 = vector.broadcast %mul3A_518 : f32 to vector<16xf32>
        %mul3A_520 = arith.mulf %get3A_517, %mul3A_519 : vector<16xf32>
        %add3A_521 = arith.constant 0 : i32
        %add3A_522 = arith.addi %mul3A_484, %add3A_521 : i32
        %get3A_523 = arith.index_cast %rem3A_334 : i32 to index
        %get3A_524 = arith.index_cast %add3A_522 : i32 to index
        %get3A_525 = arith.constant 64 : index
        %get3A_526 = tpu.vector_load %arg6[%get3A_523, %get3A_524, %get3A_525] {strides = array<i32>} : memref<2x160x160xf32, #tpu.memory_space<vmem>>, vector<16xf32>,
        %mul3A_527 = arith.constant 5.000000e-01 : f32
        %mul3A_528 = vector.broadcast %mul3A_527 : f32 to vector<16xf32>
        %mul3A_529 = arith.mulf %get3A_526, %mul3A_528 : vector<16xf32>
        %add3A_530 = arith.constant 0 : i32
        %add3A_531 = arith.addi %mul3A_484, %add3A_530 : i32
        %get3A_532 = arith.index_cast %rem3A_334 : i32 to index
        %get3A_533 = arith.index_cast %add3A_531 : i32 to index
        %get3A_534 = arith.constant 80 : index
        %get3A_535 = tpu.vector_load %arg6[%get3A_532, %get3A_533, %get3A_534] {strides = array<i32>} : memref<2x160x160xf32, #tpu.memory_space<vmem>>, vector<16xf32>,
        %mul3A_536 = arith.constant 5.000000e-01 : f32
        %mul3A_537 = vector.broadcast %mul3A_536 : f32 to vector<16xf32>
        %mul3A_538 = arith.mulf %get3A_535, %mul3A_537 : vector<16xf32>
        %add3A_539 = arith.constant 0 : i32
        %add3A_540 = arith.addi %mul3A_484, %add3A_539 : i32
        %get3A_541 = arith.index_cast %rem3A_334 : i32 to index
        %get3A_542 = arith.index_cast %add3A_540 : i32 to index
        %get3A_543 = arith.constant 96 : index
        %get3A_544 = tpu.vector_load %arg6[%get3A_541, %get3A_542, %get3A_543] {strides = array<i32>} : memref<2x160x160xf32, #tpu.memory_space<vmem>>, vector<16xf32>,
        %mul3A_545 = arith.constant 5.000000e-01 : f32
        %mul3A_546 = vector.broadcast %mul3A_545 : f32 to vector<16xf32>
        %mul3A_547 = arith.mulf %get3A_544, %mul3A_546 : vector<16xf32>
        %add3A_548 = arith.constant 0 : i32
        %add3A_549 = arith.addi %mul3A_484, %add3A_548 : i32
        %get3A_550 = arith.index_cast %rem3A_334 : i32 to index
        %get3A_551 = arith.index_cast %add3A_549 : i32 to index
        %get3A_552 = arith.constant 112 : index
        %get3A_553 = tpu.vector_load %arg6[%get3A_550, %get3A_551, %get3A_552] {strides = array<i32>} : memref<2x160x160xf32, #tpu.memory_space<vmem>>, vector<16xf32>,
        %mul3A_554 = arith.constant 5.000000e-01 : f32
        %mul3A_555 = vector.broadcast %mul3A_554 : f32 to vector<16xf32>
        %mul3A_556 = arith.mulf %get3A_553, %mul3A_555 : vector<16xf32>
        %add3A_557 = arith.constant 0 : i32
        %add3A_558 = arith.addi %mul3A_484, %add3A_557 : i32
        %get3A_559 = arith.index_cast %rem3A_334 : i32 to index
        %get3A_560 = arith.index_cast %add3A_558 : i32 to index
        %get3A_561 = arith.constant 128 : index
        %get3A_562 = tpu.vector_load %arg6[%get3A_559, %get3A_560, %get3A_561] {strides = array<i32>} : memref<2x160x160xf32, #tpu.memory_space<vmem>>, vector<16xf32>,
        %mul3A_563 = arith.constant 5.000000e-01 : f32
        %mul3A_564 = vector.broadcast %mul3A_563 : f32 to vector<16xf32>
        %mul3A_565 = arith.mulf %get3A_562, %mul3A_564 : vector<16xf32>
        %add3A_566 = arith.constant 0 : i32
        %add3A_567 = arith.addi %mul3A_484, %add3A_566 : i32
        %get3A_568 = arith.index_cast %rem3A_334 : i32 to index
        %get3A_569 = arith.index_cast %add3A_567 : i32 to index
        %get3A_570 = arith.constant 144 : index
        %get3A_571 = tpu.vector_load %arg6[%get3A_568, %get3A_569, %get3A_570] {strides = array<i32>} : memref<2x160x160xf32, #tpu.memory_space<vmem>>, vector<16xf32>,
        %mul3A_572 = arith.constant 5.000000e-01 : f32
        %mul3A_573 = vector.broadcast %mul3A_572 : f32 to vector<16xf32>
        %mul3A_574 = arith.mulf %get3A_571, %mul3A_573 : vector<16xf32>
        %add3A_575 = arith.constant 1 : i32
        %add3A_576 = arith.addi %mul3A_484, %add3A_575 : i32
        %get3A_577 = arith.index_cast %rem3A_334 : i32 to index
        %get3A_578 = arith.index_cast %add3A_576 : i32 to index
        %get3A_579 = arith.constant 0 : index
        %get3A_580 = tpu.vector_load %arg6[%get3A_577, %get3A_578, %get3A_579] {strides = array<i32>} : memref<2x160x160xf32, #tpu.memory_space<vmem>>, vector<16xf32>,
        %mul3A_581 = arith.constant 5.000000e-01 : f32
        %mul3A_582 = vector.broadcast %mul3A_581 : f32 to vector<16xf32>
        %mul3A_583 = arith.mulf %get3A_580, %mul3A_582 : vector<16xf32>
        %add3A_584 = arith.constant 1 : i32
        %add3A_585 = arith.addi %mul3A_484, %add3A_584 : i32
        %get3A_586 = arith.index_cast %rem3A_334 : i32 to index
        %get3A_587 = arith.index_cast %add3A_585 : i32 to index
        %get3A_588 = arith.constant 16 : index
        %get3A_589 = tpu.vector_load %arg6[%get3A_586, %get3A_587, %get3A_588] {strides = array<i32>} : memref<2x160x160xf32, #tpu.memory_space<vmem>>, vector<16xf32>,
        %mul3A_590 = arith.constant 5.000000e-01 : f32
        %mul3A_591 = vector.broadcast %mul3A_590 : f32 to vector<16xf32>
        %mul3A_592 = arith.mulf %get3A_589, %mul3A_591 : vector<16xf32>
        %add3A_593 = arith.constant 1 : i32
        %add3A_594 = arith.addi %mul3A_484, %add3A_593 : i32
        %get3A_595 = arith.index_cast %rem3A_334 : i32 to index
        %get3A_596 = arith.index_cast %add3A_594 : i32 to index
        %get3A_597 = arith.constant 32 : index
        %get3A_598 = tpu.vector_load %arg6[%get3A_595, %get3A_596, %get3A_597] {strides = array<i32>} : memref<2x160x160xf32, #tpu.memory_space<vmem>>, vector<16xf32>,
        %mul3A_599 = arith.constant 5.000000e-01 : f32
        %mul3A_600 = vector.broadcast %mul3A_599 : f32 to vector<16xf32>
        %mul3A_601 = arith.mulf %get3A_598, %mul3A_600 : vector<16xf32>
        %add3A_602 = arith.constant 1 : i32
        %add3A_603 = arith.addi %mul3A_484, %add3A_602 : i32
        %get3A_604 = arith.index_cast %rem3A_334 : i32 to index
        %get3A_605 = arith.index_cast %add3A_603 : i32 to index
        %get3A_606 = arith.constant 48 : index
        %get3A_607 = tpu.vector_load %arg6[%get3A_604, %get3A_605, %get3A_606] {strides = array<i32>} : memref<2x160x160xf32, #tpu.memory_space<vmem>>, vector<16xf32>,
        %mul3A_608 = arith.constant 5.000000e-01 : f32
        %mul3A_609 = vector.broadcast %mul3A_608 : f32 to vector<16xf32>
        %mul3A_610 = arith.mulf %get3A_607, %mul3A_609 : vector<16xf32>
        %add3A_611 = arith.constant 1 : i32
        %add3A_612 = arith.addi %mul3A_484, %add3A_611 : i32
        %get3A_613 = arith.index_cast %rem3A_334 : i32 to index
        %get3A_614 = arith.index_cast %add3A_612 : i32 to index
        %get3A_615 = arith.constant 64 : index
        %get3A_616 = tpu.vector_load %arg6[%get3A_613, %get3A_614, %get3A_615] {strides = array<i32>} : memref<2x160x160xf32, #tpu.memory_space<vmem>>, vector<16xf32>,
        %mul3A_617 = arith.constant 5.000000e-01 : f32
        %mul3A_618 = vector.broadcast %mul3A_617 : f32 to vector<16xf32>
        %mul3A_619 = arith.mulf %get3A_616, %mul3A_618 : vector<16xf32>
        %add3A_620 = arith.constant 1 : i32
        %add3A_621 = arith.addi %mul3A_484, %add3A_620 : i32
        %get3A_622 = arith.index_cast %rem3A_334 : i32 to index
        %get3A_623 = arith.index_cast %add3A_621 : i32 to index
        %get3A_624 = arith.constant 80 : index
        %get3A_625 = tpu.vector_load %arg6[%get3A_622, %get3A_623, %get3A_624] {strides = array<i32>} : memref<2x160x160xf32, #tpu.memory_space<vmem>>, vector<16xf32>,
        %mul3A_626 = arith.constant 5.000000e-01 : f32
        %mul3A_627 = vector.broadcast %mul3A_626 : f32 to vector<16xf32>
        %mul3A_628 = arith.mulf %get3A_625, %mul3A_627 : vector<16xf32>
        %add3A_629 = arith.constant 1 : i32
        %add3A_630 = arith.addi %mul3A_484, %add3A_629 : i32
        %get3A_631 = arith.index_cast %rem3A_334 : i32 to index
        %get3A_632 = arith.index_cast %add3A_630 : i32 to index
        %get3A_633 = arith.constant 96 : index
        %get3A_634 = tpu.vector_load %arg6[%get3A_631, %get3A_632, %get3A_633] {strides = array<i32>} : memref<2x160x160xf32, #tpu.memory_space<vmem>>, vector<16xf32>,
        %mul3A_635 = arith.constant 5.000000e-01 : f32
        %mul3A_636 = vector.broadcast %mul3A_635 : f32 to vector<16xf32>
        %mul3A_637 = arith.mulf %get3A_634, %mul3A_636 : vector<16xf32>
        %add3A_638 = arith.constant 1 : i32
        %add3A_639 = arith.addi %mul3A_484, %add3A_638 : i32
        %get3A_640 = arith.index_cast %rem3A_334 : i32 to index
        %get3A_641 = arith.index_cast %add3A_639 : i32 to index
        %get3A_642 = arith.constant 112 : index
        %get3A_643 = tpu.vector_load %arg6[%get3A_640, %get3A_641, %get3A_642] {strides = array<i32>} : memref<2x160x160xf32, #tpu.memory_space<vmem>>, vector<16xf32>,
        %mul3A_644 = arith.constant 5.000000e-01 : f32
        %mul3A_645 = vector.broadcast %mul3A_644 : f32 to vector<16xf32>
        %mul3A_646 = arith.mulf %get3A_643, %mul3A_645 : vector<16xf32>
        %add3A_647 = arith.constant 1 : i32
        %add3A_648 = arith.addi %mul3A_484, %add3A_647 : i32
        %get3A_649 = arith.index_cast %rem3A_334 : i32 to index
        %get3A_650 = arith.index_cast %add3A_648 : i32 to index
        %get3A_651 = arith.constant 128 : index
        %get3A_652 = tpu.vector_load %arg6[%get3A_649, %get3A_650, %get3A_651] {strides = array<i32>} : memref<2x160x160xf32, #tpu.memory_space<vmem>>, vector<16xf32>,
        %mul3A_653 = arith.constant 5.000000e-01 : f32
        %mul3A_654 = vector.broadcast %mul3A_653 : f32 to vector<16xf32>
        %mul3A_655 = arith.mulf %get3A_652, %mul3A_654 : vector<16xf32>
        %add3A_656 = arith.constant 1 : i32
        %add3A_657 = arith.addi %mul3A_484, %add3A_656 : i32
        %get3A_658 = arith.index_cast %rem3A_334 : i32 to index
        %get3A_659 = arith.index_cast %add3A_657 : i32 to index
        %get3A_660 = arith.constant 144 : index
        %get3A_661 = tpu.vector_load %arg6[%get3A_658, %get3A_659, %get3A_660] {strides = array<i32>} : memref<2x160x160xf32, #tpu.memory_space<vmem>>, vector<16xf32>,
        %mul3A_662 = arith.constant 5.000000e-01 : f32
        %mul3A_663 = vector.broadcast %mul3A_662 : f32 to vector<16xf32>
        %mul3A_664 = arith.mulf %get3A_661, %mul3A_663 : vector<16xf32>
        %add3A_665 = arith.constant 0 : i32
        %add3A_666 = arith.addi %mul3A_484, %add3A_665 : i32
        %swap3A_667 = arith.index_cast %rem3A_334 : i32 to index
        %swap3A_668 = arith.index_cast %add3A_666 : i32 to index
        %swap3A_669 = arith.constant 0 : index
        %swap3A_670 = tpu.vector_load %arg6[%swap3A_667, %swap3A_668, %swap3A_669] {strides = array<i32>} : memref<2x160x160xf32, #tpu.memory_space<vmem>>, vector<16xf32>,
        tpu.vector_store %arg6[%swap3A_667, %swap3A_668, %swap3A_669], %mul3A_493 {strides = array<i32>} : memref<2x160x160xf32, #tpu.memory_space<vmem>>, vector<16xf32>,
        %add3A_671 = arith.constant 0 : i32
        %add3A_672 = arith.addi %mul3A_484, %add3A_671 : i32
        %swap3A_673 = arith.index_cast %rem3A_334 : i32 to index
        %swap3A_674 = arith.index_cast %add3A_672 : i32 to index
        %swap3A_675 = arith.constant 16 : index
        %swap3A_676 = tpu.vector_load %arg6[%swap3A_673, %swap3A_674, %swap3A_675] {strides = array<i32>} : memref<2x160x160xf32, #tpu.memory_space<vmem>>, vector<16xf32>,
        tpu.vector_store %arg6[%swap3A_673, %swap3A_674, %swap3A_675], %mul3A_502 {strides = array<i32>} : memref<2x160x160xf32, #tpu.memory_space<vmem>>, vector<16xf32>,
        %add3A_677 = arith.constant 0 : i32
        %add3A_678 = arith.addi %mul3A_484, %add3A_677 : i32
        %swap3A_679 = arith.index_cast %rem3A_334 : i32 to index
        %swap3A_680 = arith.index_cast %add3A_678 : i32 to index
        %swap3A_681 = arith.constant 32 : index
        %swap3A_682 = tpu.vector_load %arg6[%swap3A_679, %swap3A_680, %swap3A_681] {strides = array<i32>} : memref<2x160x160xf32, #tpu.memory_space<vmem>>, vector<16xf32>,
        tpu.vector_store %arg6[%swap3A_679, %swap3A_680, %swap3A_681], %mul3A_511 {strides = array<i32>} : memref<2x160x160xf32, #tpu.memory_space<vmem>>, vector<16xf32>,
        %add3A_683 = arith.constant 0 : i32
        %add3A_684 = arith.addi %mul3A_484, %add3A_683 : i32
        %swap3A_685 = arith.index_cast %rem3A_334 : i32 to index
        %swap3A_686 = arith.index_cast %add3A_684 : i32 to index
        %swap3A_687 = arith.constant 48 : index
        %swap3A_688 = tpu.vector_load %arg6[%swap3A_685, %swap3A_686, %swap3A_687] {strides = array<i32>} : memref<2x160x160xf32, #tpu.memory_space<vmem>>, vector<16xf32>,
        tpu.vector_store %arg6[%swap3A_685, %swap3A_686, %swap3A_687], %mul3A_520 {strides = array<i32>} : memref<2x160x160xf32, #tpu.memory_space<vmem>>, vector<16xf32>,
        %add3A_689 = arith.constant 0 : i32
        %add3A_690 = arith.addi %mul3A_484, %add3A_689 : i32
        %swap3A_691 = arith.index_cast %rem3A_334 : i32 to index
        %swap3A_692 = arith.index_cast %add3A_690 : i32 to index
        %swap3A_693 = arith.constant 64 : index
        %swap3A_694 = tpu.vector_load %arg6[%swap3A_691, %swap3A_692, %swap3A_693] {strides = array<i32>} : memref<2x160x160xf32, #tpu.memory_space<vmem>>, vector<16xf32>,
        tpu.vector_store %arg6[%swap3A_691, %swap3A_692, %swap3A_693], %mul3A_529 {strides = array<i32>} : memref<2x160x160xf32, #tpu.memory_space<vmem>>, vector<16xf32>,
        %add3A_695 = arith.constant 0 : i32
        %add3A_696 = arith.addi %mul3A_484, %add3A_695 : i32
        %swap3A_697 = arith.index_cast %rem3A_334 : i32 to index
        %swap3A_698 = arith.index_cast %add3A_696 : i32 to index
        %swap3A_699 = arith.constant 80 : index
        %swap3A_700 = tpu.vector_load %arg6[%swap3A_697, %swap3A_698, %swap3A_699] {strides = array<i32>} : memref<2x160x160xf32, #tpu.memory_space<vmem>>, vector<16xf32>,
        tpu.vector_store %arg6[%swap3A_697, %swap3A_698, %swap3A_699], %mul3A_538 {strides = array<i32>} : memref<2x160x160xf32, #tpu.memory_space<vmem>>, vector<16xf32>,
        %add3A_701 = arith.constant 0 : i32
        %add3A_702 = arith.addi %mul3A_484, %add3A_701 : i32
        %swap3A_703 = arith.index_cast %rem3A_334 : i32 to index
        %swap3A_704 = arith.index_cast %add3A_702 : i32 to index
        %swap3A_705 = arith.constant 96 : index
        %swap3A_706 = tpu.vector_load %arg6[%swap3A_703, %swap3A_704, %swap3A_705] {strides = array<i32>} : memref<2x160x160xf32, #tpu.memory_space<vmem>>, vector<16xf32>,
        tpu.vector_store %arg6[%swap3A_703, %swap3A_704, %swap3A_705], %mul3A_547 {strides = array<i32>} : memref<2x160x160xf32, #tpu.memory_space<vmem>>, vector<16xf32>,
        %add3A_707 = arith.constant 0 : i32
        %add3A_708 = arith.addi %mul3A_484, %add3A_707 : i32
        %swap3A_709 = arith.index_cast %rem3A_334 : i32 to index
        %swap3A_710 = arith.index_cast %add3A_708 : i32 to index
        %swap3A_711 = arith.constant 112 : index
        %swap3A_712 = tpu.vector_load %arg6[%swap3A_709, %swap3A_710, %swap3A_711] {strides = array<i32>} : memref<2x160x160xf32, #tpu.memory_space<vmem>>, vector<16xf32>,
        tpu.vector_store %arg6[%swap3A_709, %swap3A_710, %swap3A_711], %mul3A_556 {strides = array<i32>} : memref<2x160x160xf32, #tpu.memory_space<vmem>>, vector<16xf32>,
        %add3A_713 = arith.constant 0 : i32
        %add3A_714 = arith.addi %mul3A_484, %add3A_713 : i32
        %swap3A_715 = arith.index_cast %rem3A_334 : i32 to index
        %swap3A_716 = arith.index_cast %add3A_714 : i32 to index
        %swap3A_717 = arith.constant 128 : index
        %swap3A_718 = tpu.vector_load %arg6[%swap3A_715, %swap3A_716, %swap3A_717] {strides = array<i32>} : memref<2x160x160xf32, #tpu.memory_space<vmem>>, vector<16xf32>,
        tpu.vector_store %arg6[%swap3A_715, %swap3A_716, %swap3A_717], %mul3A_565 {strides = array<i32>} : memref<2x160x160xf32, #tpu.memory_space<vmem>>, vector<16xf32>,
        %add3A_719 = arith.constant 0 : i32
        %add3A_720 = arith.addi %mul3A_484, %add3A_719 : i32
        %swap3A_721 = arith.index_cast %rem3A_334 : i32 to index
        %swap3A_722 = arith.index_cast %add3A_720 : i32 to index
        %swap3A_723 = arith.constant 144 : index
        %swap3A_724 = tpu.vector_load %arg6[%swap3A_721, %swap3A_722, %swap3A_723] {strides = array<i32>} : memref<2x160x160xf32, #tpu.memory_space<vmem>>, vector<16xf32>,
        tpu.vector_store %arg6[%swap3A_721, %swap3A_722, %swap3A_723], %mul3A_574 {strides = array<i32>} : memref<2x160x160xf32, #tpu.memory_space<vmem>>, vector<16xf32>,
        %add3A_725 = arith.constant 1 : i32
        %add3A_726 = arith.addi %mul3A_484, %add3A_725 : i32
        %swap3A_727 = arith.index_cast %rem3A_334 : i32 to index
        %swap3A_728 = arith.index_cast %add3A_726 : i32 to index
        %swap3A_729 = arith.constant 0 : index
        %swap3A_730 = tpu.vector_load %arg6[%swap3A_727, %swap3A_728, %swap3A_729] {strides = array<i32>} : memref<2x160x160xf32, #tpu.memory_space<vmem>>, vector<16xf32>,
        tpu.vector_store %arg6[%swap3A_727, %swap3A_728, %swap3A_729], %mul3A_583 {strides = array<i32>} : memref<2x160x160xf32, #tpu.memory_space<vmem>>, vector<16xf32>,
        %add3A_731 = arith.constant 1 : i32
        %add3A_732 = arith.addi %mul3A_484, %add3A_731 : i32
        %swap3A_733 = arith.index_cast %rem3A_334 : i32 to index
        %swap3A_734 = arith.index_cast %add3A_732 : i32 to index
        %swap3A_735 = arith.constant 16 : index
        %swap3A_736 = tpu.vector_load %arg6[%swap3A_733, %swap3A_734, %swap3A_735] {strides = array<i32>} : memref<2x160x160xf32, #tpu.memory_space<vmem>>, vector<16xf32>,
        tpu.vector_store %arg6[%swap3A_733, %swap3A_734, %swap3A_735], %mul3A_592 {strides = array<i32>} : memref<2x160x160xf32, #tpu.memory_space<vmem>>, vector<16xf32>,
        %add3A_737 = arith.constant 1 : i32
        %add3A_738 = arith.addi %mul3A_484, %add3A_737 : i32
        %swap3A_739 = arith.index_cast %rem3A_334 : i32 to index
        %swap3A_740 = arith.index_cast %add3A_738 : i32 to index
        %swap3A_741 = arith.constant 32 : index
        %swap3A_742 = tpu.vector_load %arg6[%swap3A_739, %swap3A_740, %swap3A_741] {strides = array<i32>} : memref<2x160x160xf32, #tpu.memory_space<vmem>>, vector<16xf32>,
        tpu.vector_store %arg6[%swap3A_739, %swap3A_740, %swap3A_741], %mul3A_601 {strides = array<i32>} : memref<2x160x160xf32, #tpu.memory_space<vmem>>, vector<16xf32>,
        %add3A_743 = arith.constant 1 : i32
        %add3A_744 = arith.addi %mul3A_484, %add3A_743 : i32
        %swap3A_745 = arith.index_cast %rem3A_334 : i32 to index
        %swap3A_746 = arith.index_cast %add3A_744 : i32 to index
        %swap3A_747 = arith.constant 48 : index
        %swap3A_748 = tpu.vector_load %arg6[%swap3A_745, %swap3A_746, %swap3A_747] {strides = array<i32>} : memref<2x160x160xf32, #tpu.memory_space<vmem>>, vector<16xf32>,
        tpu.vector_store %arg6[%swap3A_745, %swap3A_746, %swap3A_747], %mul3A_610 {strides = array<i32>} : memref<2x160x160xf32, #tpu.memory_space<vmem>>, vector<16xf32>,
        %add3A_749 = arith.constant 1 : i32
        %add3A_750 = arith.addi %mul3A_484, %add3A_749 : i32
        %swap3A_751 = arith.index_cast %rem3A_334 : i32 to index
        %swap3A_752 = arith.index_cast %add3A_750 : i32 to index
        %swap3A_753 = arith.constant 64 : index
        %swap3A_754 = tpu.vector_load %arg6[%swap3A_751, %swap3A_752, %swap3A_753] {strides = array<i32>} : memref<2x160x160xf32, #tpu.memory_space<vmem>>, vector<16xf32>,
        tpu.vector_store %arg6[%swap3A_751, %swap3A_752, %swap3A_753], %mul3A_619 {strides = array<i32>} : memref<2x160x160xf32, #tpu.memory_space<vmem>>, vector<16xf32>,
        %add3A_755 = arith.constant 1 : i32
        %add3A_756 = arith.addi %mul3A_484, %add3A_755 : i32
        %swap3A_757 = arith.index_cast %rem3A_334 : i32 to index
        %swap3A_758 = arith.index_cast %add3A_756 : i32 to index
        %swap3A_759 = arith.constant 80 : index
        %swap3A_760 = tpu.vector_load %arg6[%swap3A_757, %swap3A_758, %swap3A_759] {strides = array<i32>} : memref<2x160x160xf32, #tpu.memory_space<vmem>>, vector<16xf32>,
        tpu.vector_store %arg6[%swap3A_757, %swap3A_758, %swap3A_759], %mul3A_628 {strides = array<i32>} : memref<2x160x160xf32, #tpu.memory_space<vmem>>, vector<16xf32>,
        %add3A_761 = arith.constant 1 : i32
        %add3A_762 = arith.addi %mul3A_484, %add3A_761 : i32
        %swap3A_763 = arith.index_cast %rem3A_334 : i32 to index
        %swap3A_764 = arith.index_cast %add3A_762 : i32 to index
        %swap3A_765 = arith.constant 96 : index
        %swap3A_766 = tpu.vector_load %arg6[%swap3A_763, %swap3A_764, %swap3A_765] {strides = array<i32>} : memref<2x160x160xf32, #tpu.memory_space<vmem>>, vector<16xf32>,
        tpu.vector_store %arg6[%swap3A_763, %swap3A_764, %swap3A_765], %mul3A_637 {strides = array<i32>} : memref<2x160x160xf32, #tpu.memory_space<vmem>>, vector<16xf32>,
        %add3A_767 = arith.constant 1 : i32
        %add3A_768 = arith.addi %mul3A_484, %add3A_767 : i32
        %swap3A_769 = arith.index_cast %rem3A_334 : i32 to index
        %swap3A_770 = arith.index_cast %add3A_768 : i32 to index
        %swap3A_771 = arith.constant 112 : index
        %swap3A_772 = tpu.vector_load %arg6[%swap3A_769, %swap3A_770, %swap3A_771] {strides = array<i32>} : memref<2x160x160xf32, #tpu.memory_space<vmem>>, vector<16xf32>,
        tpu.vector_store %arg6[%swap3A_769, %swap3A_770, %swap3A_771], %mul3A_646 {strides = array<i32>} : memref<2x160x160xf32, #tpu.memory_space<vmem>>, vector<16xf32>,
        %add3A_773 = arith.constant 1 : i32
        %add3A_774 = arith.addi %mul3A_484, %add3A_773 : i32
        %swap3A_775 = arith.index_cast %rem3A_334 : i32 to index
        %swap3A_776 = arith.index_cast %add3A_774 : i32 to index
        %swap3A_777 = arith.constant 128 : index
        %swap3A_778 = tpu.vector_load %arg6[%swap3A_775, %swap3A_776, %swap3A_777] {strides = array<i32>} : memref<2x160x160xf32, #tpu.memory_space<vmem>>, vector<16xf32>,
        tpu.vector_store %arg6[%swap3A_775, %swap3A_776, %swap3A_777], %mul3A_655 {strides = array<i32>} : memref<2x160x160xf32, #tpu.memory_space<vmem>>, vector<16xf32>,
        %add3A_779 = arith.constant 1 : i32
        %add3A_780 = arith.addi %mul3A_484, %add3A_779 : i32
        %swap3A_781 = arith.index_cast %rem3A_334 : i32 to index
        %swap3A_782 = arith.index_cast %add3A_780 : i32 to index
        %swap3A_783 = arith.constant 144 : index
        %swap3A_784 = tpu.vector_load %arg6[%swap3A_781, %swap3A_782, %swap3A_783] {strides = array<i32>} : memref<2x160x160xf32, #tpu.memory_space<vmem>>, vector<16xf32>,
        tpu.vector_store %arg6[%swap3A_781, %swap3A_782, %swap3A_783], %mul3A_664 {strides = array<i32>} : memref<2x160x160xf32, #tpu.memory_space<vmem>>, vector<16xf32>,
      }
      %scan3A_463 = arith.constant 80 : i32
      %dma_start3A_464 = arith.constant 0 : i32
      %dma_start3A_465 = arith.constant 0 : i32
      %dma_start3A_466 = tpu.memref_slice %arg6[%rem3A_334, %dma_start3A_464, %dma_start3A_465] : memref<2x160x160xf32, #tpu.memory_space<vmem>> -> memref<1x160x160xf32, #tpu.memory_space<vmem>>
      %dma_start3A_467 = tpu.memref_squeeze %dma_start3A_466 : memref<1x160x160xf32, #tpu.memory_space<vmem>> -> memref<160x160xf32, #tpu.memory_space<vmem>>
      %dma_start3A_468 = arith.constant 0 : i32
      %dma_start3A_469 = arith.constant 0 : i32
      %dma_start3A_470 = tpu.memref_slice %arg5[%select_n3A_361, %select_n3A_401, %select_n3A_417, %dma_start3A_468, %dma_start3A_469] : memref<2x2x160x160x160xf32, #tpu.memory_space<hbm>> -> memref<1x1x1x160x160xf32, #tpu.memory_space<hbm>>
      %dma_start3A_471 = tpu.memref_squeeze %dma_start3A_470 : memref<1x1x1x160x160xf32, #tpu.memory_space<hbm>> -> memref<160x160xf32, #tpu.memory_space<hbm>>
      %dma_start3A_472 = tpu.memref_slice %arg13[%rem3A_334] : memref<2x!tpu.dma_semaphore, #tpu.memory_space<semaphore_mem>> -> memref<1x!tpu.dma_semaphore, #tpu.memory_space<semaphore_mem>>
      %dma_start3A_473 = tpu.memref_squeeze %dma_start3A_472 : memref<1x!tpu.dma_semaphore, #tpu.memory_space<semaphore_mem>> -> memref<!tpu.dma_semaphore, #tpu.memory_space<semaphore_mem>>
      %dma_start3A_474 = arith.constant 0 : i32
      %dma_start3A_475 = arith.constant 0 : i32
      %dma_start3A_476 = tpu.memref_slice %arg5[%select_n3A_361, %select_n3A_401, %select_n3A_417, %dma_start3A_474, %dma_start3A_475] : memref<2x2x160x160x160xf32, #tpu.memory_space<hbm>> -> memref<1x1x1x160x160xf32, #tpu.memory_space<hbm>>
      %dma_start3A_477 = tpu.memref_squeeze %dma_start3A_476 : memref<1x1x1x160x160xf32, #tpu.memory_space<hbm>> -> memref<160x160xf32, #tpu.memory_space<hbm>>
      %dma_start3A_478 = arith.constant 0 : i32
      %dma_start3A_479 = arith.constant 0 : i32
      %dma_start3A_480 = tpu.memref_slice %arg6[%rem3A_334, %dma_start3A_478, %dma_start3A_479] : memref<2x160x160xf32, #tpu.memory_space<vmem>> -> memref<1x160x160xf32, #tpu.memory_space<vmem>>
      %dma_start3A_481 = tpu.memref_squeeze %dma_start3A_480 : memref<1x160x160xf32, #tpu.memory_space<vmem>> -> memref<160x160xf32, #tpu.memory_space<vmem>>
      tpu.enqueue_dma source(%dma_start3A_481 : memref<160x160xf32, #tpu.memory_space<vmem>>) target(%dma_start3A_477 : memref<160x160xf32, #tpu.memory_space<hbm>>) target_semaphore(%dma_start3A_473 : memref<!tpu.dma_semaphore, #tpu.memory_space<semaphore_mem>>)
    }
    %scan3A_128 = arith.constant 20 : i32
    %add3A_129 = arith.constant 576 : i32
    %add3A_130 = arith.addi %add3A_129, %add3A : i32
    %jit3A_131 = arith.constant 320 : i32
    %div3A_132 = arith.divsi %add3A_130, %jit3A_131 : i32
    %sign3A_133 = arith.constant 0 : i32
    %sign3A_134 = arith.cmpi sgt, %add3A_130, %sign3A_133 : i32
    %sign3A_135 = arith.extui %sign3A_134 : i1 to i32
    %sign3A_136 = arith.constant 0 : i32
    %sign3A_137 = arith.cmpi slt, %add3A_130, %sign3A_136 : i32
    %sign3A_138 = arith.extui %sign3A_137 : i1 to i32
    %sign3A_139 = arith.subi %sign3A_135, %sign3A_138 : i32
    %sign3A_140 = arith.constant 0 : i32
    %sign3A_141 = arith.cmpi sgt, %jit3A_131, %sign3A_140 : i32
    %sign3A_142 = arith.extui %sign3A_141 : i1 to i32
    %sign3A_143 = arith.constant 0 : i32
    %sign3A_144 = arith.cmpi slt, %jit3A_131, %sign3A_143 : i32
    %sign3A_145 = arith.extui %sign3A_144 : i1 to i32
    %sign3A_146 = arith.subi %sign3A_142, %sign3A_145 : i32
    %ne3A_147 = arith.cmpi ne, %sign3A_139, %sign3A_146 : i32
    %rem3A_148 = arith.remsi %add3A_130, %jit3A_131 : i32
    %ne3A_149 = arith.constant 0 : i32
    %ne3A_150 = arith.cmpi ne, %rem3A_148, %ne3A_149 : i32
    %and3A_151 = arith.andi %ne3A_147, %ne3A_150 : i1
    %sub3A_152 = arith.constant 1 : i32
    %sub3A_153 = arith.subi %div3A_132, %sub3A_152 : i32
    %select_n3A_154 = arith.select %and3A_151, %sub3A_153, %div3A_132 : i32
    %jit3A_155 = arith.constant 160 : i32
    %div3A_156 = arith.divsi %add3A_130, %jit3A_155 : i32
    %sign3A_157 = arith.constant 0 : i32
    %sign3A_158 = arith.cmpi sgt, %add3A_130, %sign3A_157 : i32
    %sign3A_159 = arith.extui %sign3A_158 : i1 to i32
    %sign3A_160 = arith.constant 0 : i32
    %sign3A_161 = arith.cmpi slt, %add3A_130, %sign3A_160 : i32
    %sign3A_162 = arith.extui %sign3A_161 : i1 to i32
    %sign3A_163 = arith.subi %sign3A_159, %sign3A_162 : i32
    %sign3A_164 = arith.constant 0 : i32
    %sign3A_165 = arith.cmpi sgt, %jit3A_155, %sign3A_164 : i32
    %sign3A_166 = arith.extui %sign3A_165 : i1 to i32
    %sign3A_167 = arith.constant 0 : i32
    %sign3A_168 = arith.cmpi slt, %jit3A_155, %sign3A_167 : i32
    %sign3A_169 = arith.extui %sign3A_168 : i1 to i32
    %sign3A_170 = arith.subi %sign3A_166, %sign3A_169 : i32
    %ne3A_171 = arith.cmpi ne, %sign3A_163, %sign3A_170 : i32
    %rem3A_172 = arith.remsi %add3A_130, %jit3A_155 : i32
    %ne3A_173 = arith.constant 0 : i32
    %ne3A_174 = arith.cmpi ne, %rem3A_172, %ne3A_173 : i32
    %and3A_175 = arith.andi %ne3A_171, %ne3A_174 : i1
    %sub3A_176 = arith.constant 1 : i32
    %sub3A_177 = arith.subi %div3A_156, %sub3A_176 : i32
    %select_n3A_178 = arith.select %and3A_175, %sub3A_177, %div3A_156 : i32
    %jit3A_179 = arith.constant 2 : i32
    %eq3A_180 = arith.constant 0 : i32
    %eq3A_181 = arith.cmpi eq, %jit3A_179, %eq3A_180 : i32
    %jit3A_182 = arith.constant 1 : i32
    %select_n3A_183 = arith.select %eq3A_181, %jit3A_182, %jit3A_179 : i32
    %rem3A_184 = arith.remsi %select_n3A_178, %select_n3A_183 : i32
    %ne3A_185 = arith.constant 0 : i32
    %ne3A_186 = arith.cmpi ne, %rem3A_184, %ne3A_185 : i32
    %lt3A_187 = arith.constant 0 : i32
    %lt3A_188 = arith.cmpi slt, %rem3A_184, %lt3A_187 : i32
    %lt3A_189 = arith.constant 0 : i32
    %lt3A_190 = arith.cmpi slt, %select_n3A_183, %lt3A_189 : i32
    %ne3A_191 = arith.xori %lt3A_188, %lt3A_190 : i1
    %and3A_192 = arith.andi %ne3A_191, %ne3A_186 : i1
    %add3A_193 = arith.addi %rem3A_184, %select_n3A_183 : i32
    %select_n3A_194 = arith.select %and3A_192, %add3A_193, %rem3A_184 : i32
    %jit3A_195 = arith.constant 160 : i32
    %eq3A_196 = arith.constant 0 : i32
    %eq3A_197 = arith.cmpi eq, %jit3A_195, %eq3A_196 : i32
    %jit3A_198 = arith.constant 1 : i32
    %select_n3A_199 = arith.select %eq3A_197, %jit3A_198, %jit3A_195 : i32
    %rem3A_200 = arith.remsi %add3A_130, %select_n3A_199 : i32
    %ne3A_201 = arith.constant 0 : i32
    %ne3A_202 = arith.cmpi ne, %rem3A_200, %ne3A_201 : i32
    %lt3A_203 = arith.constant 0 : i32
    %lt3A_204 = arith.cmpi slt, %rem3A_200, %lt3A_203 : i32
    %lt3A_205 = arith.constant 0 : i32
    %lt3A_206 = arith.cmpi slt, %select_n3A_199, %lt3A_205 : i32
    %ne3A_207 = arith.xori %lt3A_204, %lt3A_206 : i1
    %and3A_208 = arith.andi %ne3A_207, %ne3A_202 : i1
    %add3A_209 = arith.addi %rem3A_200, %select_n3A_199 : i32
    %select_n3A_210 = arith.select %and3A_208, %add3A_209, %rem3A_200 : i32
    %dma_wait3A = arith.constant 0 : i32
    %dma_wait3A_211 = arith.constant 0 : i32
    %dma_wait3A_212 = arith.constant 0 : i32
    %dma_wait3A_213 = arith.constant 0 : i32
    %dma_wait3A_214 = tpu.memref_slice %arg6[%dma_wait3A, %dma_wait3A_212, %dma_wait3A_213] : memref<2x160x160xf32, #tpu.memory_space<vmem>> -> memref<1x160x160xf32, #tpu.memory_space<vmem>>
    %dma_wait3A_215 = tpu.memref_squeeze %dma_wait3A_214 : memref<1x160x160xf32, #tpu.memory_space<vmem>> -> memref<160x160xf32, #tpu.memory_space<vmem>>
    %dma_wait3A_216 = arith.constant 0 : i32
    %dma_wait3A_217 = arith.constant 0 : i32
    %dma_wait3A_218 = tpu.memref_slice %arg5[%select_n3A_154, %select_n3A_194, %select_n3A_210, %dma_wait3A_216, %dma_wait3A_217] : memref<2x2x160x160x160xf32, #tpu.memory_space<hbm>> -> memref<1x1x1x160x160xf32, #tpu.memory_space<hbm>>
    %dma_wait3A_219 = tpu.memref_squeeze %dma_wait3A_218 : memref<1x1x1x160x160xf32, #tpu.memory_space<hbm>> -> memref<160x160xf32, #tpu.memory_space<hbm>>
    %dma_wait3A_220 = tpu.memref_slice %arg13[%dma_wait3A_211] : memref<2x!tpu.dma_semaphore, #tpu.memory_space<semaphore_mem>> -> memref<1x!tpu.dma_semaphore, #tpu.memory_space<semaphore_mem>>
    %dma_wait3A_221 = tpu.memref_squeeze %dma_wait3A_220 : memref<1x!tpu.dma_semaphore, #tpu.memory_space<semaphore_mem>> -> memref<!tpu.dma_semaphore, #tpu.memory_space<semaphore_mem>>
    %dma_wait3A_222 = arith.constant 0 : i32
    %dma_wait3A_223 = arith.constant 0 : i32
    %dma_wait3A_224 = tpu.memref_slice %arg5[%select_n3A_154, %select_n3A_194, %select_n3A_210, %dma_wait3A_222, %dma_wait3A_223] : memref<2x2x160x160x160xf32, #tpu.memory_space<hbm>> -> memref<1x1x1x160x160xf32, #tpu.memory_space<hbm>>
    %dma_wait3A_225 = tpu.memref_squeeze %dma_wait3A_224 : memref<1x1x1x160x160xf32, #tpu.memory_space<hbm>> -> memref<160x160xf32, #tpu.memory_space<hbm>>
    %dma_wait3A_226 = arith.constant 0 : i32
    %dma_wait3A_227 = arith.constant 0 : i32
    %dma_wait3A_228 = tpu.memref_slice %arg6[%dma_wait3A, %dma_wait3A_226, %dma_wait3A_227] : memref<2x160x160xf32, #tpu.memory_space<vmem>> -> memref<1x160x160xf32, #tpu.memory_space<vmem>>
    %dma_wait3A_229 = tpu.memref_squeeze %dma_wait3A_228 : memref<1x160x160xf32, #tpu.memory_space<vmem>> -> memref<160x160xf32, #tpu.memory_space<vmem>>
    tpu.wait_dma2 semaphore(%dma_wait3A_221 : memref<!tpu.dma_semaphore, #tpu.memory_space<semaphore_mem>>) src(%dma_wait3A_229 : memref<160x160xf32, #tpu.memory_space<vmem>>) dst(%dma_wait3A_225 : memref<160x160xf32, #tpu.memory_space<hbm>>)
    %add3A_230 = arith.constant 608 : i32
    %add3A_231 = arith.addi %add3A_230, %add3A : i32
    %jit3A_232 = arith.constant 320 : i32
    %div3A_233 = arith.divsi %add3A_231, %jit3A_232 : i32
    %sign3A_234 = arith.constant 0 : i32
    %sign3A_235 = arith.cmpi sgt, %add3A_231, %sign3A_234 : i32
    %sign3A_236 = arith.extui %sign3A_235 : i1 to i32
    %sign3A_237 = arith.constant 0 : i32
    %sign3A_238 = arith.cmpi slt, %add3A_231, %sign3A_237 : i32
    %sign3A_239 = arith.extui %sign3A_238 : i1 to i32
    %sign3A_240 = arith.subi %sign3A_236, %sign3A_239 : i32
    %sign3A_241 = arith.constant 0 : i32
    %sign3A_242 = arith.cmpi sgt, %jit3A_232, %sign3A_241 : i32
    %sign3A_243 = arith.extui %sign3A_242 : i1 to i32
    %sign3A_244 = arith.constant 0 : i32
    %sign3A_245 = arith.cmpi slt, %jit3A_232, %sign3A_244 : i32
    %sign3A_246 = arith.extui %sign3A_245 : i1 to i32
    %sign3A_247 = arith.subi %sign3A_243, %sign3A_246 : i32
    %ne3A_248 = arith.cmpi ne, %sign3A_240, %sign3A_247 : i32
    %rem3A_249 = arith.remsi %add3A_231, %jit3A_232 : i32
    %ne3A_250 = arith.constant 0 : i32
    %ne3A_251 = arith.cmpi ne, %rem3A_249, %ne3A_250 : i32
    %and3A_252 = arith.andi %ne3A_248, %ne3A_251 : i1
    %sub3A_253 = arith.constant 1 : i32
    %sub3A_254 = arith.subi %div3A_233, %sub3A_253 : i32
    %select_n3A_255 = arith.select %and3A_252, %sub3A_254, %div3A_233 : i32
    %jit3A_256 = arith.constant 160 : i32
    %div3A_257 = arith.divsi %add3A_231, %jit3A_256 : i32
    %sign3A_258 = arith.constant 0 : i32
    %sign3A_259 = arith.cmpi sgt, %add3A_231, %sign3A_258 : i32
    %sign3A_260 = arith.extui %sign3A_259 : i1 to i32
    %sign3A_261 = arith.constant 0 : i32
    %sign3A_262 = arith.cmpi slt, %add3A_231, %sign3A_261 : i32
    %sign3A_263 = arith.extui %sign3A_262 : i1 to i32
    %sign3A_264 = arith.subi %sign3A_260, %sign3A_263 : i32
    %sign3A_265 = arith.constant 0 : i32
    %sign3A_266 = arith.cmpi sgt, %jit3A_256, %sign3A_265 : i32
    %sign3A_267 = arith.extui %sign3A_266 : i1 to i32
    %sign3A_268 = arith.constant 0 : i32
    %sign3A_269 = arith.cmpi slt, %jit3A_256, %sign3A_268 : i32
    %sign3A_270 = arith.extui %sign3A_269 : i1 to i32
    %sign3A_271 = arith.subi %sign3A_267, %sign3A_270 : i32
    %ne3A_272 = arith.cmpi ne, %sign3A_264, %sign3A_271 : i32
    %rem3A_273 = arith.remsi %add3A_231, %jit3A_256 : i32
    %ne3A_274 = arith.constant 0 : i32
    %ne3A_275 = arith.cmpi ne, %rem3A_273, %ne3A_274 : i32
    %and3A_276 = arith.andi %ne3A_272, %ne3A_275 : i1
    %sub3A_277 = arith.constant 1 : i32
    %sub3A_278 = arith.subi %div3A_257, %sub3A_277 : i32
    %select_n3A_279 = arith.select %and3A_276, %sub3A_278, %div3A_257 : i32
    %jit3A_280 = arith.constant 2 : i32
    %eq3A_281 = arith.constant 0 : i32
    %eq3A_282 = arith.cmpi eq, %jit3A_280, %eq3A_281 : i32
    %jit3A_283 = arith.constant 1 : i32
    %select_n3A_284 = arith.select %eq3A_282, %jit3A_283, %jit3A_280 : i32
    %rem3A_285 = arith.remsi %select_n3A_279, %select_n3A_284 : i32
    %ne3A_286 = arith.constant 0 : i32
    %ne3A_287 = arith.cmpi ne, %rem3A_285, %ne3A_286 : i32
    %lt3A_288 = arith.constant 0 : i32
    %lt3A_289 = arith.cmpi slt, %rem3A_285, %lt3A_288 : i32
    %lt3A_290 = arith.constant 0 : i32
    %lt3A_291 = arith.cmpi slt, %select_n3A_284, %lt3A_290 : i32
    %ne3A_292 = arith.xori %lt3A_289, %lt3A_291 : i1
    %and3A_293 = arith.andi %ne3A_292, %ne3A_287 : i1
    %add3A_294 = arith.addi %rem3A_285, %select_n3A_284 : i32
    %select_n3A_295 = arith.select %and3A_293, %add3A_294, %rem3A_285 : i32
    %jit3A_296 = arith.constant 160 : i32
    %eq3A_297 = arith.constant 0 : i32
    %eq3A_298 = arith.cmpi eq, %jit3A_296, %eq3A_297 : i32
    %jit3A_299 = arith.constant 1 : i32
    %select_n3A_300 = arith.select %eq3A_298, %jit3A_299, %jit3A_296 : i32
    %rem3A_301 = arith.remsi %add3A_231, %select_n3A_300 : i32
    %ne3A_302 = arith.constant 0 : i32
    %ne3A_303 = arith.cmpi ne, %rem3A_301, %ne3A_302 : i32
    %lt3A_304 = arith.constant 0 : i32
    %lt3A_305 = arith.cmpi slt, %rem3A_301, %lt3A_304 : i32
    %lt3A_306 = arith.constant 0 : i32
    %lt3A_307 = arith.cmpi slt, %select_n3A_300, %lt3A_306 : i32
    %ne3A_308 = arith.xori %lt3A_305, %lt3A_307 : i1
    %and3A_309 = arith.andi %ne3A_308, %ne3A_303 : i1
    %add3A_310 = arith.addi %rem3A_301, %select_n3A_300 : i32
    %select_n3A_311 = arith.select %and3A_309, %add3A_310, %rem3A_301 : i32
    %dma_wait3A_312 = arith.constant 1 : i32
    %dma_wait3A_313 = arith.constant 1 : i32
    %dma_wait3A_314 = arith.constant 0 : i32
    %dma_wait3A_315 = arith.constant 0 : i32
    %dma_wait3A_316 = tpu.memref_slice %arg6[%dma_wait3A_312, %dma_wait3A_314, %dma_wait3A_315] : memref<2x160x160xf32, #tpu.memory_space<vmem>> -> memref<1x160x160xf32, #tpu.memory_space<vmem>>
    %dma_wait3A_317 = tpu.memref_squeeze %dma_wait3A_316 : memref<1x160x160xf32, #tpu.memory_space<vmem>> -> memref<160x160xf32, #tpu.memory_space<vmem>>
    %dma_wait3A_318 = arith.constant 0 : i32
    %dma_wait3A_319 = arith.constant 0 : i32
    %dma_wait3A_320 = tpu.memref_slice %arg5[%select_n3A_255, %select_n3A_295, %select_n3A_311, %dma_wait3A_318, %dma_wait3A_319] : memref<2x2x160x160x160xf32, #tpu.memory_space<hbm>> -> memref<1x1x1x160x160xf32, #tpu.memory_space<hbm>>
    %dma_wait3A_321 = tpu.memref_squeeze %dma_wait3A_320 : memref<1x1x1x160x160xf32, #tpu.memory_space<hbm>> -> memref<160x160xf32, #tpu.memory_space<hbm>>
    %dma_wait3A_322 = tpu.memref_slice %arg13[%dma_wait3A_313] : memref<2x!tpu.dma_semaphore, #tpu.memory_space<semaphore_mem>> -> memref<1x!tpu.dma_semaphore, #tpu.memory_space<semaphore_mem>>
    %dma_wait3A_323 = tpu.memref_squeeze %dma_wait3A_322 : memref<1x!tpu.dma_semaphore, #tpu.memory_space<semaphore_mem>> -> memref<!tpu.dma_semaphore, #tpu.memory_space<semaphore_mem>>
    %dma_wait3A_324 = arith.constant 0 : i32
    %dma_wait3A_325 = arith.constant 0 : i32
    %dma_wait3A_326 = tpu.memref_slice %arg5[%select_n3A_255, %select_n3A_295, %select_n3A_311, %dma_wait3A_324, %dma_wait3A_325] : memref<2x2x160x160x160xf32, #tpu.memory_space<hbm>> -> memref<1x1x1x160x160xf32, #tpu.memory_space<hbm>>
    %dma_wait3A_327 = tpu.memref_squeeze %dma_wait3A_326 : memref<1x1x1x160x160xf32, #tpu.memory_space<hbm>> -> memref<160x160xf32, #tpu.memory_space<hbm>>
    %dma_wait3A_328 = arith.constant 0 : i32
    %dma_wait3A_329 = arith.constant 0 : i32
    %dma_wait3A_330 = tpu.memref_slice %arg6[%dma_wait3A_312, %dma_wait3A_328, %dma_wait3A_329] : memref<2x160x160xf32, #tpu.memory_space<vmem>> -> memref<1x160x160xf32, #tpu.memory_space<vmem>>
    %dma_wait3A_331 = tpu.memref_squeeze %dma_wait3A_330 : memref<1x160x160xf32, #tpu.memory_space<vmem>> -> memref<160x160xf32, #tpu.memory_space<vmem>>
    tpu.wait_dma2 semaphore(%dma_wait3A_323 : memref<!tpu.dma_semaphore, #tpu.memory_space<semaphore_mem>>) src(%dma_wait3A_331 : memref<160x160xf32, #tpu.memory_space<vmem>>) dst(%dma_wait3A_327 : memref<160x160xf32, #tpu.memory_space<hbm>>)
    return
  }
}

</mosaic_0001>

<sc_bundles>
// kernel: kernel.3.cloned.1.call-start
scs
__scs_entry_jumppad:
0x0: {  	(pc) =	sbr.rel $0x88, $3  }
0x1: {  	(tag) =	ssettag $0x0;
	lr =	simm.s32 $0x1  }
0x2: {  	[smem:$0x3F9E] =	sst lr;
	_ =	strace $0xD0000000  }
0x3: {  	_ = 	snop  }
0x4: {  	_ = 	snop  }
0x5: {  	_ = 	snop  }
0x6: {  	_ = 	snop  }
0x7: {  	_ = 	snop  }
__scs_overlays_trampoline_lowered:
0x8: {  	[smem:$0x3FAD] =	sst s0  }
0x9: {  	[smem:$0x3FAE] =	sst s1  }
0xa: {  	[smem:$0x3FAF] =	sst s2  }
0xb: {  	[smem:$0x3FB0] =	sst s3  }
0xc: {  	[smem:$0x3FB1] =	sst s4  }
0xd: {  	[smem:$0x3FB2] =	sst s5  }
0xe: {  	[smem:$0x3FB3] =	sst s6  }
0xf: {  	[smem:$0x3FB4] =	sst s7  }
0x10: {  	[smem:$0x3FB5] =	sst s8  }
0x11: {  	[smem:$0x3FB6] =	sst s9;
	s0 =	simm.s32 @!p0 $0x0  }
0x12: {  	s1 =	sld [smem:$0x3F9C];
	s0 =	simm.s32 @p0 $0x1  }
0x13: {  	[smem:$0x3FB7] =	sst s0;
	s0 =	simm.s32 @!p1 $0x0  }
0x14: {  	s2 =	sld [smem:$0x3F9B];
	s0 =	simm.s32 @p1 $0x1  }
0x15: {  	[smem:$0x3FB8] =	sst s0;
	s0 =	simm.s32 @!p2 $0x0  }
0x16: {  	s3 =	sld [smem:$0x3FDB];
	s0 =	simm.s32 @p2 $0x1  }
0x17: {  	s4 =	simm.s32 $0x1BF5;
	[smem:$0x3FBA] =	sst s0  }
0x18: {  	s0 =	sld [smem:$0x3F9D];
	_ =	swait.ge [sflag:s4], $0x0  }
0x19: {  	s7 =	sld [smem:$0x3F9E]  }
0x1a: {  	s8 =	sadd.s32 $0xFFFFE003, lr  }
0x1b: {  	s9 =	sadd.s32 $0xFFFFFEF7, lr;
	s5 =	simm.s32 $0xFFFFFFFF;
	p2 =	slt.u32 s8, $0xFFFFF086  }
0x1c: {  	p1 =	slt.u32 s9, $0xF7A;
	s5 =	simm.s32 @!p2 $0x0  }
0x1d: {  	s5 =	simm.s32 @p1 $0x1;
	p0 =	seq.s32 s7, s2  }
0x1e: {  	s7 =	smul.u32 @!p0 $0xF7A, s2;
	p2 =	seq.s32 @!p0 s5, $0x0  }
0x1f: {  	s9 =	smul.u32 $0xF7A, s1;
	s8 =	simm.s32 @!p0 $0x1BF5;
	p2 =	por !p2, p0  }
0x20: {  	[sflag:s8] =	ssyncset.s32 @!p0 $0xFFFFF086;
	s6 =	sadd.s32 @!p0 s3, s7;
	s7 =	simm.s32 @!p0 $0x108  }
0x21: {  	s3 =	sadd.s32 s3, s9;
	s6 =	sadd.s32 @!p0 $0x88, s6;
	s7 =	simm.s32 @p2 $0x1082  }
0x22: {  	[simem:s7], [sflag:s8] =	dma.local @!p0 [hbm:s6], $0xF7A  }
0x23: {  	s9 =	sor.u32 $0xD0000000, s2;
	s6 =	simm.s32 $0x108;
	_ =	swait.ge @!p0 [sflag:s8], $0x0  }
0x24: {  	s3 =	sadd.s32 $0x88, s3;
	s6 =	simm.s32 @!p1 $0x1082;
	[sflag:s4] =	ssyncset.s32 $0xFFFFF086  }
0x25: {  	[simem:s6], [sflag:s4] =	dma.local [hbm:s3], $0xF7A  }
0x26: {  	[smem:$0x3F9E] =	sst s1;
	(tag) =	ssettag s2;
	_ =	strace s9  }
0x27: {  	s1 =	sld [smem:$0x3FAE]  }
0x28: {  	s2 =	sld [smem:$0x3FAF]  }
0x29: {  	s4 =	sld [smem:$0x3FB1]  }
0x2a: {  	p0 =	seq.s32 s5, $0x0;
	s5 =	sld [smem:$0x3FB2]  }
0x2b: {  	s6 =	sld [smem:$0x3FB3]  }
0x2c: {  	s7 =	sld [smem:$0x3FB4]  }
0x2d: {  	s3 =	simm.s32 $0x108;
	s8 =	sld [smem:$0x3FB5]  }
0x2e: {  	s3 =	simm.s32 @!p0 $0x1082;
	s9 =	sld [smem:$0x3FB6]  }
0x2f: {  	lr =	sadd.s32 s0, s3;
	s0 =	sld [smem:$0x3FAD]  }
0x30: {  	s3 =	sld [smem:$0x3FB0]  }
0x31: {  	[smem:$0x3FB9] =	sst s10  }
0x32: {  	s10 =	sld [smem:$0x3FB7];
	_ =	sdelay $0x3  }
0x33: {  	p0 =	seq.s32 s10, $0x1;
	s10 =	sld [smem:$0x3FB9];
	_ =	sdelay $0x3  }
0x34: {  	[smem:$0x3FB9] =	sst s10  }
0x35: {  	s10 =	sld [smem:$0x3FB8];
	_ =	sdelay $0x3  }
0x36: {  	p1 =	seq.s32 s10, $0x1;
	s10 =	sld [smem:$0x3FB9];
	_ =	sdelay $0x3  }
0x37: {  	[smem:$0x3FB9] =	sst s10  }
0x38: {  	s10 =	sld [smem:$0x3FBA]  }
0x39: {  	_ = 	snop;
	(pc) =	sbr.ind lr, $3  }
0x3a: {  	_ = 	snop  }
0x3b: {  	_ = 	snop  }
0x3c: {  	p2 =	seq.s32 s10, $0x1;
	s10 =	sld [smem:$0x3FB9]  }
0x3d: {  	_ =	shalt  }
0x3e: {  	_ =	shalt  }
0x3f: {  	_ =	shalt  }
0x40: {  	_ =	shalt  }
0x41: {  	_ =	shalt  }
0x42: {  	_ =	shalt  }
0x43: {  	_ =	shalt  }
0x44: {  	_ =	shalt  }
0x45: {  	_ =	shalt  }
0x46: {  	_ =	shalt  }
0x47: {  	_ =	shalt  }
0x48: {  	_ =	shalt  }
0x49: {  	_ =	shalt  }
0x4a: {  	_ =	shalt  }
0x4b: {  	_ =	shalt  }
0x4c: {  	_ =	shalt  }
0x4d: {  	_ =	shalt  }
0x4e: {  	_ =	shalt  }
0x4f: {  	_ =	shalt  }
0x50: {  	_ =	shalt  }
0x51: {  	_ =	shalt  }
0x52: {  	_ =	shalt  }
0x53: {  	_ =	shalt  }
0x54: {  	_ =	shalt  }
0x55: {  	_ =	shalt  }
0x56: {  	_ =	shalt  }
0x57: {  	_ =	shalt  }
0x58: {  	_ =	shalt  }
0x59: {  	_ =	shalt  }
0x5a: {  	_ =	shalt  }
0x5b: {  	_ =	shalt  }
0x5c: {  	_ =	shalt  }
0x5d: {  	_ =	shalt  }
0x5e: {  	_ =	shalt  }
0x5f: {  	_ =	shalt  }
0x60: {  	_ =	shalt  }
0x61: {  	_ =	shalt  }
0x62: {  	_ =	shalt  }
0x63: {  	_ =	shalt  }
0x64: {  	_ =	shalt  }
0x65: {  	_ =	shalt  }
0x66: {  	_ =	shalt  }
0x67: {  	_ =	shalt  }
0x68: {  	_ =	shalt  }
0x69: {  	_ =	shalt  }
0x6a: {  	_ =	shalt  }
0x6b: {  	_ =	shalt  }
0x6c: {  	_ =	shalt  }
0x6d: {  	_ =	shalt  }
0x6e: {  	_ =	shalt  }
0x6f: {  	_ =	shalt  }
0x70: {  	_ =	shalt  }
0x71: {  	_ =	shalt  }
0x72: {  	_ =	shalt  }
0x73: {  	_ =	shalt  }
0x74: {  	_ =	shalt  }
0x75: {  	_ =	shalt  }
0x76: {  	_ =	shalt  }
0x77: {  	_ =	shalt  }
0x78: {  	_ =	shalt  }
0x79: {  	_ =	shalt  }
0x7a: {  	_ =	shalt  }
0x7b: {  	_ =	shalt  }
0x7c: {  	_ =	shalt  }
0x7d: {  	_ =	shalt  }
0x7e: {  	_ =	shalt  }
0x7f: {  	_ =	shalt  }
0x80: {  	_ =	shalt  }
0x81: {  	_ =	shalt  }
0x82: {  	_ =	shalt  }
0x83: {  	_ =	shalt  }
0x84: {  	_ =	shalt  }
0x85: {  	_ =	shalt  }
0x86: {  	_ =	shalt  }
0x87: {  	_ =	shalt  }
.Lfunc_end0:
.L_simem_size_0:
called_computation_lowered:
.L_overlay_start_0:
0x88: {  	s2 =	sld [smem:$0x3FD9]  }
0x89: {  	s3 =	sld [smem:$0x3FFE];
	_ =	sdelay $0x1  }
0x8a: {  	s1 =	srdreg.scid  }
0x8b: {  	s0 =	sand.u32 $0x1, s1  }
0x8c: {  	s17 =	sshll.u32 s0, $0xA;
	s2 =	sadd.s32 s3, s2  }
0x8d: {  	s2 =	sadd.s32 s2, s17  }
0x8e: {  	[smem:$0x3FC5] =	sst s2  }
0x8f: {  	_ = 	snop  }
0x90: {  	s2 =	sld [smem:$0x3FC9]  }
0x91: {  	s18 =	sld [smem:$0x3FC8]  }
0x92: {  	s4 =	sld [smem:$0x3FD0];
	(tm) =	ssettm $0x1  }
0x93: {  	s5 =	sld [smem:$0x3FFB];
	_ =	sdelay $0x3  }
0x94: {  	_ =	strace s5  }
0x95: {  	s5 =	sld [smem:$0x3FFC];
	_ =	sdelay $0x3  }
0x96: {  	_ =	strace s5  }
0x97: {  	s5 =	sld [smem:$0x3FFD];
	_ =	sdelay $0x3  }
0x98: {  	_ =	strace s5  }
0x99: {  	_ =	strace $0x8FFFFFFF  }
0x9a: {  	s19 =	sld [smem:$0x3FDB];
	_ =	sdelay $0x1  }
0x9b: {  	s6 =	simm.s32 $_scs_section_size  }
0x9c: {  	s7 =	simm.s32 $_size__tile_overlayer_lowered;
	s8 =	simm.s32 $_tile_overlayer_lowered  }
0x9d: {  	s22 =	simm.s32 $0x1BFF;
	s21 =	sshll.u32 s8, $0x1;
	s5 =	sadd.s32 s6, s19  }
0x9e: {  	s9 =	simm.s32 $0x0;
	s20 =	sshll.u32 s7, $0x1;
	s7 =	sadd.s32 s21, s5  }
0x9f: {  	[timem:s9], [sflag:s22] =	dma.local [hbm:s7], s20  }
0xa0: {  	_ =	swait.ge [sflag:s22], s20  }
0xa1: {  	s6 =	ssub.s32 $0x0, s20;
	[sflag:s22] =	ssyncset.done $0x0  }
0xa2: {  	[sflag:s22] =	ssyncadd.s32 s6;
	_ =	sdelay $0x1  }
0xa3: {  	s23 =	simm.s32 $0x1B8B  }
0xa4: {  	_ =	swait.ge [sflag:s23], $0x1  }
0xa5: {  	[sflag:s23] =	ssyncset.done $0x0  }
0xa6: {  	s25 =	simm.s32 $0x1B8E;
	s24 =	sld [smem:$0x3FFE];
	[sflag:s23] =	ssyncadd.s32 $0xFFFFFFFF  }
0xa7: {  	s26 =	simm.s32 $execute0_lowered;
	[smem:$0x3FD2] =	sst s25  }
0xa8: {  	s7 =	sshll.u32 s26, $0x1;
	_ =	strace $0x80000046;
	[dreg:$0x1] =	wrdreg $0xFFFFFFFF  }
0xa9: {  	s28 =	simm.s32 $_size_execute0_lowered;
	s5 =	sadd.s32 s5, s7;
	[dreg:$0x0] =	wrdreg $0x0  }
0xaa: {  	s7 =	sshll.u32 s28, $0x1;
	[dreg:$0x2] =	wrdreg s5  }
0xab: {  	[dreg:$0x3] =	wrdreg s7  }
0xac: {  	[dreg:$0x4] =	wrdreg $0xC0  }
0xad: {  	_ =	task [dreg:s9], $0x5FFFF  }
0xae: {  	[dreg:$0x1] =	wrdreg $0xFFFFFFFF  }
0xaf: {  	[dreg:$0x0] =	wrdreg $0x60  }
0xb0: {  	[dreg:$0x2] =	wrdreg s2  }
0xb1: {  	[dreg:$0x3] =	wrdreg s18  }
0xb2: {  	[dreg:$0x4] =	wrdreg s24  }
0xb3: {  	[dreg:$0x5] =	wrdreg s4  }
0xb4: {  	[dreg:$0x6] =	wrdreg $0x9  }
0xb5: {  	_ =	task.clear_ibuf [dreg:s9], $0x7FFFF;
	_ =	strace $0x90000046  }
0xb6: {  	s29 =	simm.s32 $0x9;
	_ =	strace $0x80000048  }
0xb7: {  	_ =	swait.ge [sflag:s29], $0x1  }
0xb8: {  	[sflag:s29] =	ssyncadd.s32 $0xFFFFFFFF  }
0xb9: {  	_ =	strace $0x90000048  }
0xba: {  	_ =	sfence  }
0xbb: {  	s30 =	sld [smem:$0x0];
	_ =	sdelay $0x2  }
0xbc: {  	s31 =	sshll.u32 s1, $0xD;
	s1 =	sshrl.u32 s1, $0x2  }
0xbd: {  	s3 =	sand.u32 $0x4000, s31;
	s1 =	sadd.s32 s1, s30  }
0xbe: {  	s0 =	sor.u32 s3, s0;
	s1 =	sshll.u32 s1, $0x11  }
0xbf: {  	s0 =	sor.u32 s1, s0  }
0xc0: {  	s0 =	sadd.s32 $0x8F2B, s0  }
0xc1: {  	[sflag:s0] =	ssyncadd.remote.s32 $0x1  }
0xc2: {  	_ =	sfence.sel $0xFFFF  }
0xc3: {  	[dreg:$0x0] =	wrdreg $0xFFFFFFFF;
	(pc) =	sbr.abs _section_cstart, $3  }
0xc4: {  	[dreg:$0x1] =	wrdreg $0xFFFFFFFF  }
0xc5: {  	_ =	task.clear_ibuf [dreg:s9], $0x2FFFF;
	_ =	strace $0x9FFFFFFF  }
0xc6: {  	(tm) =	ssettm $0x7FFFFFFF  }
0xc7: {  	_ =	shalt  }
tec
execute0_lowered:
.L_overlay_start_1:
0x0: {  	(tag) =	ssettag $0x1  }
0x1: {  	s1 =	rddreg [dreg:$0x0]  }
0x2: {  	s3 =	rddreg [dreg:$0x1]  }
0x3: {  	s7 =	rddreg [dreg:$0x2]  }
0x4: {  	s4 =	rddreg [dreg:$0x3]  }
0x5: {  	s5 =	srdreg.scid;
	s2 =	stileid.u32  }
0x6: {  	s0 =	rddreg [dreg:$0x4];
	s11 =	simm.s32 $0xA;
	s12 =	simm.s32 $0x1  }
0x7: {  	s13 =	simm.s32 $0x14000;
	s14 =	simm.s32 $0x3;
	s15 =	simm.s32 $0x4  }
0x8: {  	s16 =	simm.s32 $0x0;
	s6 =	sand.u32 $0x1, s5;
	s8 =	sshll.u32 s2, $0x1  }
0x9: {  	s5 =	simm.s32 $0x0;
	s9 =	ssub.s32 $0x2, s6;
	s6 =	sor.u32 s6, s8  }
0xa: {  	[smem:$0x7FF] =	sst s5;
	s31 =	sshrl.u32 s9, $0x1;
	s10 =	smul.u32 $0x1400, s6  }
0xb: {  	s7 =	sadd.s32 $0x400, s7;
	_ =	strace $0x80000047;
	s9 =	ssub.s32 s9, s31  }
0xc: {  	v0 =	vlaneseq.u32;
	s8 =	sadd.s32 s3, s10;
	s9 =	smax.u32 s9, $0x1;
	s10 =	simm.s32 $0x1E000  }
.LBB2_1:
0xd: {  	[tilespmem:s10], [sflag:$0xA] =	stream.linear.gather [hbm4b:s7+s5], $0x100, $0x38;
	[tilespmem:$0x1E100] =	vst v63  }
0xe: {  	s17 =	simm.s32 $0x2  }
0xf: {  	s18 =	simm.s32 $0x0;
	v1 =	vmov s17  }
0x10: {  	s22 =	simm.s32 $0x1;
	v2 =	vmov s18  }
0x11: {  	_ =	swait.ge [sflag:s11], $0x100;
	v3 =	vmov s22  }
0x12: {  	[sflag:s11] =	ssyncset.done $0x0  }
0x13: {  	[sflag:s11] =	ssyncadd.s32 $0xFFFFFF00  }
0x14: {  	v1 =	vld.idx.msk [tilespmem:v1+s10+$0x0], $0xffff  }
0x15: {  	s23 =	simm.s32 $0x5;
	v2 =	vld.idx.msk [tilespmem:v2+s10+$0x0], $0xffff  }
0x16: {  	v4 =	vmov s23;
	v3 =	vld.idx.msk [tilespmem:v3+s10+$0x0], $0xffff;
	_ =	sdelay $0x2  }
0x17: {  	s24 =	simm.s32 $0x3;
	v1 =	vxor.u32 $0x80000000, v1  }
0x18: {  	s25 =	simm.s32 $0x4;
	v2 =	vxor.u32 $0x80000000, v2;
	(xrf0) =	vmax.scan.msk.u32 $0xffff, v1;
	v1 =	vmov s24  }
0x19: {  	s26 =	simm.s32 $0x8;
	v4 =	vld.idx.msk [tilespmem:v4+s10+$0x0], $0xffff;
	v3 =	vxor.u32 $0x80000000, v3;
	(xrf0) =	vmax.scan.msk.u32 $0xffff, v2;
	v2 =	vmov s25  }
0x1a: {  	s28 =	simm.s32 $0x6;
	(xrf0) =	vmax.scan.msk.u32 $0xffff, v3;
	v3 =	vmov s26  }
0x1b: {  	s29 =	simm.s32 $0x7;
	v5 =	vmov s28  }
0x1c: {  	s30 =	simm.s32 $0xB;
	v6 =	vmov s29  }
0x1d: {  	v7 =	vmov s30;
	v1 =	vld.idx.msk [tilespmem:v1+s10+$0x0], $0xffff  }
0x1e: {  	s31 =	simm.s32 $0x9;
	v4 =	vxor.u32 $0x80000000, v4;
	v8, _, _ =	vpop (xrf0);
	v2 =	vld.idx.msk [tilespmem:v2+s10+$0x0], $0xffff  }
0x1f: {  	(xrf0) =	vmax.scan.msk.u32 $0xffff, v4;
	v4 =	vmov s31;
	v9, _, _ =	vpop (xrf0);
	(v2sf) =	vpush v8, $0xF;
	v3 =	vld.idx.msk [tilespmem:v3+s10+$0x0], $0xffff  }
0x20: {  	s19 =	simm.s32 $0xA;
	v5 =	vld.idx.msk [tilespmem:v5+s10+$0x0], $0xffff;
	(v2sf) =	vpush v9, $0xF  }
0x21: {  	v62 =	vmov s19;
	v6 =	vld.idx.msk [tilespmem:v6+s10+$0x0], $0xffff;
	v8, _, _ =	vpop (xrf0)  }
0x22: {  	v7 =	vld.idx.msk [tilespmem:v7+s10+$0x0], $0xffff;
	(v2sf) =	vpush v8, $0xF;
	v1 =	vxor.u32 $0x80000000, v1  }
0x23: {  	s21 =	simm.s32 $0xC;
	v2 =	vxor.u32 $0x80000000, v2;
	(xrf0) =	vmax.scan.msk.u32 $0xffff, v1  }
0x24: {  	s20 =	simm.s32 $0xE;
	v4 =	vld.idx.msk [tilespmem:v4+s10+$0x0], $0xffff;
	v8 =	vmov s21;
	(xrf0) =	vmax.scan.msk.u32 $0xffff, v2;
	v2 =	vxor.u32 $0x80000000, v3  }
0x25: {  	v1 =	vmov s20;
	v3, _, _ =	vpop (xrf0);
	(xrf0) =	vmax.scan.msk.u32 $0xffff, v2;
	v2 =	vxor.u32 $0x80000000, v5  }
0x26: {  	v5 =	vld.idx.msk [tilespmem:v62+s10+$0x0], $0xffff;
	(v2sf) =	vpush v3, $0xF;
	v3 =	vxor.u32 $0x80000000, v6;
	(xrf0) =	vmax.scan.msk.u32 $0xffff, v2  }
0x27: {  	(xrf0) =	vmax.scan.msk.u32 $0xffff, v3;
	v3 =	vxor.u32 $0x80000000, v7  }
0x28: {  	s22 =	simm.s32 $0xD  }
0x29: {  	s23 =	simm.s32 $0x11;
	v4 =	vxor.u32 $0x80000000, v4;
	v2 =	vmov s22;
	v7 =	vld.idx.msk [tilespmem:v8+s10+$0x0], $0xffff  }
0x2a: {  	s24 =	simm.s32 $0xF;
	v6 =	vld.idx.msk [tilespmem:v1+s10+$0x0], $0xffff;
	v1 =	vmov s23;
	(xrf0) =	vmax.scan.msk.u32 $0xffff, v3;
	v3, _, _ =	vpop (xrf0)  }
0x2b: {  	s25 =	simm.s32 $0x10;
	v8 =	vmov s24;
	(xrf0) =	vmax.scan.msk.u32 $0xffff, v4;
	(v2sf) =	vpush v3, $0xF;
	v3 =	vxor.u32 $0x80000000, v5  }
0x2c: {  	v4, _, _ =	vpop (xrf0);
	v5 =	vmov s25;
	(xrf0) =	vmax.scan.msk.u32 $0xffff, v3  }
0x2d: {  	(v2sf) =	vpush v4, $0xF;
	v4, _, _ =	vpop (xrf0)  }
0x2e: {  	v63 =	vld.idx.msk [tilespmem:v2+s10+$0x0], $0xffff;
	(v2sf) =	vpush v4, $0xF;
	v4 =	vxor.u32 $0x80000000, v7;
	v3, _, _ =	vpop (xrf0);
	s26 =	spop (v2sf)  }
0x2f: {  	v1 =	vld.idx.msk [tilespmem:v1+s10+$0x0], $0xffff;
	(v2sf) =	vpush v3, $0xF;
	v2, _, _ =	vpop (xrf0);
	v3 =	vxor.u32 $0x80000000, v6;
	s28 =	spop (v2sf)  }
0x30: {  	(v2sf) =	vpush v2, $0xF;
	v2 =	vld.idx.msk [tilespmem:v8+s10+$0x0], $0xffff;
	(xrf0) =	vmax.scan.msk.u32 $0xffff, v3;
	v6, _, _ =	vpop (xrf0);
	s18 =	sxor.u32 $0x80000000, s28  }
0x31: {  	s19 =	spop (v2sf);
	v3 =	vld.idx.msk [tilespmem:v5+s10+$0x0], $0xffff;
	(xrf0) =	vmax.scan.msk.u32 $0xffff, v4;
	v4, _, _ =	vpop (xrf0);
	(v2sf) =	vpush v6, $0xF;
	[smem:$0x0] =	sst s18  }
0x32: {  	(v2sf) =	vpush v4, $0xF;
	v4, _, _ =	vpop (xrf0)  }
0x33: {  	(v2sf) =	vpush v4, $0xF;
	_ =	sdelay $0x3  }
0x34: {  	s30 =	simm.s32 $0x14  }
0x35: {  	s31 =	simm.s32 $0x12;
	v5 =	vxor.u32 $0x80000000, v63;
	s29 =	sxor.u32 $0x80000000, s19;
	v4 =	vmov s30  }
0x36: {  	s20 =	simm.s32 $0x13;
	s17 =	sxor.u32 $0x80000000, s26;
	(xrf0) =	vmax.scan.msk.u32 $0xffff, v5;
	[smem:s12] =	sst s29;
	v5 =	vmov s31  }
0x37: {  	v6 =	vmov s20;
	[smem:$0x2] =	sst s17  }
0x38: {  	s19 =	simm.s32 $0x17;
	s17 =	simm.s32 $0x1;
	s18 =	spop (v2sf)  }
.LBB2_2:
0x39: {  	s20 =	sadd.s32 $0xFFFFFFFE, s19;
	s21 =	spop (v2sf)  }
0x3a: {  	v9 =	vxor.u32 $0x80000000, v1;
	v1 =	vld.idx.msk [tilespmem:v4+s10+$0x0], $0xffff;
	s17 =	sadd.s32 $0x3, s17;
	s22 =	sadd.s32 $0xFFFFFFFF, s19;
	p0 =	sne.s32 s19, $0x8F  }
.Ltmp0:
0x3b: {  	v4 =	vmov s19;
	v10 =	vxor.u32 $0x80000000, v2;
	v2 =	vld.idx.msk [tilespmem:v5+s10+$0x0], $0xffff;
	(xrf0) =	vmax.scan.msk.u32 $0xffff, v9;
	v7, _, _ =	vpop (xrf0);
	s21 =	sxor.u32 $0x80000000, s21;
	s23 =	spop (v2sf);
	(pc) =	sbr.rel @p0 .LBB2_2-.Ltmp0, $4  }
0x3c: {  	s18 =	sxor.u32 $0x80000000, s18;
	v5 =	vmov s20;
	v9 =	vxor.u32 $0x80000000, v3;
	v3 =	vld.idx.msk [tilespmem:v6+s10+$0x0], $0xffff;
	(xrf0) =	vmax.scan.msk.u32 $0xffff, v10;
	v8, _, _ =	vpop (xrf0);
	(v2sf) =	vpush v7, $0xF;
	[smem:s17+$0xFFFFFFFF] =	sst s21;
	s20 =	sxor.u32 $0x80000000, s23  }
0x3d: {  	s19 =	sadd.s32 $0x3, s19;
	v6 =	vmov s22;
	(xrf0) =	vmax.scan.msk.u32 $0xffff, v9;
	(v2sf) =	vpush v8, $0xF;
	v7, _, _ =	vpop (xrf0);
	[smem:s17] =	sst s20  }
0x3e: {  	(v2sf) =	vpush v7, $0xF;
	[smem:s17+$0x1] =	sst s18  }
0x3f: {  	s18 =	spop (v2sf)  }
0x40: {  	_ =	sdelay $0x3  }
0x41: {  	v4 =	vld.idx.msk [tilespmem:v4+s10+$0x0], $0xffff  }
0x42: {  	v1 =	vxor.u32 $0x80000000, v1;
	v5 =	vld.idx.msk [tilespmem:v5+s10+$0x0], $0xffff  }
0x43: {  	v2 =	vxor.u32 $0x80000000, v2;
	(xrf0) =	vmax.scan.msk.u32 $0xffff, v1;
	v1 =	vld.idx.msk [tilespmem:v6+s10+$0x0], $0xffff  }
0x44: {  	v3 =	vxor.u32 $0x80000000, v3  }
0x45: {  	(xrf0) =	vmax.scan.msk.u32 $0xffff, v2  }
0x46: {  	v2, _, _ =	vpop (xrf0);
	(xrf0) =	vmax.scan.msk.u32 $0xffff, v3  }
0x47: {  	v3, _, _ =	vpop (xrf0);
	(v2sf) =	vpush v2, $0xF;
	v2 =	vxor.u32 $0x80000000, v4  }
0x48: {  	(v2sf) =	vpush v3, $0xF;
	v3, _, _ =	vpop (xrf0);
	v63 =	vxor.u32 $0x80000000, v5;
	(xrf0) =	vmax.scan.msk.u32 $0xffff, v2;
	v1 =	vxor.u32 $0x80000000, v1  }
0x49: {  	(v2sf) =	vpush v3, $0xF;
	(xrf0) =	vmax.scan.msk.u32 $0xffff, v63  }
0x4a: {  	v2, _, _ =	vpop (xrf0);
	(xrf0) =	vmax.scan.msk.u32 $0xffff, v1  }
0x4b: {  	s19 =	spop (v2sf);
	v1, _, _ =	vpop (xrf0);
	(v2sf) =	vpush v2, $0xF  }
0x4c: {  	s17 =	sadd.s32 $0x3, s17;
	s19 =	sxor.u32 $0x80000000, s19;
	s20 =	spop (v2sf);
	(v2sf) =	vpush v1, $0xF;
	v1, _, _ =	vpop (xrf0)  }
0x4d: {  	[smem:s17+$0xFFFFFFFF] =	sst s19;
	s20 =	sxor.u32 $0x80000000, s20;
	(v2sf) =	vpush v1, $0xF  }
0x4e: {  	s18 =	sxor.u32 $0x80000000, s18;
	s21 =	spop (v2sf);
	[smem:s17] =	sst s20;
	v1, _, _ =	vpop (xrf0)  }
0x4f: {  	s22 =	spop (v2sf);
	[smem:s17+$0x1] =	sst s18;
	v2, _, _ =	vpop (xrf0);
	(v2sf) =	vpush v1, $0xF  }
0x50: {  	s17 =	sadd.s32 $0x3, s17;
	s18 =	sxor.u32 $0x80000000, s22;
	s23 =	spop (v2sf);
	(v2sf) =	vpush v2, $0xF;
	v1, _, _ =	vpop (xrf0)  }
0x51: {  	[smem:s17+$0xFFFFFFFF] =	sst s18;
	s24 =	sxor.u32 $0x80000000, s23;
	(v2sf) =	vpush v1, $0xF  }
0x52: {  	s19 =	sxor.u32 $0x80000000, s21;
	[smem:s17] =	sst s24;
	s25 =	spop (v2sf)  }
0x53: {  	[smem:s17+$0x1] =	sst s19;
	s26 =	spop (v2sf)  }
0x54: {  	s17 =	sadd.s32 $0x3, s17;
	s28 =	spop (v2sf);
	s18 =	sxor.u32 $0x80000000, s26  }
0x55: {  	[smem:s17+$0xFFFFFFFF] =	sst s18;
	s29 =	sxor.u32 $0x80000000, s28  }
0x56: {  	s30 =	sxor.u32 $0x80000000, s25;
	[smem:s17] =	sst s29;
	s31 =	spop (v2sf)  }
0x57: {  	[smem:s17+$0x1] =	sst s30;
	s20 =	spop (v2sf)  }
0x58: {  	s17 =	sadd.s32 $0x3, s17;
	s19 =	sxor.u32 $0x80000000, s20;
	s21 =	spop (v2sf)  }
0x59: {  	[smem:s17+$0xFFFFFFFF] =	sst s19;
	s22 =	sxor.u32 $0x80000000, s21  }
0x5a: {  	s18 =	sxor.u32 $0x80000000, s31;
	[smem:s17] =	sst s22;
	s23 =	spop (v2sf)  }
0x5b: {  	[smem:s17+$0x1] =	sst s18;
	s24 =	spop (v2sf)  }
0x5c: {  	s17 =	sadd.s32 $0x3, s17;
	s18 =	sxor.u32 $0x80000000, s24;
	s25 =	spop (v2sf)  }
0x5d: {  	[smem:s17+$0xFFFFFFFF] =	sst s18;
	s26 =	sxor.u32 $0x80000000, s25  }
0x5e: {  	s19 =	sxor.u32 $0x80000000, s23;
	[smem:s17] =	sst s26;
	s28 =	spop (v2sf)  }
0x5f: {  	[smem:s17+$0x1] =	sst s19;
	s29 =	spop (v2sf)  }
0x60: {  	s17 =	sadd.s32 $0x3, s17;
	s19 =	sxor.u32 $0x80000000, s29;
	s30 =	spop (v2sf)  }
0x61: {  	[smem:s17+$0xFFFFFFFF] =	sst s19;
	s31 =	sxor.u32 $0x80000000, s30  }
0x62: {  	s18 =	sxor.u32 $0x80000000, s28;
	s19 =	simm.s32 $0x0;
	[smem:s17] =	sst s31  }
0x63: {  	[smem:s17+$0x1] =	sst s18;
	s17 =	simm.s32 $0x0;
	s18 =	smov.u32 s6  }
.LBB2_4:
0x64: {  	s20 =	sshll.u32 s19, $0x5  }
0x65: {  	p0 =	sgt.u32 s19, $0x9;
	s23 =	simm.s32 $0x18;
	s22 =	sor.u32 s6, s20  }
0x66: {  	s23 =	simm.s32 @!p0 $0x0;
	s20 =	smulhi.u32 $0x66666667, s22  }
0x67: {  	s24 =	smul.u32 $0xC, s23  }
0x68: {  	s21 =	smulhi.u32 $0xCCCCCCCD, s18;
	[smem:s19+$0x300] =	sst s17  }
0x69: {  	s31 =	simm.s32 $0x0;
	s26 =	sshrl.u32 s20, $0x6;
	s20 =	sshrl.u32 s24, $0x2  }
0x6a: {  	s26 =	smul.u32 $0xA0, s26;
	s24 =	sld [smem:s20+s31]  }
0x6b: {  	s21 =	sshrl.u32 s21, $0x7  }
0x6c: {  	s28 =	smul.u32 $0xA0, s21;
	s21 =	ssub.s32 s22, s26  }
0x6d: {  	s25 =	smulhi.u32 $0xCCCCCCCD, s19;
	s26 =	ssub.s32 s21, s24  }
0x6e: {  	p0 =	sgt.u32 s26, $0x3F;
	p1 =	slt.u32 s26, $0x40;
	s26 =	simm.s32 $0x1  }
0x6f: {  	s26 =	simm.s32 @!p1 $0x0;
	p1 =	por $0x1, $0x1  }
.Ltmp1:
0x70: {  	s25 =	sshll.u32 s25, $0xA;
	(pc) =	sbr.rel @!p1 .LBB2_6-.Ltmp1, $4  }
0x71: {  	s25 =	sand.u32 $0x1000, s25;
	s22 =	ssub.s32 s18, s28  }
0x72: {  	s23 =	sor.u32 s25, s23;
	s24 =	ssub.s32 @!p0 s22, s24  }
0x73: {  	s25 =	simm.s32 $0xC;
	s28 =	sshll.u32 @!p0 s24, $0x6;
	s29 =	sadd.s32 s26, s17  }
0x74: {  	s24 =	smov.u32 s17;
	s26 =	sadd.s32 @!p0 s28, s23;
	s17 =	smov.u32 s29  }
.LBB2_5:
0x75: {  	s28 =	sshra.s32 s25, $0x2;
	s25 =	sadd.s32 $0xC, s25;
	[smem:s24+$0x100] =	sst @!p0 s26  }
0x76: {  	s24 =	smov.u32 s17;
	s26 =	sld [smem:s20+s28];
	p1 =	sne.s32 s25, $0x120  }
0x77: {  	_ =	sdelay $0x1  }
.Ltmp2:
0x78: {  	s28 =	ssub.s32 s21, s26;
	(pc) =	sbr.rel @p1 .LBB2_5-.Ltmp2, $4  }
0x79: {  	p0 =	sgt.u32 s28, $0x3F;
	p2 =	slt.u32 s28, $0x40;
	s28 =	simm.s32 $0x1  }
0x7a: {  	s26 =	ssub.s32 @!p0 s22, s26;
	s28 =	simm.s32 @!p2 $0x0  }
0x7b: {  	s23 =	sadd.s32 $0x1, s23;
	s26 =	sshll.u32 @!p0 s26, $0x6;
	s17 =	sadd.s32 s28, s17  }
0x7c: {  	s26 =	sadd.s32 @!p0 s26, s23  }
.LBB2_6:
0x7d: {  	s19 =	sadd.s32 $0x1, s19  }
0x7e: {  	p1 =	sne.s32 s19, $0x14  }
.Ltmp3:
0x7f: {  	_ = 	snop;
	(pc) =	sbr.rel @p1 .LBB2_4-.Ltmp3, $2  }
0x80: {  	_ =	sdelay $0x2  }
0x81: {  	[smem:s24+$0x100] =	sst @!p0 s26;
	s18 =	sadd.s32 $0x20, s18  }
0x82: {  	p0 =	slt.s32 s17, $0x1  }
.Ltmp4:
0x83: {  	_ = 	snop;
	(pc) =	sbr.rel @p0 .LBB2_9-.Ltmp4, $2  }
0x84: {  	_ =	sdelay $0x2  }
0x85: {  	[smem:$0x314] =	sst s17  }
0x86: {  	s18 =	sld [smem:$0x100];
	_ =	sdelay $0x2  }
0x87: {  	s19 =	sshll.u32 s18, $0x14;
	s18 =	sshll.u32 s18, $0x7  }
0x88: {  	s19 =	sand.u32 $0x3F00000, s19;
	s20 =	sand.u32 $0xFFF80000, s18  }
0x89: {  	s18 =	sand.u32 $0x7E000, s18;
	s19 =	sadd.s32 s20, s19  }
0x8a: {  	p0 =	seq.s32 s17, $0x1;
	s18 =	sor.u32 s18, s19  }
0x8b: {  	s19 =	sld @!p0 [smem:$0x101];
	s18 =	sshrl.u32 s18, $0x3  }
0x8c: {  	s18 =	sadd.s32 s1, s18  }
0x8d: {  	[tilespmem:s13], [sflag:$0x5] =	stream.linear.gather [hbm4b:s18+s5], $0x2000, $0x38;
	[tilespmem:$0x1E100] =	vst v63  }
0x8e: {  	s18 =	sshll.u32 @!p0 s19, $0x14;
	s19 =	sshll.u32 @!p0 s19, $0x7  }
0x8f: {  	s18 =	sand.u32 @!p0 $0x3F00000, s18;
	s20 =	sand.u32 @!p0 $0xFFF80000, s19  }
0x90: {  	p2 =	slt.u32 @!p0 s17, $0x3;
	s19 =	sand.u32 @!p0 $0x7E000, s19;
	s18 =	sadd.s32 @!p0 s20, s18  }
0x91: {  	p1 =	por p2, p0;
	s18 =	sor.u32 @!p0 s19, s18  }
0x92: {  	s19 =	sld @!p1 [smem:$0x102];
	s18 =	sshrl.u32 @!p0 s18, $0x3  }
0x93: {  	s21 =	simm.s32 @!p0 $0x16000;
	s20 =	simm.s32 @!p0 $0x0;
	s18 =	sadd.s32 @!p0 s1, s18  }
0x94: {  	[tilespmem:s21], [sflag:$0x6] =	stream.linear.gather @!p0 [hbm4b:s18+s20], $0x2000, $0x38;
	[tilespmem:$0x1E100] =	vst v63  }
0x95: {  	s18 =	sshll.u32 @!p1 s19, $0x14;
	s19 =	sshll.u32 @!p1 s19, $0x7  }
0x96: {  	p3 =	seq.s32 @!p1 s17, $0x3;
	s18 =	sand.u32 @!p1 $0x3F00000, s18;
	s20 =	sand.u32 @!p1 $0xFFF80000, s19  }
0x97: {  	p2 =	por @!p0 p3, p2;
	s19 =	sand.u32 @!p1 $0x7E000, s19;
	s18 =	sadd.s32 @!p1 s20, s18  }
0x98: {  	p0 =	por p2, p0;
	s18 =	sor.u32 @!p1 s19, s18  }
0x99: {  	s19 =	sld @!p0 [smem:$0x103];
	s18 =	sshrl.u32 @!p1 s18, $0x3  }
0x9a: {  	s21 =	simm.s32 @!p1 $0x18000;
	s20 =	simm.s32 @!p1 $0x0;
	s18 =	sadd.s32 @!p1 s1, s18  }
0x9b: {  	[tilespmem:s21], [sflag:$0x7] =	stream.linear.gather @!p1 [hbm4b:s18+s20], $0x2000, $0x38;
	[tilespmem:$0x1E100] =	vst v63  }
0x9c: {  	s18 =	sshll.u32 @!p0 s19, $0x14;
	s19 =	sshll.u32 @!p0 s19, $0x7  }
0x9d: {  	s18 =	sand.u32 @!p0 $0x3F00000, s18;
	s20 =	sand.u32 @!p0 $0xFFF80000, s19  }
0x9e: {  	s19 =	sand.u32 @!p0 $0x7E000, s19;
	s18 =	sadd.s32 @!p0 s20, s18  }
0x9f: {  	s18 =	sor.u32 @!p0 s19, s18  }
0xa0: {  	s18 =	sshrl.u32 @!p0 s18, $0x3  }
0xa1: {  	s20 =	simm.s32 @!p0 $0x1A000;
	s19 =	simm.s32 @!p0 $0x0;
	s18 =	sadd.s32 @!p0 s1, s18  }
0xa2: {  	[tilespmem:s20], [sflag:$0x8] =	stream.linear.gather @!p0 [hbm4b:s18+s19], $0x2000, $0x38;
	[tilespmem:$0x1E100] =	vst v63  }
.LBB2_9:
0xa3: {  	s20 =	simm.s32 $0x0  }
0xa4: {  	[tilespmem:s20], [sflag:$0x1] =	stream.linear.gather [hbm4b:s8+s20], $0xA000, $0x38;
	[tilespmem:$0x1E100] =	vst v63  }
.LBB2_10:
0xa5: {  	s18 =	sand.u32 $0x1, s20  }
0xa6: {  	s19 =	sadd.s32 $0x1, s18  }
0xa7: {  	s21 =	sld [smem:s20+$0x301];
	_ =	swait.ge [sflag:s19], $0xA000  }
0xa8: {  	[sflag:s19] =	ssyncset.done $0x0  }
0xa9: {  	[sflag:s19] =	ssyncadd.s32 $0xFFFF6000  }
0xaa: {  	s22 =	sld [smem:s20+$0x300];
	_ =	sdelay $0x2  }
0xab: {  	p0 =	sge.s32 s22, s21  }
.Ltmp5:
0xac: {  	_ = 	snop;
	(pc) =	sbr.rel @p0 .LBB2_14-.Ltmp5, $3  }
0xad: {  	_ = 	snop  }
0xae: {  	s31 =	smul.u32 $0x28000, s18;
	_ =	sdelay $0x1  }
0xaf: {  	s19 =	sshrl.u32 s31, $0x2  }
.LBB2_11:
0xb0: {  	s23 =	smulhi.u32 $0x66666667, s22;
	s24 =	sshra.s32 s22, $0x1F;
	s25 =	sadd.s32 $0x4, s22  }
0xb1: {  	s24 =	smul.u32 $0x66666667, s24;
	p0 =	sge.s32 s25, s17  }
0xb2: {  	s26 =	smulhi.u32 @!p0 $0x66666667, s25;
	s28 =	sshra.s32 @!p0 s25, $0x1F  }
0xb3: {  	s28 =	smul.u32 @!p0 $0x66666667, s28  }
0xb4: {  	s23 =	sadd.s32 s24, s23  }
0xb5: {  	s29 =	sshrl.u32 s23, $0x1F;
	s24 =	sadd.s32 @!p0 s28, s26;
	s26 =	sld @!p0 [smem:s25+$0x100]  }
0xb6: {  	s23 =	sshra.s32 s23, $0x1;
	s28 =	sshrl.u32 @!p0 s24, $0x1F;
	s24 =	sshra.s32 @!p0 s24, $0x1  }
0xb7: {  	s31 =	sld [smem:s22+$0x100];
	s23 =	sadd.s32 s29, s23;
	s24 =	sadd.s32 @!p0 s28, s24  }
0xb8: {  	s24 =	smul.u32 @!p0 $0x5, s24;
	s28 =	sshll.u32 @!p0 s26, $0x14;
	s26 =	sshll.u32 @!p0 s26, $0x7  }
0xb9: {  	s23 =	smul.u32 $0x5, s23;
	s28 =	sand.u32 @!p0 $0x3F00000, s28;
	s29 =	sand.u32 @!p0 $0xFFF80000, s26  }
0xba: {  	s26 =	sand.u32 @!p0 $0x7E000, s26;
	s24 =	ssub.s32 @!p0 s25, s24;
	s25 =	sadd.s32 @!p0 s29, s28  }
0xbb: {  	s23 =	ssub.s32 s22, s23;
	s28 =	sshll.u32 @!p0 s24, $0xF;
	s25 =	sor.u32 @!p0 s26, s25  }
0xbc: {  	s29 =	simm.s32 @!p0 $0x0;
	s26 =	sshra.s32 @!p0 s28, $0x2;
	s25 =	sshrl.u32 @!p0 s25, $0x3  }
0xbd: {  	s24 =	sadd.s32 @!p0 $0x5, s24;
	s26 =	sadd.s32 @!p0 $0x14000, s26;
	s25 =	sadd.s32 @!p0 s1, s25  }
0xbe: {  	[tilespmem:s26], [sflag:s24] =	stream.linear.gather @!p0 [hbm4b:s25+s29], $0x2000, $0x38;
	[tilespmem:$0x1E100] =	vst v63  }
0xbf: {  	s28 =	sand.u32 $0x3F, s31;
	s29 =	sadd.s32 $0x5, s23  }
0xc0: {  	s24 =	smul.u32 $0xC, s28;
	_ =	swait.ge [sflag:s29], $0x2000  }
0xc1: {  	[sflag:s29] =	ssyncset.done $0x0  }
0xc2: {  	s24 =	sshrl.u32 s24, $0x2;
	[sflag:s29] =	ssyncadd.s32 $0xFFFFE000  }
0xc3: {  	s23 =	sshll.u32 s23, $0xF;
	s25 =	sld [smem:s24+$0x2]  }
0xc4: {  	s23 =	sshra.s32 s23, $0x2;
	s24 =	sld [smem:s24+$0x1]  }
0xc5: {  	s23 =	sadd.s32 $0x14000, s23  }
0xc6: {  	v9 =	vmov s23;
	s30 =	sadd.s32 $0x10, s25  }
0xc7: {  	v2 =	vadd.s32 s25, v0;
	s31 =	sadd.s32 $0x20, s25;
	s25 =	sadd.s32 $0x30, s25;
	v11 =	vmov s24;
	v3 =	vadd.s32 s30, v0  }
0xc8: {  	v4 =	vadd.s32 s31, v0;
	v7 =	vadd.s32 s25, v0;
	v1 =	vand.u32 $0x7F, v2  }
0xc9: {  	v2 =	vshll.u32 v2, $0x3;
	v10 =	vadd.s32 $0x1, v11;
	v12 =	vshll.u32 v11, $0x8  }
0xca: {  	v13 =	vshll.u32 v11, $0x7;
	v25 =	vadd.s32 $0x2, v11;
	v5 =	vand.u32 $0xFFFFFC00, v2  }
0xcb: {  	v2 =	vand.u32 $0x7F, v3;
	v3 =	vshll.u32 v3, $0x3;
	v14 =	vshll.u32 v10, $0x7  }
0xcc: {  	v12 =	vand.u32 $0xFFFFF800, v12;
	v10 =	vshll.u32 v10, $0x8;
	v15 =	vand.u32 $0x380, v13  }
0xcd: {  	v24 =	vshll.u32 v25, $0x8;
	v25 =	vshll.u32 v25, $0x7;
	v6 =	vand.u32 $0xFFFFFC00, v3  }
0xce: {  	v3 =	vand.u32 $0x7F, v4;
	v4 =	vshll.u32 v4, $0x3;
	v16 =	vadd.s32 v5, v12  }
0xcf: {  	v10 =	vand.u32 $0xFFFFF800, v10;
	v14 =	vand.u32 $0x380, v14;
	v8 =	vand.u32 $0xFFFFFC00, v4  }
0xd0: {  	v4 =	vand.u32 $0x7F, v7;
	v7 =	vshll.u32 v7, $0x3;
	v18 =	vadd.s32 v6, v12  }
0xd1: {  	v16 =	vor.u32 v15, v16;
	v7 =	vand.u32 $0xFFFFFC00, v7;
	v17 =	vadd.s32 v8, v12  }
0xd2: {  	v13 =	vadd.s32 v7, v12;
	v12 =	vor.u32 v15, v17;
	v17 =	vadd.s32 v5, v10  }
0xd3: {  	v19 =	vadd.s32 v7, v10;
	v13 =	vor.u32 v15, v13;
	v12 =	vor.u32 v3, v12  }
0xd4: {  	s23 =	simm.s32 $0x0;
	v15 =	vor.u32 v15, v18;
	v18 =	vadd.s32 v8, v10;
	v23 =	vor.u32 v14, v17  }
0xd5: {  	v22 =	vld.idx.msk [tilespmem:v9+s23+$0xA0 ss:$0x1], $0xffff;
	v10 =	vadd.s32 v6, v10;
	v20 =	vor.u32 v14, v19;
	v19 =	vor.u32 v1, v16  }
0xd6: {  	v16 =	vld.idx.msk [tilespmem:v9+s23+$0xB0 ss:$0x1], $0xffff;
	v13 =	vor.u32 v4, v13;
	v17 =	vor.u32 v14, v18;
	v21 =	vor.u32 v14, v10  }
0xd7: {  	v14 =	vld.idx.msk [tilespmem:v9+s23+$0x100 ss:$0x1], $0xffff;
	v18 =	vor.u32 v2, v15;
	v15 =	vor.u32 v4, v20;
	v20 =	vadd.s32 $0x4, v11  }
0xd8: {  	s24 =	simm.s32 $0x800;
	v10 =	vld.idx.msk [tilespmem:v9+s23+$0x180 ss:$0x1], $0xffff;
	v23 =	vor.u32 v1, v23;
	v17 =	vor.u32 v3, v17;
	v21 =	vor.u32 v2, v21  }
.LBB2_12:
0xd9: {  	s25 =	sshra.s32 s24, $0x2;
	v26 =	vshll.u32 v20, $0x8;
	v27 =	vadd.s32 $0x1, v20;
	p0 =	sne.s32 s24, $0x7800;
	s24 =	sadd.s32 $0x800, s24;
	v28 =	vld.idx.msk [tilespmem:v9+s23+$0x120 ss:$0x1], $0xffff;
	v25 =	vand.u32 $0x380, v25  }
0xda: {  	v29 =	vshll.u32 v20, $0x7;
	v24 =	vand.u32 $0xFFFFF800, v24;
	v30 =	vshll.u32 v27, $0x7;
	v31 =	vld.idx.msk [tilespmem:v9+s23+$0x30 ss:$0x1], $0xffff  }
0xdb: {  	v26 =	vand.u32 $0xFFFFF800, v26;
	v27 =	vshll.u32 v27, $0x8;
	v33 =	vadd.s32 v7, v24;
	v32 =	vld.idx.msk [tilespmem:v9+s23+$0x20 ss:$0x1], $0xffff  }
0xdc: {  	v29 =	vand.u32 $0x380, v29;
	v34 =	vadd.s32 v7, v26;
	v33 =	vor.u32 v25, v33;
	v35 =	vld.idx.msk [tilespmem:v9+s23+$0x90 ss:$0x1], $0xffff  }
0xdd: {  	v38 =	vadd.s32 v8, v24;
	v36 =	vadd.s32 v5, v26;
	v34 =	vor.u32 v29, v34;
	v37 =	vld.idx.msk [tilespmem:v9+s23+$0x80 ss:$0x1], $0xffff  }
0xde: {  	v41 =	vadd.s32 v5, v24;
	v39 =	vadd.s32 v6, v26;
	v26 =	vadd.s32 v8, v26;
	v40 =	vld.idx.msk [tilespmem:v9+s23+$0x0 ss:$0x1], $0xffff  }
0xdf: {  	v41 =	vor.u32 v25, v41;
	v36 =	vor.u32 v29, v36;
	v26 =	vor.u32 v29, v26;
	v42 =	vld.idx.msk [tilespmem:v9+s23+$0x10 ss:$0x1], $0xffff  }
0xe0: {  	v24 =	vadd.s32 v6, v24;
	v30 =	vand.u32 $0x380, v30;
	v26 =	vor.u32 v3, v26;
	v43 =	vld.idx.msk [tilespmem:v9+s23+$0x110 ss:$0x1], $0xffff  }
0xe1: {  	v27 =	vand.u32 $0xFFFFF800, v27;
	v24 =	vor.u32 v25, v24;
	v34 =	vor.u32 v4, v34;
	v44 =	vld.idx.msk [tilespmem:v9+s23+$0x190 ss:$0x1], $0xffff  }
0xe2: {  	v45 =	vadd.s32 v5, v27;
	v46 =	vadd.s32 v7, v27;
	v47 =	vld.idx.msk [tilespmem:v9+s23+$0x130 ss:$0x1], $0xffff  }
0xe3: {  	v29 =	vor.u32 v29, v39;
	v39 =	vadd.s32 v8, v27;
	v48 =	vld.idx.msk [tilespmem:v9+s23+$0x1B0 ss:$0x1], $0xffff  }
0xe4: {  	v27 =	vadd.s32 v6, v27;
	v41 =	vor.u32 v1, v41;
	v45 =	vor.u32 v30, v45;
	v49 =	vld.idx.msk [tilespmem:v9+s23+$0x1A0 ss:$0x1], $0xffff;
	s23 =	smov.u32 s25  }
0xe5: {  	v11 =	vadd.s32 $0x3, v11;
	v39 =	vor.u32 v30, v39;
	[tilespmem:v19+s19+$0x0] =	vst.idx.add.f32.msk $0xffff, v40;
	v19 =	vor.u32 v25, v38  }
0xe6: {  	v33 =	vor.u32 v4, v33;
	v25 =	vor.u32 v30, v46;
	[tilespmem:v18+s19+$0x0] =	vst.idx.add.f32.msk $0xffff, v42;
	v18 =	vshll.u32 v11, $0x8  }
0xe7: {  	v24 =	vor.u32 v2, v24;
	v27 =	vor.u32 v30, v27;
	[tilespmem:v12+s19+$0x0] =	vst.idx.add.f32.msk $0xffff, v32;
	v12 =	vand.u32 $0xFFFFF800, v18  }
0xe8: {  	v30 =	vor.u32 v3, v19;
	v11 =	vshll.u32 v11, $0x7;
	[tilespmem:v13+s19+$0x0] =	vst.idx.add.f32.msk $0xffff, v31;
	v13 =	vadd.s32 v8, v12  }
0xe9: {  	v31 =	vand.u32 $0x380, v11;
	v11 =	vadd.s32 v6, v12;
	[tilespmem:v23+s19+$0x0] =	vst.idx.add.f32.msk $0xffff, v37;
	v23 =	vadd.s32 v5, v12  }
0xea: {  	v19 =	vor.u32 v1, v36;
	[tilespmem:v21+s19+$0x0] =	vst.idx.add.f32.msk $0xffff, v35;
	v21 =	vadd.s32 v7, v12;
	v12 =	vmov v26  }
0xeb: {  	v18 =	vor.u32 v2, v29;
	[tilespmem:v17+s19+$0x0] =	vst.idx.add.f32.msk $0xffff, v22;
	v17 =	vor.u32 v31, v13;
	v13 =	vmov v34  }
0xec: {  	[tilespmem:v15+s19+$0x0] =	vst.idx.add.f32.msk $0xffff, v16;
	v15 =	vor.u32 v31, v23;
	v16 =	vor.u32 v31, v11;
	v11 =	vmov v20  }
0xed: {  	[tilespmem:v41+s19+$0x0] =	vst.idx.add.f32.msk $0xffff, v14;
	v14 =	vor.u32 v1, v15;
	v15 =	vor.u32 v2, v16  }
0xee: {  	v16 =	vor.u32 v31, v21;
	[tilespmem:v24+s19+$0x0] =	vst.idx.add.f32.msk $0xffff, v43  }
0xef: {  	v17 =	vor.u32 v3, v17;
	v16 =	vor.u32 v4, v16;
	[tilespmem:v30+s19+$0x0] =	vst.idx.add.f32.msk $0xffff, v28  }
0xf0: {  	[tilespmem:v33+s19+$0x0] =	vst.idx.add.f32.msk $0xffff, v47;
	_ =	sdelay $0x1  }
0xf1: {  	[tilespmem:v14+s19+$0x0] =	vst.idx.add.f32.msk $0xffff, v10  }
0xf2: {  	[tilespmem:v15+s19+$0x0] =	vst.idx.add.f32.msk $0xffff, v44  }
0xf3: {  	[tilespmem:v17+s19+$0x0] =	vst.idx.add.f32.msk $0xffff, v49  }
.Ltmp6:
0xf4: {  	[tilespmem:v16+s19+$0x0] =	vst.idx.add.f32.msk $0xffff, v48;
	(pc) =	sbr.rel @p0 .LBB2_12-.Ltmp6, $4  }
0xf5: {  	v14 =	vld.idx.msk [tilespmem:v9+s23+$0x100 ss:$0x1], $0xffff  }
0xf6: {  	v15 =	vor.u32 v4, v25;
	v17 =	vor.u32 v3, v39;
	v10 =	vld.idx.msk [tilespmem:v9+s23+$0x180 ss:$0x1], $0xffff  }
0xf7: {  	v20 =	vadd.s32 $0x4, v20;
	v21 =	vor.u32 v2, v27;
	v25 =	vadd.s32 $0x2, v11;
	v16 =	vld.idx.msk [tilespmem:v9+s23+$0xB0 ss:$0x1], $0xffff  }
0xf8: {  	v23 =	vor.u32 v1, v45;
	v24 =	vshll.u32 v25, $0x8;
	v25 =	vshll.u32 v25, $0x7;
	v22 =	vld.idx.msk [tilespmem:v9+s23+$0xA0 ss:$0x1], $0xffff  }
0xf9: {  	_ =	sdelay $0x3  }
0xfa: {  	v20 =	vld.idx.msk [tilespmem:v9+s23+$0x120 ss:$0x1], $0xffff  }
0xfb: {  	v26 =	vld.idx.msk [tilespmem:v9+s23+$0x30 ss:$0x1], $0xffff  }
0xfc: {  	v27 =	vld.idx.msk [tilespmem:v9+s23+$0x20 ss:$0x1], $0xffff  }
0xfd: {  	v28 =	vld.idx.msk [tilespmem:v9+s23+$0x90 ss:$0x1], $0xffff  }
0xfe: {  	v29 =	vld.idx.msk [tilespmem:v9+s23+$0x80 ss:$0x1], $0xffff  }
0xff: {  	v30 =	vld.idx.msk [tilespmem:v9+s23+$0x0 ss:$0x1], $0xffff  }
0x100: {  	v31 =	vld.idx.msk [tilespmem:v9+s23+$0x10 ss:$0x1], $0xffff  }
0x101: {  	v32 =	vld.idx.msk [tilespmem:v9+s23+$0x110 ss:$0x1], $0xffff  }
0x102: {  	v33 =	vld.idx.msk [tilespmem:v9+s23+$0x190 ss:$0x1], $0xffff  }
0x103: {  	v34 =	vld.idx.msk [tilespmem:v9+s23+$0x130 ss:$0x1], $0xffff  }
0x104: {  	v24 =	vand.u32 $0xFFFFF800, v24;
	v25 =	vand.u32 $0x380, v25;
	v36 =	vld.idx.msk [tilespmem:v9+s23+$0x1B0 ss:$0x1], $0xffff  }
0x105: {  	v50 =	vld.idx.msk [tilespmem:v9+s23+$0x1A0 ss:$0x1], $0xffff;
	v35 =	vadd.s32 v7, v24;
	v37 =	vadd.s32 v8, v24;
	v38 =	vadd.s32 v5, v24  }
0x106: {  	v24 =	vadd.s32 v6, v24;
	v35 =	vor.u32 v25, v35;
	[tilespmem:v19+s19+$0x0] =	vst.idx.add.f32.msk $0xffff, v30  }
0x107: {  	v11 =	vadd.s32 $0x3, v11;
	v51 =	vor.u32 v25, v38;
	v24 =	vor.u32 v25, v24;
	[tilespmem:v18+s19+$0x0] =	vst.idx.add.f32.msk $0xffff, v31  }
0x108: {  	v54 =	vshll.u32 v11, $0x8;
	v53 =	vor.u32 v25, v37;
	v52 =	vor.u32 v1, v51;
	[tilespmem:v12+s19+$0x0] =	vst.idx.add.f32.msk $0xffff, v27  }
0x109: {  	v25 =	vand.u32 $0xFFFFF800, v54;
	v55 =	vor.u32 v4, v35;
	v24 =	vor.u32 v2, v24;
	[tilespmem:v13+s19+$0x0] =	vst.idx.add.f32.msk $0xffff, v26  }
0x10a: {  	v11 =	vshll.u32 v11, $0x7;
	v56 =	vor.u32 v3, v53;
	v57 =	vadd.s32 v8, v25;
	[tilespmem:v23+s19+$0x0] =	vst.idx.add.f32.msk $0xffff, v29  }
0x10b: {  	v11 =	vand.u32 $0x380, v11;
	v58 =	vadd.s32 v5, v25;
	v59 =	vadd.s32 v6, v25;
	[tilespmem:v21+s19+$0x0] =	vst.idx.add.f32.msk $0xffff, v28  }
0x10c: {  	v60 =	vadd.s32 v7, v25;
	v5 =	vor.u32 v11, v58;
	[tilespmem:v17+s19+$0x0] =	vst.idx.add.f32.msk $0xffff, v22  }
0x10d: {  	v6 =	vor.u32 v11, v59;
	v1 =	vor.u32 v1, v5;
	[tilespmem:v15+s19+$0x0] =	vst.idx.add.f32.msk $0xffff, v16  }
0x10e: {  	v61 =	vor.u32 v11, v57;
	v2 =	vor.u32 v2, v6;
	[tilespmem:v52+s19+$0x0] =	vst.idx.add.f32.msk $0xffff, v14  }
0x10f: {  	s22 =	sadd.s32 $0x1, s22;
	v62 =	vor.u32 v11, v60;
	v3 =	vor.u32 v3, v61;
	[tilespmem:v24+s19+$0x0] =	vst.idx.add.f32.msk $0xffff, v32  }
0x110: {  	p0 =	sne.s32 s22, s21;
	v63 =	vor.u32 v4, v62;
	[tilespmem:v56+s19+$0x0] =	vst.idx.add.f32.msk $0xffff, v20  }
.Ltmp7:
0x111: {  	[tilespmem:v55+s19+$0x0] =	vst.idx.add.f32.msk $0xffff, v34;
	(pc) =	sbr.rel @p0 .LBB2_11-.Ltmp7, $4  }
0x112: {  	[tilespmem:v1+s19+$0x0] =	vst.idx.add.f32.msk $0xffff, v10  }
0x113: {  	[tilespmem:v2+s19+$0x0] =	vst.idx.add.f32.msk $0xffff, v33  }
0x114: {  	[tilespmem:v3+s19+$0x0] =	vst.idx.add.f32.msk $0xffff, v50  }
0x115: {  	[tilespmem:v63+s19+$0x0] =	vst.idx.add.f32.msk $0xffff, v36  }
.LBB2_14:
0x116: {  	s21 =	sadd.s32 $0x1, s20;
	p0 =	seq.s32 s20, $0x13  }
0x117: {  	s22 =	sshll.u32 @!p0 s21, $0x5  }
0x118: {  	s23 =	smulhi.u32 @!p0 $0xCCCCCCCD, s21;
	s22 =	sor.u32 @!p0 s6, s22  }
0x119: {  	s24 =	smulhi.u32 @!p0 $0x66666667, s22  }
0x11a: {  	s25 =	sand.u32 @!p0 $0x1, s21  }
0x11b: {  	p1 =	seq.s32 @!p0 s20, $0x0;
	s26 =	sshrl.u32 @!p0 s23, $0x2;
	s24 =	sshrl.u32 @!p0 s24, $0x6  }
0x11c: {  	s23 =	sshrl.u32 @!p0 s23, $0x3;
	s26 =	sand.u32 @!p0 $0x1, s26;
	s24 =	smul.u32 @!p0 $0xA0, s24  }
0x11d: {  	p1 =	por p1, p0;
	s23 =	smul.u32 @!p0 $0xC80000, s23;
	p2 =	seq.s32 @!p0 s26, $0x1  }
0x11e: {  	s26 =	simm.s32 @!p0 $0x640000;
	p2 =	por !p2, p0;
	s22 =	ssub.s32 @!p0 s22, s24  }
0x11f: {  	s26 =	simm.s32 @p2 $0x0;
	s24 =	sadd.s32 @!p1 $0x3, s25;
	s22 =	smul.u32 @!p0 $0xA000, s22  }
0x120: {  	s23 =	sadd.s32 @!p0 s23, s26;
	s26 =	smul.u32 @!p0 $0x28000, s25;
	_ =	swait.ge @!p1 [sflag:s24], $0xA000  }
0x121: {  	[sflag:s24] =	ssyncset.done @!p1 $0x0;
	s22 =	sadd.s32 @!p0 s22, s23  }
0x122: {  	[sflag:s24] =	ssyncadd.s32 @!p1 $0xFFFF6000;
	s23 =	sshrl.u32 @!p0 s26, $0x2;
	s22 =	sshrl.u32 @!p0 s22, $0x3  }
0x123: {  	s24 =	sadd.s32 @!p0 $0x1, s25;
	s25 =	simm.s32 @!p0 $0x0;
	s22 =	sadd.s32 @!p0 s3, s22  }
0x124: {  	[tilespmem:s23], [sflag:s24] =	stream.linear.gather @!p0 [hbm4b:s22+s25], $0xA000, $0x38;
	[tilespmem:$0x1E100] =	vst v63  }
0x125: {  	s25 =	simm.s32 $0x0  }
0x126: {  	s26 =	sand.u32 $0xF800, s25  }
0x127: {  	s22 =	sand.u32 $0x300, s25;
	s23 =	sadd.s32 s26, s19  }
0x128: {  	s22 =	sadd.s32 s22, s23  }
0x129: {  	v1 =	vld [tilespmem:s22+$0x0]  }
0x12a: {  	v2 =	vld [tilespmem:s22+$0x10]  }
0x12b: {  	v3 =	vld [tilespmem:s22+$0x20]  }
0x12c: {  	v5 =	vld [tilespmem:s22+$0x40]  }
0x12d: {  	v6 =	vld [tilespmem:s22+$0x50]  }
0x12e: {  	v7 =	vld [tilespmem:s22+$0x60]  }
0x12f: {  	v8 =	vld [tilespmem:s22+$0x70]  }
0x130: {  	v9 =	vld [tilespmem:s22+$0x400];
	v1 =	vmul.f32 $5.000000000e-01, v1  }
0x131: {  	v4 =	vld [tilespmem:s22+$0x30];
	v2 =	vmul.f32 $5.000000000e-01, v2  }
0x132: {  	v3 =	vmul.f32 $5.000000000e-01, v3;
	[tilespmem:s22+$0x0] =	vst v1  }
0x133: {  	v7 =	vmul.f32 $5.000000000e-01, v7;
	[tilespmem:s22+$0x10] =	vst v2  }
0x134: {  	s28 =	sshll.u32 s20, $0x5;
	v8 =	vmul.f32 $5.000000000e-01, v8;
	v2 =	vmul.f32 $5.000000000e-01, v5;
	v5 =	vld [tilespmem:s22+$0x410];
	[tilespmem:s22+$0x20] =	vst v3  }
0x135: {  	s23 =	sor.u32 s6, s28;
	v9 =	vmul.f32 $5.000000000e-01, v9;
	v3 =	vmul.f32 $5.000000000e-01, v6;
	v6 =	vld [tilespmem:s22+$0x80];
	[tilespmem:s22+$0x60] =	vst v7  }
0x136: {  	s29 =	smulhi.u32 $0x66666667, s23;
	v10 =	vld [tilespmem:s22+$0x90];
	v1 =	vmul.f32 $5.000000000e-01, v4;
	[tilespmem:s22+$0x70] =	vst v8  }
0x137: {  	s30 =	smul.u32 $0xCD, s20;
	v4 =	vld [tilespmem:s22+$0xA0];
	[tilespmem:s22+$0x400] =	vst v9  }
0x138: {  	s24 =	sshrl.u32 s29, $0x6;
	[tilespmem:s22+$0x30] =	vst v1;
	v1 =	vld [tilespmem:s22+$0xB0]  }
0x139: {  	s25 =	sshrl.u32 s30, $0xA;
	s24 =	smul.u32 $0xA0, s24;
	[tilespmem:s22+$0x40] =	vst v2;
	v2 =	vld [tilespmem:s22+$0xC0];
	v11 =	vmul.f32 $5.000000000e-01, v5  }
0x13a: {  	s31 =	sand.u32 $0x1, s25;
	s25 =	simm.s32 $0x100;
	[tilespmem:s22+$0x50] =	vst v3;
	v3 =	vld [tilespmem:s22+$0xD0];
	v7 =	vmul.f32 $5.000000000e-01, v6  }
0x13b: {  	p0 =	seq.s32 s31, $0x1;
	s23 =	ssub.s32 s23, s24;
	s24 =	simm.s32 $0x200;
	v6 =	vmul.f32 $5.000000000e-01, v10;
	v5 =	vld [tilespmem:s22+$0xE0];
	[tilespmem:s22+$0x410] =	vst v11  }
.LBB2_15:
0x13c: {  	s26 =	sand.u32 $0xF800, s24;
	p1 =	sne.s32 s25, $0x4F00;
	v4 =	vmul.f32 $5.000000000e-01, v4;
	v8 =	vld [tilespmem:s22+$0xF0];
	[tilespmem:s22+$0x80] =	vst v7  }
0x13d: {  	s28 =	sand.u32 $0x300, s25;
	s26 =	sadd.s32 s26, s19;
	v1 =	vmul.f32 $5.000000000e-01, v1;
	v7 =	vld [tilespmem:s22+$0x480];
	[tilespmem:s22+$0x90] =	vst v6  }
0x13e: {  	s26 =	sadd.s32 s28, s26;
	v2 =	vmul.f32 $5.000000000e-01, v2;
	v6 =	vld [tilespmem:s22+$0x490];
	[tilespmem:s22+$0xA0] =	vst v4  }
0x13f: {  	v4 =	vld [tilespmem:s26+$0x0];
	v3 =	vmul.f32 $5.000000000e-01, v3;
	[tilespmem:s22+$0xB0] =	vst v1  }
0x140: {  	v1 =	vld [tilespmem:s26+$0x10];
	v5 =	vmul.f32 $5.000000000e-01, v5;
	[tilespmem:s22+$0xC0] =	vst v2  }
0x141: {  	v2 =	vld [tilespmem:s26+$0x20];
	v8 =	vmul.f32 $5.000000000e-01, v8;
	[tilespmem:s22+$0xD0] =	vst v3  }
0x142: {  	v3 =	vld [tilespmem:s26+$0x30];
	v7 =	vmul.f32 $5.000000000e-01, v7;
	[tilespmem:s22+$0xE0] =	vst v5  }
0x143: {  	v5 =	vld [tilespmem:s26+$0x40];
	v6 =	vmul.f32 $5.000000000e-01, v6;
	[tilespmem:s22+$0xF0] =	vst v8  }
0x144: {  	v4 =	vmul.f32 $5.000000000e-01, v4;
	v8 =	vld [tilespmem:s26+$0x50];
	[tilespmem:s22+$0x480] =	vst v7  }
0x145: {  	v1 =	vmul.f32 $5.000000000e-01, v1;
	v7 =	vld [tilespmem:s26+$0x60];
	[tilespmem:s22+$0x490] =	vst v6;
	s22 =	smov.u32 s26  }
0x146: {  	v2 =	vmul.f32 $5.000000000e-01, v2;
	v6 =	vld [tilespmem:s22+$0x70];
	[tilespmem:s22+$0x0] =	vst v4  }
0x147: {  	v3 =	vmul.f32 $5.000000000e-01, v3;
	v9 =	vld [tilespmem:s22+$0x400];
	[tilespmem:s22+$0x10] =	vst v1  }
0x148: {  	v1 =	vmul.f32 $5.000000000e-01, v5;
	v5 =	vld [tilespmem:s22+$0x410];
	[tilespmem:s22+$0x20] =	vst v2  }
0x149: {  	v2 =	vmul.f32 $5.000000000e-01, v8;
	v8 =	vld [tilespmem:s22+$0x80];
	[tilespmem:s22+$0x30] =	vst v3  }
0x14a: {  	v3 =	vmul.f32 $5.000000000e-01, v7;
	v10 =	vld [tilespmem:s22+$0x90];
	[tilespmem:s22+$0x40] =	vst v1  }
.Ltmp8:
0x14b: {  	v6 =	vmul.f32 $5.000000000e-01, v6;
	v4 =	vld [tilespmem:s22+$0xA0];
	[tilespmem:s22+$0x50] =	vst v2;
	(pc) =	sbr.rel @p1 .LBB2_15-.Ltmp8, $4  }
0x14c: {  	v9 =	vmul.f32 $5.000000000e-01, v9;
	v1 =	vld [tilespmem:s22+$0xB0];
	[tilespmem:s22+$0x60] =	vst v3  }
0x14d: {  	v11 =	vmul.f32 $5.000000000e-01, v5;
	v2 =	vld [tilespmem:s22+$0xC0];
	[tilespmem:s22+$0x70] =	vst v6  }
0x14e: {  	v7 =	vmul.f32 $5.000000000e-01, v8;
	v3 =	vld [tilespmem:s22+$0xD0];
	[tilespmem:s22+$0x400] =	vst v9  }
0x14f: {  	s24 =	sadd.s32 $0x200, s24;
	s25 =	sadd.s32 $0x100, s25;
	v6 =	vmul.f32 $5.000000000e-01, v10;
	v5 =	vld [tilespmem:s22+$0xE0];
	[tilespmem:s22+$0x410] =	vst v11  }
0x150: {  	v4 =	vmul.f32 $5.000000000e-01, v4;
	v8 =	vld [tilespmem:s22+$0xF0];
	[tilespmem:s22+$0x80] =	vst v7  }
0x151: {  	v62 =	vld [tilespmem:s22+$0x480];
	v1 =	vmul.f32 $5.000000000e-01, v1;
	[tilespmem:s22+$0x90] =	vst v6  }
0x152: {  	v63 =	vld [tilespmem:s22+$0x490];
	v2 =	vmul.f32 $5.000000000e-01, v2;
	[tilespmem:s22+$0xA0] =	vst v4  }
0x153: {  	v3 =	vmul.f32 $5.000000000e-01, v3;
	[tilespmem:s22+$0xB0] =	vst v1  }
0x154: {  	p1 =	sgt.u32 s20, $0x9;
	s20 =	simm.s32 $0xC80000;
	s24 =	simm.s32 $0x640000;
	v1 =	vmul.f32 $5.000000000e-01, v5;
	[tilespmem:s22+$0xC0] =	vst v2  }
0x155: {  	s23 =	smul.u32 $0xA000, s23;
	s20 =	simm.s32 @!p1 $0x0;
	s24 =	simm.s32 @!p0 $0x0;
	v2 =	vmul.f32 $5.000000000e-01, v8;
	[tilespmem:s22+$0xD0] =	vst v3  }
0x156: {  	p0 =	sne.s32 s21, $0x14;
	s20 =	sadd.s32 s20, s24;
	v3 =	vmul.f32 $5.000000000e-01, v62;
	[tilespmem:s22+$0xE0] =	vst v1  }
.Ltmp9:
0x157: {  	s20 =	sadd.s32 s23, s20;
	v1 =	vmul.f32 $5.000000000e-01, v63;
	[tilespmem:s22+$0xF0] =	vst v2;
	(pc) =	sbr.rel @p0 .LBB2_10-.Ltmp9, $4  }
0x158: {  	s20 =	sshrl.u32 s20, $0x3;
	[tilespmem:s22+$0x480] =	vst v3  }
0x159: {  	s18 =	sadd.s32 $0x3, s18;
	s20 =	sadd.s32 s4, s20;
	[tilespmem:s22+$0x490] =	vst v1  }
0x15a: {  	[hbm4b:s20+s5] =	stream.linear.scatter [tilespmem:s19], [sflag:s18], $0xA000, $0x38;
	[tilespmem:$0x1E100] =	vst v63  }
0x15b: {  	s20 =	smov.u32 s21  }
0x15c: {  	s16 =	sadd.s32 $0x1, s16  }
0x15d: {  	_ =	swait.ge [sflag:s14], $0xA000;
	p0 =	sne.s32 s16, s9  }
.Ltmp10:
0x15e: {  	[sflag:s14] =	ssyncset.done $0x0;
	(pc) =	sbr.rel @p0 .LBB2_1-.Ltmp10, $4  }
0x15f: {  	[sflag:s14] =	ssyncadd.s32 $0xFFFF6000  }
0x160: {  	_ =	swait.ge [sflag:s15], $0xA000  }
0x161: {  	[sflag:s15] =	ssyncset.done $0x0  }
0x162: {  	[sflag:s15] =	ssyncadd.s32 $0xFFFF6000  }
0x163: {  	_ =	sfence.sel $0x180000  }
0x164: {  	[bflag:$0x0] =	sbarrier.arrive $0xFFFF  }
0x165: {  	p0 =	sne.s32 s2, $0x0;
	_ =	strace $0x90000047  }
0x166: {  	s0 =	sadd.s32 @!p0 $0x100000, s0;
	[bflag:$0x2] =	sbarrier.arrive $0xFFFF  }
0x167: {  	[sflag:s0] =	ssyncadd.tile.s32 @!p0 $0x1;
	_ =	shalt  }
.Lfunc_end2:
_tile_overlayer_lowered:
.L_overlay_start_2:
0x168: {  	(tag) =	ssettag $0x2  }
0x169: {  	s0 =	rddreg [dreg:$0x0];
	s2 =	stileid.u32  }
0x16a: {  	s1 =	rddreg [dreg:$0x1];
	p0 =	sne.s32 s2, $0x0  }
0x16b: {  	s3 =	rddreg [dreg:$0x2];
	[bflag:$0x3] =	sbarrier.arrive $0xFFFF;
	s2 =	simm.s32 @!p0 $0x1C0A  }
0x16c: {  	[timem:s3], [sflag:s2] =	dma.local @!p0 [hbm:s0], s1  }
0x16d: {  	s0 =	simm.s32 @!p0 $0xA  }
0x16e: {  	_ =	swait.ge @!p0 [sflag:s0], s1  }
0x16f: {  	s1 =	ssub.s32 @!p0 $0x0, s1;
	[sflag:s0] =	ssyncset.done @!p0 $0x0  }
0x170: {  	[sflag:s0] =	ssyncadd.s32 @!p0 s1  }
0x171: {  	[bflag:$0x3] =	sbarrier.arrive $0xFFFF  }
0x172: {  	_ =	shalt  }

</sc_bundles>
